<compile_context>
chip_gen: v7x
topology: tpu7x:2x2x1
jax: 0.10.2.dev20260603
libtpu: 0.0.44.dev20260713+nightly
codegen_flags: <defaults>
</compile_context>

<pallas_src>
import functools

import jax
import jax.numpy as jnp
from jax import lax
from jax.experimental import pallas as pl
from jax.experimental.pallas import tpu as pltpu
from jax.experimental.pallas import tpu_sc as plsc

_N = 10000
_NPAD = 10112
_B = 64
_ZROWS = 64
_CAPR = 192


def _sc_compact(erows, nc, ns):
    nw = nc * ns
    ert = erows // nw
    ept = ert * 128
    ng = -(-ert // _B)
    mesh = plsc.VectorSubcoreMesh(core_axis_name="c", subcore_axis_name="s")

    def body(src_hbm, dst_hbm, et_hbm,
             c2s_hbm, c2d_hbm, c3s_hbm, c3d_hbm, cn2_hbm, cn3_hbm,
             eidx, tbuf, sbuf, dbuf, l2s, l2d, l3s, l3d, cbuf, sem):
        cid = lax.axis_index("c")
        sid = lax.axis_index("s")
        wid = cid * ns + sid

        for k in range(ng * 4):
            q = k * 16 + lax.iota(jnp.int32, 16)
            v = jnp.where(q < ert, wid * ert + q, wid * ert)
            eidx[k // 4, pl.ds((k % 4) * 16, 16)] = v
        for g in range(ng):
            pltpu.async_copy(et_hbm.at[eidx.at[g]],
                             tbuf.at[pl.ds(g * _B, _B)], sem).wait()
            pltpu.async_copy(src_hbm.at[eidx.at[g]],
                             sbuf.at[pl.ds(g * _B, _B)], sem).wait()
            pltpu.async_copy(dst_hbm.at[eidx.at[g]],
                             dbuf.at[pl.ds(g * _B, _B)], sem).wait()

        def cbody(i, c):
            cnt2, cnt3 = c
            r = i // 8
            j = (i % 8) * 16
            t16 = tbuf[r, pl.ds(j, 16)]
            s16 = sbuf[r, pl.ds(j, 16)]
            d16 = dbuf[r, pl.ds(j, 16)]
            outs = []
            for rel, cnt, ls_, ld_ in ((2, cnt2, l2s, l2d),
                                       (3, cnt3, l3s, l3d)):
                m = t16 == rel
                wi = jnp.where(m, jnp.int32(1), jnp.int32(0))
                pos = plsc.cumsum(wi)
                idx = cnt + pos - 1
                ridx = lax.shift_right_arithmetic(idx, 6)
                cidx = lax.bitwise_and(idx, _B - 1)
                plsc.store_scatter(ls_, [ridx, cidx], s16, mask=m)
                plsc.store_scatter(ld_, [ridx, cidx], d16, mask=m)
                outs.append(cnt + pos[15])
            return tuple(outs)

        cnt2, cnt3 = lax.fori_loop(0, ept // 16, cbody,
                                   (jnp.int32(0), jnp.int32(0)))

        for cnt, ls_, ld_ in ((cnt2, l2s, l2d), (cnt3, l3s, l3d)):
            for j in range(_B // 16):
                idx = cnt + j * 16 + lax.iota(jnp.int32, 16)
                ridx = lax.shift_right_arithmetic(idx, 6)
                cidx = lax.bitwise_and(idx, _B - 1)
                plsc.store_scatter(ls_, [ridx, cidx],
                                   jnp.zeros((16,), jnp.int32),
                                   mask=jnp.full((16,), True))
                plsc.store_scatter(ld_, [ridx, cidx],
                                   jnp.full((16,), _N, jnp.int32),
                                   mask=jnp.full((16,), True))

        for cnt, cn_hbm in ((cnt2, cn2_hbm), (cnt3, cn3_hbm)):
            cbuf[pl.ds(0, 16)] = cnt + jnp.zeros((16,), jnp.int32)
            pltpu.sync_copy(cbuf, cn_hbm.at[wid])

        row0 = wid * _CAPR
        pltpu.sync_copy(l2s, c2s_hbm.at[pl.ds(row0, _CAPR)])
        pltpu.sync_copy(l2d, c2d_hbm.at[pl.ds(row0, _CAPR)])
        pltpu.sync_copy(l3s, c3s_hbm.at[pl.ds(row0, _CAPR)])
        pltpu.sync_copy(l3d, c3d_hbm.at[pl.ds(row0, _CAPR)])

    ltype = jax.ShapeDtypeStruct((nw * _CAPR, _B), jnp.int32)
    ctype = jax.ShapeDtypeStruct((nw, 16), jnp.int32)
    return pl.kernel(
        body,
        out_type=[ltype, ltype, ltype, ltype, ctype, ctype],
        mesh=mesh,
        compiler_params=pltpu.CompilerParams(
            needs_layout_passes=False, use_tc_tiling_on_sc=False),
        scratch_types=[
            pltpu.VMEM((ng, _B), jnp.int32),
            pltpu.VMEM((ng * _B, 128), jnp.int32),
            pltpu.VMEM((ng * _B, 128), jnp.int32),
            pltpu.VMEM((ng * _B, 128), jnp.int32),
            pltpu.VMEM((_CAPR, _B), jnp.int32),
            pltpu.VMEM((_CAPR, _B), jnp.int32),
            pltpu.VMEM((_CAPR, _B), jnp.int32),
            pltpu.VMEM((_CAPR, _B), jnp.int32),
            pltpu.VMEM((16,), jnp.int32),
            pltpu.SemaphoreType.DMA,
        ],
    )


def _sc_pass(n_pad, d, nc, ns):
    nw = nc * ns
    rows_pt = n_pad // ns
    mesh = plsc.VectorSubcoreMesh(core_axis_name="c", subcore_axis_name="s")

    def body(h_hbm, cls_hbm, cld_hbm, cnt_hbm, out_hbm,
             lidx, sbuf, dbuf, cbuf, rows_a, rows_b, zbuf, acc,
             sem, sem_a, sem_b):
        cid = lax.axis_index("c")
        sid = lax.axis_index("s")
        wid = cid * ns + sid
        row0 = sid * rows_pt

        for k in range((_CAPR // _B) * 4):
            lidx[k // 4, pl.ds((k % 4) * 16, 16)] = (
                wid * _CAPR + k * 16 + lax.iota(jnp.int32, 16))
        stage = []
        for g in range(_CAPR // _B):
            stage.append(pltpu.async_copy(
                cls_hbm.at[lidx.at[g]], sbuf.at[pl.ds(g * _B, _B)], sem))
            stage.append(pltpu.async_copy(
                cld_hbm.at[lidx.at[g]], dbuf.at[pl.ds(g * _B, _B)], sem))

        def zfill(r, carry):
            for j in range(d // 16):
                zbuf[r, pl.ds(j * 16, 16)] = jnp.zeros((16,), jnp.float32)
            return carry
        lax.fori_loop(0, _ZROWS, zfill, 0)
        for t in range(rows_pt // _ZROWS):
            pltpu.sync_copy(zbuf, acc.at[pl.ds(row0 + t * _ZROWS, _ZROWS)])
        zrem = rows_pt % _ZROWS
        if zrem:
            pltpu.sync_copy(
                zbuf.at[pl.ds(0, zrem)],
                acc.at[pl.ds(row0 + rows_pt - zrem, zrem)])

        for c in stage:
            c.wait()
        pltpu.sync_copy(cnt_hbm.at[wid], cbuf)
        cnt = cbuf[pl.ds(0, 16)][0]

        plsc.subcore_barrier()

        nb = (cnt + (_B - 1)) // _B

        def gs(i, carry):
            pltpu.async_copy(h_hbm.at[sbuf.at[i]], rows_a, sem_a).wait()
            pltpu.sync_copy(rows_a, acc.at[dbuf.at[i]], add=True)
            return carry

        lax.fori_loop(0, nb, gs, 0)

        plsc.subcore_barrier()

        pltpu.sync_copy(acc.at[pl.ds(row0, rows_pt)],
                        out_hbm.at[cid, pl.ds(row0, rows_pt)])

    return pl.kernel(
        body,
        out_type=jax.ShapeDtypeStruct((nc, n_pad, d), jnp.float32),
        mesh=mesh,
        compiler_params=pltpu.CompilerParams(
            needs_layout_passes=False, use_tc_tiling_on_sc=False),
        scratch_types=[
            pltpu.VMEM((_CAPR // _B, _B), jnp.int32),
            pltpu.VMEM((_CAPR, _B), jnp.int32),
            pltpu.VMEM((_CAPR, _B), jnp.int32),
            pltpu.VMEM((16,), jnp.int32),
            pltpu.VMEM((_B, d), jnp.float32),
            pltpu.VMEM((_B, d), jnp.float32),
            pltpu.VMEM((_ZROWS, d), jnp.float32),
            pltpu.VMEM_SHARED((n_pad, d), jnp.float32),
            pltpu.SemaphoreType.DMA,
            pltpu.SemaphoreType.DMA,
            pltpu.SemaphoreType.DMA,
        ],
    )


def _bcast(shape):
    return pl.BlockSpec(shape, lambda i: tuple(0 for _ in shape))


_R = 2000


def _tc1(x, w1, b1, w2, b2, w3, b3, lw0, lb0, lw1, lb1):
    n, d_in = x.shape
    hd = w1.shape[1]
    d2 = w3.shape[1]

    def body(x_r, w1_r, b1_r, w2_r, b2_r, w3_r, b3_r, lw0_r, lb0_r, lw1_r,
             lb1_r, h_r, hw0_r):
        h = jnp.maximum(
            jnp.dot(x_r[...], w1_r[...], preferred_element_type=jnp.float32)
            + b1_r[...], 0.0)
        h = jnp.maximum(
            jnp.dot(h, w2_r[...], preferred_element_type=jnp.float32)
            + b2_r[...], 0.0)
        h = (jnp.dot(h, w3_r[...], preferred_element_type=jnp.float32)
             + b3_r[...])
        h_r[...] = h
        hw0_r[...] = (jnp.dot(h, lw0_r[...] + lw1_r[...],
                              preferred_element_type=jnp.float32)
                      + lb0_r[...] + lb1_r[...])

    return pl.pallas_call(
        body,
        grid=(n // _R,),
        in_specs=[
            pl.BlockSpec((_R, d_in), lambda i: (i, 0)),
            _bcast((d_in, hd)), _bcast((1, hd)),
            _bcast((hd, hd)), _bcast((1, hd)),
            _bcast((hd, d2)), _bcast((1, d2)),
            _bcast((d2, hd)), _bcast((1, hd)),
            _bcast((d2, hd)), _bcast((1, hd)),
        ],
        out_specs=[
            pl.BlockSpec((_R, d2), lambda i: (i, 0)),
            pl.BlockSpec((_R, hd), lambda i: (i, 0)),
        ],
        out_shape=[
            jax.ShapeDtypeStruct((n, d2), jnp.float32),
            jax.ShapeDtypeStruct((n, hd), jnp.float32),
        ],
    )(x, w1, b1, w2, b2, w3, b3, lw0, lb0, lw1, lb1)


def _tc2(p0, hw0, wl, bl, w0, b0, w1, b1):
    nc, n_pad, d2 = p0.shape
    n, hd = hw0.shape

    def body(p_r, hw0_r, wl_r, bl_r, w0_r, b0_r, w1_r, b1_r, emb_r, e1w_r):
        aggr = p_r[0] + p_r[1]
        emb = jnp.maximum(
            jnp.dot(aggr, wl_r[...], preferred_element_type=jnp.float32)
            + bl_r[...] + hw0_r[...], 0.0)
        emb_r[...] = emb
        e1w_r[...] = (jnp.dot(emb, w0_r[...] + w1_r[...],
                              preferred_element_type=jnp.float32)
                      + b0_r[...] + b1_r[...])

    return pl.pallas_call(
        body,
        grid=(n // _R,),
        in_specs=[
            pl.BlockSpec((nc, _R, d2), lambda i: (0, i, 0)),
            pl.BlockSpec((_R, hd), lambda i: (i, 0)),
            _bcast((d2, hd)), _bcast((1, hd)),
            _bcast((hd, hd)), _bcast((1, hd)),
            _bcast((hd, hd)), _bcast((1, hd)),
        ],
        out_specs=[
            pl.BlockSpec((_R, hd), lambda i: (i, 0)),
            pl.BlockSpec((_R, hd), lambda i: (i, 0)),
        ],
        out_shape=[
            jax.ShapeDtypeStruct((n, hd), jnp.float32),
            jax.ShapeDtypeStruct((n, hd), jnp.float32),
        ],
    )(p0, hw0, wl, bl, w0, b0, w1, b1)


def _tc3(p1, e1w, wl, bl, fc1_w, fc1_b, fc2_w, fc2_b):
    nc, n_pad, hd = p1.shape
    n = e1w.shape[0]
    d_out = fc2_w.shape[1]

    def body(p_r, e1w_r, wl_r, bl_r, fc1w_r, fc1b_r, fc2w_r, fc2b_r, o_r):
        aggr = p_r[0] + p_r[1]
        emb = jnp.maximum(
            jnp.dot(aggr, wl_r[...], preferred_element_type=jnp.float32)
            + bl_r[...] + e1w_r[...], 0.0)
        fc1c = fc1w_r[0:hd, :] + fc1w_r[hd:2 * hd, :]
        t = jnp.maximum(
            jnp.dot(emb, fc1c, preferred_element_type=jnp.float32)
            + fc1b_r[...], 0.0)
        o = (jnp.dot(t, fc2w_r[...], preferred_element_type=jnp.float32)
             + fc2b_r[...])
        m = jnp.max(o, axis=1, keepdims=True)
        z = o - m
        o_r[...] = z - jnp.log(jnp.sum(jnp.exp(z), axis=1, keepdims=True))

    return pl.pallas_call(
        body,
        grid=(n // _R,),
        in_specs=[
            pl.BlockSpec((nc, _R, hd), lambda i: (0, i, 0)),
            pl.BlockSpec((_R, hd), lambda i: (i, 0)),
            _bcast((hd, hd)), _bcast((1, hd)),
            _bcast((2 * hd, hd)), _bcast((1, hd)),
            _bcast((hd, d_out)), _bcast((1, d_out)),
        ],
        out_specs=pl.BlockSpec((_R, d_out), lambda i: (i, 0)),
        out_shape=jax.ShapeDtypeStruct((n, d_out), jnp.float32),
    )(p1, e1w, wl, bl, fc1_w, fc1_b, fc2_w, fc2_b)


def kernel(x, edge_index, edge_type,
           mlp_w1, mlp_b1, mlp_w2, mlp_b2, mlp_w3, mlp_b3,
           l0_w0, l0_b0, l0_wl, l0_bl, l0_w1, l0_b1,
           l1_w0, l1_b0, l1_wl, l1_bl, l1_w1, l1_b1,
           fc1_w, fc1_b, fc2_w, fc2_b):
    e = edge_type.shape[0]
    info = plsc.get_sparse_core_info()
    nc, ns = info.num_cores, info.num_subcores
    nw = nc * ns

    erows = -(-e // (128 * nw)) * nw
    epad = erows * 128 - e
    se = jnp.pad(edge_index[1], (0, epad)).reshape(erows, 128)
    de = jnp.pad(edge_index[0], (0, epad)).reshape(erows, 128)
    te = jnp.pad(edge_type, (0, epad),
                 constant_values=-1).reshape(erows, 128)

    r2 = lambda b: b.reshape(1, -1)

    cl2s, cl2d, cl3s, cl3d, cn2, cn3 = _sc_compact(erows, nc, ns)(se, de, te)
    h, hw0 = _tc1(x, mlp_w1, r2(mlp_b1), mlp_w2, r2(mlp_b2),
                  mlp_w3, r2(mlp_b3), l0_w0, r2(l0_b0), l0_w1, r2(l0_b1))

    p0 = _sc_pass(_NPAD, h.shape[1], nc, ns)(h, cl2s, cl2d, cn2)
    emb1, e1w = _tc2(p0, hw0, l0_wl, r2(l0_bl),
                     l1_w0, r2(l1_b0), l1_w1, r2(l1_b1))
    p1 = _sc_pass(_NPAD, emb1.shape[1], nc, ns)(emb1, cl3s, cl3d, cn3)
    return _tc3(p1, e1w, l1_wl, r2(l1_bl), fc1_w, r2(fc1_b),
                fc2_w, r2(fc2_b))

# --- scband reference (transcript-rebuilt; emitter-appended) ---
"""Pipeline reference for scband-meta-path-gnn-1675037245544 (READ-ONLY COPY).

The authoritative reference and input builder live on the scoring server;
editing this copy changes nothing except your own understanding.
"""

import jax, jax.numpy as jnp
import numpy as np

N = 10000
E = 320000
D_IN = 128
H = 64
D_OUT = 16
NUM_REL = 4
METAPATH_LIST = [[0, 1], [2, 3]]
LAST_METATREE = METAPATH_LIST[-1]
M = len(METAPATH_LIST)


def _glorot(key, shape):
    fan_in, fan_out = shape[0], shape[1]
    lim = float(np.sqrt(6.0 / (fan_in + fan_out)))
    return jax.random.uniform(key, shape, dtype=jnp.float32, minval=-lim, maxval=lim)


def setup_inputs(seed: int = 0) -> dict:
    key = jax.random.key(seed)
    ks = jax.random.split(key, 32)
    inp = {}
    inp["x"] = jax.random.normal(ks[0], (N, D_IN), dtype=jnp.float32)
    inp["edge_index"] = jax.random.randint(ks[1], (2, E), 0, N, dtype=jnp.int32)
    inp["edge_type"] = jax.random.randint(ks[2], (E,), 0, NUM_REL, dtype=jnp.int32)
    # MLP(in=D_IN, hidden=H, out=2H, num_layers=3)
    inp["mlp_w1"] = _glorot(ks[3], (D_IN, H)); inp["mlp_b1"] = jnp.zeros((H,), jnp.float32)
    inp["mlp_w2"] = _glorot(ks[4], (H, H)); inp["mlp_b2"] = jnp.zeros((H,), jnp.float32)
    inp["mlp_w3"] = _glorot(ks[5], (H, 2 * H)); inp["mlp_b3"] = jnp.zeros((2 * H,), jnp.float32)
    # Layer 0 (relation LAST_METATREE[0]): in=2H, out=H
    inp["l0_w0"] = _glorot(ks[6], (2 * H, H)); inp["l0_b0"] = jnp.zeros((H,), jnp.float32)
    inp["l0_wl"] = _glorot(ks[7], (2 * H, H)); inp["l0_bl"] = jnp.zeros((H,), jnp.float32)
    inp["l0_w1"] = _glorot(ks[8], (2 * H, H)); inp["l0_b1"] = jnp.zeros((H,), jnp.float32)
    # Layer 1 (relation LAST_METATREE[1]): in=H, out=H
    inp["l1_w0"] = _glorot(ks[9], (H, H)); inp["l1_b0"] = jnp.zeros((H,), jnp.float32)
    inp["l1_wl"] = _glorot(ks[10], (H, H)); inp["l1_bl"] = jnp.zeros((H,), jnp.float32)
    inp["l1_w1"] = _glorot(ks[11], (H, H)); inp["l1_b1"] = jnp.zeros((H,), jnp.float32)
    # Heads
    inp["fc1_w"] = _glorot(ks[12], (H * M, H)); inp["fc1_b"] = jnp.zeros((H,), jnp.float32)
    inp["fc2_w"] = _glorot(ks[13], (H, D_OUT)); inp["fc2_b"] = jnp.zeros((D_OUT,), jnp.float32)
    return inp


def _linear(x, w, b):
    return x @ w + b


def _metapath_layer(x, h, edge_index, edge_type, rel, w0, b0, wl, bl, w1, b1):
    # PyG MessagePassing(aggr='add', flow='target_to_source'):
    # gather from edge_index[1], scatter-add to edge_index[0],
    # restricted to edges with edge_type == rel.
    mask = (edge_type == rel).astype(h.dtype)
    msg = jnp.take(h, edge_index[1], axis=0) * mask[:, None]
    aggr = jnp.zeros((x.shape[0], h.shape[1]), h.dtype).at[edge_index[0]].add(msg)
    neig_info = _linear(aggr, wl, bl)          # update(): w_l
    skipp_conn = _linear(x, w1, b1)            # w_1(x)
    node_hl = _linear(h, w0, b0)               # w_0(h)
    return neig_info + skipp_conn + node_hl


def reference(x, edge_index, edge_type,
              mlp_w1, mlp_b1, mlp_w2, mlp_b2, mlp_w3, mlp_b3,
              l0_w0, l0_b0, l0_wl, l0_bl, l0_w1, l0_b1,
              l1_w0, l1_b0, l1_wl, l1_bl, l1_w1, l1_b1,
              fc1_w, fc1_b, fc2_w, fc2_b):
    h = jax.nn.relu(_linear(x, mlp_w1, mlp_b1))
    h = jax.nn.relu(_linear(h, mlp_w2, mlp_b2))
    h = _linear(h, mlp_w3, mlp_b3)  # [N, 2H]
    embeddings = []
    # NOTE: in the torch code self.gnn_layers is overwritten per metatree,
    # so only the LAST metatree's layers exist; the loop reuses them M times.
    for _ in range(M):
        emb = h
        emb = jax.nn.relu(_metapath_layer(emb, emb, edge_index, edge_type,
                                          LAST_METATREE[0], l0_w0, l0_b0, l0_wl, l0_bl, l0_w1, l0_b1))
        # dropout p=0.5 is identity in eval mode
        emb = jax.nn.relu(_metapath_layer(emb, emb, edge_index, edge_type,
                                          LAST_METATREE[1], l1_w0, l1_b0, l1_wl, l1_bl, l1_w1, l1_b1))
        embeddings.append(emb)
    cat = jnp.concatenate(embeddings, axis=1)  # [N, H*M]
    out = jax.nn.relu(_linear(cat, fc1_w, fc1_b))
    out = _linear(out, fc2_w, fc2_b)
    return jax.nn.log_softmax(out, axis=1)

if __name__ == "__main__":
    import jax
    _d = setup_inputs()
    print(jax.jit(kernel)(*tuple(_d.values())))

</pallas_src>

<mosaic_0001>
#map = affine_map<(d0, d1) -> (0, 0)>
#map1 = affine_map<(d0, d1) -> (0, 0, 0)>
module attributes {stable_mosaic.version = 14 : i64} {
  func.func @body(%arg0: i32, %arg1: i32, %arg2: memref<10000x64xf32, #tpu.memory_space<hbm>>, %arg3: memref<6144x64xi32, #tpu.memory_space<hbm>>, %arg4: memref<6144x64xi32, #tpu.memory_space<hbm>>, %arg5: memref<32x16xi32, #tpu.memory_space<hbm>>, %arg6: memref<2x10112x64xf32, #tpu.memory_space<hbm>>, %arg7: memref<3x64xi32, #tpu.memory_space<vmem>>, %arg8: memref<192x64xi32, #tpu.memory_space<vmem>>, %arg9: memref<192x64xi32, #tpu.memory_space<vmem>>, %arg10: memref<16xi32, #tpu.memory_space<vmem>>, %arg11: memref<64x64xf32, #tpu.memory_space<vmem>>, %arg12: memref<64x64xf32, #tpu.memory_space<vmem>>, %arg13: memref<64x64xf32, #tpu.memory_space<vmem>>, %arg14: memref<10112x64xf32, #tpu.memory_space<vmem_shared>>, %arg15: memref<!tpu.dma_semaphore, #tpu.memory_space<semaphore_mem>>, %arg16: memref<!tpu.dma_semaphore, #tpu.memory_space<semaphore_mem>>, %arg17: memref<!tpu.dma_semaphore, #tpu.memory_space<semaphore_mem>>) attributes {dimension_semantics = [#tpu.dimension_semantics<core_parallel>, #tpu.dimension_semantics<subcore_parallel>], iteration_bounds = array<i64: 2, 16>, scalar_prefetch = 0 : i64, scratch_operands = 11 : i64, tpu.core_type = #tpu.core_type<sc_vector_subcore>, window_params = [{transform_indices = #map}, {transform_indices = #map}, {transform_indices = #map}, {transform_indices = #map}, {transform_indices = #map1}]} {
    %mul3A = arith.constant 16 : i32
    %mul3A_0 = arith.muli %arg0, %mul3A : i32
    %add3A = arith.addi %mul3A_0, %arg1 : i32
    %mul3A_1 = arith.constant 632 : i32
    %mul3A_2 = arith.muli %arg1, %mul3A_1 : i32
    %mul3A_3 = arith.constant 192 : i32
    %mul3A_4 = arith.muli %add3A, %mul3A_3 : i32
    %add3A_5 = arith.constant 0 : i32
    %add3A_6 = arith.addi %mul3A_4, %add3A_5 : i32
    %iota3A = tpu.iota {dimensions = array<i32: 0>} : vector<16xi32>
    %add3A_7 = vector.broadcast %add3A_6 : i32 to vector<16xi32>
    %add3A_8 = arith.addi %add3A_7, %iota3A : vector<16xi32>
    %swap3A = arith.constant 0 : i32
    %swap3A_9 = arith.index_cast %swap3A : i32 to index
    %swap3A_10 = arith.constant 0 : index
    %swap3A_11 = tpu.vector_load %arg7[%swap3A_9, %swap3A_10] {strides = array<i32>} : memref<3x64xi32, #tpu.memory_space<vmem>>, vector<16xi32>,
    tpu.vector_store %arg7[%swap3A_9, %swap3A_10], %add3A_8 {strides = array<i32>} : memref<3x64xi32, #tpu.memory_space<vmem>>, vector<16xi32>,
    %mul3A_12 = arith.constant 192 : i32
    %mul3A_13 = arith.muli %add3A, %mul3A_12 : i32
    %add3A_14 = arith.constant 16 : i32
    %add3A_15 = arith.addi %mul3A_13, %add3A_14 : i32
    %iota3A_16 = tpu.iota {dimensions = array<i32: 0>} : vector<16xi32>
    %add3A_17 = vector.broadcast %add3A_15 : i32 to vector<16xi32>
    %add3A_18 = arith.addi %add3A_17, %iota3A_16 : vector<16xi32>
    %swap3A_19 = arith.constant 0 : i32
    %swap3A_20 = arith.index_cast %swap3A_19 : i32 to index
    %swap3A_21 = arith.constant 16 : index
    %swap3A_22 = tpu.vector_load %arg7[%swap3A_20, %swap3A_21] {strides = array<i32>} : memref<3x64xi32, #tpu.memory_space<vmem>>, vector<16xi32>,
    tpu.vector_store %arg7[%swap3A_20, %swap3A_21], %add3A_18 {strides = array<i32>} : memref<3x64xi32, #tpu.memory_space<vmem>>, vector<16xi32>,
    %mul3A_23 = arith.constant 192 : i32
    %mul3A_24 = arith.muli %add3A, %mul3A_23 : i32
    %add3A_25 = arith.constant 32 : i32
    %add3A_26 = arith.addi %mul3A_24, %add3A_25 : i32
    %iota3A_27 = tpu.iota {dimensions = array<i32: 0>} : vector<16xi32>
    %add3A_28 = vector.broadcast %add3A_26 : i32 to vector<16xi32>
    %add3A_29 = arith.addi %add3A_28, %iota3A_27 : vector<16xi32>
    %swap3A_30 = arith.constant 0 : i32
    %swap3A_31 = arith.index_cast %swap3A_30 : i32 to index
    %swap3A_32 = arith.constant 32 : index
    %swap3A_33 = tpu.vector_load %arg7[%swap3A_31, %swap3A_32] {strides = array<i32>} : memref<3x64xi32, #tpu.memory_space<vmem>>, vector<16xi32>,
    tpu.vector_store %arg7[%swap3A_31, %swap3A_32], %add3A_29 {strides = array<i32>} : memref<3x64xi32, #tpu.memory_space<vmem>>, vector<16xi32>,
    %mul3A_34 = arith.constant 192 : i32
    %mul3A_35 = arith.muli %add3A, %mul3A_34 : i32
    %add3A_36 = arith.constant 48 : i32
    %add3A_37 = arith.addi %mul3A_35, %add3A_36 : i32
    %iota3A_38 = tpu.iota {dimensions = array<i32: 0>} : vector<16xi32>
    %add3A_39 = vector.broadcast %add3A_37 : i32 to vector<16xi32>
    %add3A_40 = arith.addi %add3A_39, %iota3A_38 : vector<16xi32>
    %swap3A_41 = arith.constant 0 : i32
    %swap3A_42 = arith.index_cast %swap3A_41 : i32 to index
    %swap3A_43 = arith.constant 48 : index
    %swap3A_44 = tpu.vector_load %arg7[%swap3A_42, %swap3A_43] {strides = array<i32>} : memref<3x64xi32, #tpu.memory_space<vmem>>, vector<16xi32>,
    tpu.vector_store %arg7[%swap3A_42, %swap3A_43], %add3A_40 {strides = array<i32>} : memref<3x64xi32, #tpu.memory_space<vmem>>, vector<16xi32>,
    %mul3A_45 = arith.constant 192 : i32
    %mul3A_46 = arith.muli %add3A, %mul3A_45 : i32
    %add3A_47 = arith.constant 64 : i32
    %add3A_48 = arith.addi %mul3A_46, %add3A_47 : i32
    %iota3A_49 = tpu.iota {dimensions = array<i32: 0>} : vector<16xi32>
    %add3A_50 = vector.broadcast %add3A_48 : i32 to vector<16xi32>
    %add3A_51 = arith.addi %add3A_50, %iota3A_49 : vector<16xi32>
    %swap3A_52 = arith.constant 1 : i32
    %swap3A_53 = arith.index_cast %swap3A_52 : i32 to index
    %swap3A_54 = arith.constant 0 : index
    %swap3A_55 = tpu.vector_load %arg7[%swap3A_53, %swap3A_54] {strides = array<i32>} : memref<3x64xi32, #tpu.memory_space<vmem>>, vector<16xi32>,
    tpu.vector_store %arg7[%swap3A_53, %swap3A_54], %add3A_51 {strides = array<i32>} : memref<3x64xi32, #tpu.memory_space<vmem>>, vector<16xi32>,
    %mul3A_56 = arith.constant 192 : i32
    %mul3A_57 = arith.muli %add3A, %mul3A_56 : i32
    %add3A_58 = arith.constant 80 : i32
    %add3A_59 = arith.addi %mul3A_57, %add3A_58 : i32
    %iota3A_60 = tpu.iota {dimensions = array<i32: 0>} : vector<16xi32>
    %add3A_61 = vector.broadcast %add3A_59 : i32 to vector<16xi32>
    %add3A_62 = arith.addi %add3A_61, %iota3A_60 : vector<16xi32>
    %swap3A_63 = arith.constant 1 : i32
    %swap3A_64 = arith.index_cast %swap3A_63 : i32 to index
    %swap3A_65 = arith.constant 16 : index
    %swap3A_66 = tpu.vector_load %arg7[%swap3A_64, %swap3A_65] {strides = array<i32>} : memref<3x64xi32, #tpu.memory_space<vmem>>, vector<16xi32>,
    tpu.vector_store %arg7[%swap3A_64, %swap3A_65], %add3A_62 {strides = array<i32>} : memref<3x64xi32, #tpu.memory_space<vmem>>, vector<16xi32>,
    %mul3A_67 = arith.constant 192 : i32
    %mul3A_68 = arith.muli %add3A, %mul3A_67 : i32
    %add3A_69 = arith.constant 96 : i32
    %add3A_70 = arith.addi %mul3A_68, %add3A_69 : i32
    %iota3A_71 = tpu.iota {dimensions = array<i32: 0>} : vector<16xi32>
    %add3A_72 = vector.broadcast %add3A_70 : i32 to vector<16xi32>
    %add3A_73 = arith.addi %add3A_72, %iota3A_71 : vector<16xi32>
    %swap3A_74 = arith.constant 1 : i32
    %swap3A_75 = arith.index_cast %swap3A_74 : i32 to index
    %swap3A_76 = arith.constant 32 : index
    %swap3A_77 = tpu.vector_load %arg7[%swap3A_75, %swap3A_76] {strides = array<i32>} : memref<3x64xi32, #tpu.memory_space<vmem>>, vector<16xi32>,
    tpu.vector_store %arg7[%swap3A_75, %swap3A_76], %add3A_73 {strides = array<i32>} : memref<3x64xi32, #tpu.memory_space<vmem>>, vector<16xi32>,
    %mul3A_78 = arith.constant 192 : i32
    %mul3A_79 = arith.muli %add3A, %mul3A_78 : i32
    %add3A_80 = arith.constant 112 : i32
    %add3A_81 = arith.addi %mul3A_79, %add3A_80 : i32
    %iota3A_82 = tpu.iota {dimensions = array<i32: 0>} : vector<16xi32>
    %add3A_83 = vector.broadcast %add3A_81 : i32 to vector<16xi32>
    %add3A_84 = arith.addi %add3A_83, %iota3A_82 : vector<16xi32>
    %swap3A_85 = arith.constant 1 : i32
    %swap3A_86 = arith.index_cast %swap3A_85 : i32 to index
    %swap3A_87 = arith.constant 48 : index
    %swap3A_88 = tpu.vector_load %arg7[%swap3A_86, %swap3A_87] {strides = array<i32>} : memref<3x64xi32, #tpu.memory_space<vmem>>, vector<16xi32>,
    tpu.vector_store %arg7[%swap3A_86, %swap3A_87], %add3A_84 {strides = array<i32>} : memref<3x64xi32, #tpu.memory_space<vmem>>, vector<16xi32>,
    %mul3A_89 = arith.constant 192 : i32
    %mul3A_90 = arith.muli %add3A, %mul3A_89 : i32
    %add3A_91 = arith.constant 128 : i32
    %add3A_92 = arith.addi %mul3A_90, %add3A_91 : i32
    %iota3A_93 = tpu.iota {dimensions = array<i32: 0>} : vector<16xi32>
    %add3A_94 = vector.broadcast %add3A_92 : i32 to vector<16xi32>
    %add3A_95 = arith.addi %add3A_94, %iota3A_93 : vector<16xi32>
    %swap3A_96 = arith.constant 2 : i32
    %swap3A_97 = arith.index_cast %swap3A_96 : i32 to index
    %swap3A_98 = arith.constant 0 : index
    %swap3A_99 = tpu.vector_load %arg7[%swap3A_97, %swap3A_98] {strides = array<i32>} : memref<3x64xi32, #tpu.memory_space<vmem>>, vector<16xi32>,
    tpu.vector_store %arg7[%swap3A_97, %swap3A_98], %add3A_95 {strides = array<i32>} : memref<3x64xi32, #tpu.memory_space<vmem>>, vector<16xi32>,
    %mul3A_100 = arith.constant 192 : i32
    %mul3A_101 = arith.muli %add3A, %mul3A_100 : i32
    %add3A_102 = arith.constant 144 : i32
    %add3A_103 = arith.addi %mul3A_101, %add3A_102 : i32
    %iota3A_104 = tpu.iota {dimensions = array<i32: 0>} : vector<16xi32>
    %add3A_105 = vector.broadcast %add3A_103 : i32 to vector<16xi32>
    %add3A_106 = arith.addi %add3A_105, %iota3A_104 : vector<16xi32>
    %swap3A_107 = arith.constant 2 : i32
    %swap3A_108 = arith.index_cast %swap3A_107 : i32 to index
    %swap3A_109 = arith.constant 16 : index
    %swap3A_110 = tpu.vector_load %arg7[%swap3A_108, %swap3A_109] {strides = array<i32>} : memref<3x64xi32, #tpu.memory_space<vmem>>, vector<16xi32>,
    tpu.vector_store %arg7[%swap3A_108, %swap3A_109], %add3A_106 {strides = array<i32>} : memref<3x64xi32, #tpu.memory_space<vmem>>, vector<16xi32>,
    %mul3A_111 = arith.constant 192 : i32
    %mul3A_112 = arith.muli %add3A, %mul3A_111 : i32
    %add3A_113 = arith.constant 160 : i32
    %add3A_114 = arith.addi %mul3A_112, %add3A_113 : i32
    %iota3A_115 = tpu.iota {dimensions = array<i32: 0>} : vector<16xi32>
    %add3A_116 = vector.broadcast %add3A_114 : i32 to vector<16xi32>
    %add3A_117 = arith.addi %add3A_116, %iota3A_115 : vector<16xi32>
    %swap3A_118 = arith.constant 2 : i32
    %swap3A_119 = arith.index_cast %swap3A_118 : i32 to index
    %swap3A_120 = arith.constant 32 : index
    %swap3A_121 = tpu.vector_load %arg7[%swap3A_119, %swap3A_120] {strides = array<i32>} : memref<3x64xi32, #tpu.memory_space<vmem>>, vector<16xi32>,
    tpu.vector_store %arg7[%swap3A_119, %swap3A_120], %add3A_117 {strides = array<i32>} : memref<3x64xi32, #tpu.memory_space<vmem>>, vector<16xi32>,
    %mul3A_122 = arith.constant 192 : i32
    %mul3A_123 = arith.muli %add3A, %mul3A_122 : i32
    %add3A_124 = arith.constant 176 : i32
    %add3A_125 = arith.addi %mul3A_123, %add3A_124 : i32
    %iota3A_126 = tpu.iota {dimensions = array<i32: 0>} : vector<16xi32>
    %add3A_127 = vector.broadcast %add3A_125 : i32 to vector<16xi32>
    %add3A_128 = arith.addi %add3A_127, %iota3A_126 : vector<16xi32>
    %swap3A_129 = arith.constant 2 : i32
    %swap3A_130 = arith.index_cast %swap3A_129 : i32 to index
    %swap3A_131 = arith.constant 48 : index
    %swap3A_132 = tpu.vector_load %arg7[%swap3A_130, %swap3A_131] {strides = array<i32>} : memref<3x64xi32, #tpu.memory_space<vmem>>, vector<16xi32>,
    tpu.vector_store %arg7[%swap3A_130, %swap3A_131], %add3A_128 {strides = array<i32>} : memref<3x64xi32, #tpu.memory_space<vmem>>, vector<16xi32>,
    %dma_start3A = arith.constant 0 : i32
    %dma_start3A_133 = arith.constant 0 : i32
    %dma_start3A_134 = arith.constant 0 : i32
    %dma_start3A_135 = tpu.memref_slice %arg8[%dma_start3A_133, %dma_start3A_134] : memref<192x64xi32, #tpu.memory_space<vmem>> -> memref<64x64xi32, #tpu.memory_space<vmem>>
    %dma_start3A_136 = arith.constant 0 : i32
    %dma_start3A_137 = tpu.memref_slice %arg7[%dma_start3A, %dma_start3A_136] : memref<3x64xi32, #tpu.memory_space<vmem>> -> memref<1x64xi32, #tpu.memory_space<vmem>>
    %dma_start3A_138 = tpu.memref_squeeze %dma_start3A_137 : memref<1x64xi32, #tpu.memory_space<vmem>> -> memref<64xi32, #tpu.memory_space<vmem>>
    %dma_start3A_139 = arith.constant 0 : i32
    %dma_start3A_140 = arith.constant 0 : i32
    %dma_start3A_141 = tpu.memref_slice %arg3[%dma_start3A_139, %dma_start3A_140] : memref<6144x64xi32, #tpu.memory_space<hbm>> -> memref<6144x64xi32, #tpu.memory_space<hbm>>
    tpu.enqueue_indirect_dma source(%dma_start3A_141 : memref<6144x64xi32, #tpu.memory_space<hbm>>) target(%dma_start3A_135 : memref<64x64xi32, #tpu.memory_space<vmem>>) offsets(%dma_start3A_138 : memref<64xi32, #tpu.memory_space<vmem>>) semaphore(%arg15 : memref<!tpu.dma_semaphore, #tpu.memory_space<semaphore_mem>>)
    %dma_start3A_142 = arith.constant 0 : i32
    %dma_start3A_143 = arith.constant 0 : i32
    %dma_start3A_144 = arith.constant 0 : i32
    %dma_start3A_145 = tpu.memref_slice %arg9[%dma_start3A_143, %dma_start3A_144] : memref<192x64xi32, #tpu.memory_space<vmem>> -> memref<64x64xi32, #tpu.memory_space<vmem>>
    %dma_start3A_146 = arith.constant 0 : i32
    %dma_start3A_147 = tpu.memref_slice %arg7[%dma_start3A_142, %dma_start3A_146] : memref<3x64xi32, #tpu.memory_space<vmem>> -> memref<1x64xi32, #tpu.memory_space<vmem>>
    %dma_start3A_148 = tpu.memref_squeeze %dma_start3A_147 : memref<1x64xi32, #tpu.memory_space<vmem>> -> memref<64xi32, #tpu.memory_space<vmem>>
    %dma_start3A_149 = arith.constant 0 : i32
    %dma_start3A_150 = arith.constant 0 : i32
    %dma_start3A_151 = tpu.memref_slice %arg4[%dma_start3A_149, %dma_start3A_150] : memref<6144x64xi32, #tpu.memory_space<hbm>> -> memref<6144x64xi32, #tpu.memory_space<hbm>>
    tpu.enqueue_indirect_dma source(%dma_start3A_151 : memref<6144x64xi32, #tpu.memory_space<hbm>>) target(%dma_start3A_145 : memref<64x64xi32, #tpu.memory_space<vmem>>) offsets(%dma_start3A_148 : memref<64xi32, #tpu.memory_space<vmem>>) semaphore(%arg15 : memref<!tpu.dma_semaphore, #tpu.memory_space<semaphore_mem>>)
    %dma_start3A_152 = arith.constant 1 : i32
    %dma_start3A_153 = arith.constant 64 : i32
    %dma_start3A_154 = arith.constant 0 : i32
    %dma_start3A_155 = tpu.memref_slice %arg8[%dma_start3A_153, %dma_start3A_154] : memref<192x64xi32, #tpu.memory_space<vmem>> -> memref<64x64xi32, #tpu.memory_space<vmem>>
    %dma_start3A_156 = arith.constant 0 : i32
    %dma_start3A_157 = tpu.memref_slice %arg7[%dma_start3A_152, %dma_start3A_156] : memref<3x64xi32, #tpu.memory_space<vmem>> -> memref<1x64xi32, #tpu.memory_space<vmem>>
    %dma_start3A_158 = tpu.memref_squeeze %dma_start3A_157 : memref<1x64xi32, #tpu.memory_space<vmem>> -> memref<64xi32, #tpu.memory_space<vmem>>
    %dma_start3A_159 = arith.constant 0 : i32
    %dma_start3A_160 = arith.constant 0 : i32
    %dma_start3A_161 = tpu.memref_slice %arg3[%dma_start3A_159, %dma_start3A_160] : memref<6144x64xi32, #tpu.memory_space<hbm>> -> memref<6144x64xi32, #tpu.memory_space<hbm>>
    tpu.enqueue_indirect_dma source(%dma_start3A_161 : memref<6144x64xi32, #tpu.memory_space<hbm>>) target(%dma_start3A_155 : memref<64x64xi32, #tpu.memory_space<vmem>>) offsets(%dma_start3A_158 : memref<64xi32, #tpu.memory_space<vmem>>) semaphore(%arg15 : memref<!tpu.dma_semaphore, #tpu.memory_space<semaphore_mem>>)
    %dma_start3A_162 = arith.constant 1 : i32
    %dma_start3A_163 = arith.constant 64 : i32
    %dma_start3A_164 = arith.constant 0 : i32
    %dma_start3A_165 = tpu.memref_slice %arg9[%dma_start3A_163, %dma_start3A_164] : memref<192x64xi32, #tpu.memory_space<vmem>> -> memref<64x64xi32, #tpu.memory_space<vmem>>
    %dma_start3A_166 = arith.constant 0 : i32
    %dma_start3A_167 = tpu.memref_slice %arg7[%dma_start3A_162, %dma_start3A_166] : memref<3x64xi32, #tpu.memory_space<vmem>> -> memref<1x64xi32, #tpu.memory_space<vmem>>
    %dma_start3A_168 = tpu.memref_squeeze %dma_start3A_167 : memref<1x64xi32, #tpu.memory_space<vmem>> -> memref<64xi32, #tpu.memory_space<vmem>>
    %dma_start3A_169 = arith.constant 0 : i32
    %dma_start3A_170 = arith.constant 0 : i32
    %dma_start3A_171 = tpu.memref_slice %arg4[%dma_start3A_169, %dma_start3A_170] : memref<6144x64xi32, #tpu.memory_space<hbm>> -> memref<6144x64xi32, #tpu.memory_space<hbm>>
    tpu.enqueue_indirect_dma source(%dma_start3A_171 : memref<6144x64xi32, #tpu.memory_space<hbm>>) target(%dma_start3A_165 : memref<64x64xi32, #tpu.memory_space<vmem>>) offsets(%dma_start3A_168 : memref<64xi32, #tpu.memory_space<vmem>>) semaphore(%arg15 : memref<!tpu.dma_semaphore, #tpu.memory_space<semaphore_mem>>)
    %dma_start3A_172 = arith.constant 2 : i32
    %dma_start3A_173 = arith.constant 128 : i32
    %dma_start3A_174 = arith.constant 0 : i32
    %dma_start3A_175 = tpu.memref_slice %arg8[%dma_start3A_173, %dma_start3A_174] : memref<192x64xi32, #tpu.memory_space<vmem>> -> memref<64x64xi32, #tpu.memory_space<vmem>>
    %dma_start3A_176 = arith.constant 0 : i32
    %dma_start3A_177 = tpu.memref_slice %arg7[%dma_start3A_172, %dma_start3A_176] : memref<3x64xi32, #tpu.memory_space<vmem>> -> memref<1x64xi32, #tpu.memory_space<vmem>>
    %dma_start3A_178 = tpu.memref_squeeze %dma_start3A_177 : memref<1x64xi32, #tpu.memory_space<vmem>> -> memref<64xi32, #tpu.memory_space<vmem>>
    %dma_start3A_179 = arith.constant 0 : i32
    %dma_start3A_180 = arith.constant 0 : i32
    %dma_start3A_181 = tpu.memref_slice %arg3[%dma_start3A_179, %dma_start3A_180] : memref<6144x64xi32, #tpu.memory_space<hbm>> -> memref<6144x64xi32, #tpu.memory_space<hbm>>
    tpu.enqueue_indirect_dma source(%dma_start3A_181 : memref<6144x64xi32, #tpu.memory_space<hbm>>) target(%dma_start3A_175 : memref<64x64xi32, #tpu.memory_space<vmem>>) offsets(%dma_start3A_178 : memref<64xi32, #tpu.memory_space<vmem>>) semaphore(%arg15 : memref<!tpu.dma_semaphore, #tpu.memory_space<semaphore_mem>>)
    %dma_start3A_182 = arith.constant 2 : i32
    %dma_start3A_183 = arith.constant 128 : i32
    %dma_start3A_184 = arith.constant 0 : i32
    %dma_start3A_185 = tpu.memref_slice %arg9[%dma_start3A_183, %dma_start3A_184] : memref<192x64xi32, #tpu.memory_space<vmem>> -> memref<64x64xi32, #tpu.memory_space<vmem>>
    %dma_start3A_186 = arith.constant 0 : i32
    %dma_start3A_187 = tpu.memref_slice %arg7[%dma_start3A_182, %dma_start3A_186] : memref<3x64xi32, #tpu.memory_space<vmem>> -> memref<1x64xi32, #tpu.memory_space<vmem>>
    %dma_start3A_188 = tpu.memref_squeeze %dma_start3A_187 : memref<1x64xi32, #tpu.memory_space<vmem>> -> memref<64xi32, #tpu.memory_space<vmem>>
    %dma_start3A_189 = arith.constant 0 : i32
    %dma_start3A_190 = arith.constant 0 : i32
    %dma_start3A_191 = tpu.memref_slice %arg4[%dma_start3A_189, %dma_start3A_190] : memref<6144x64xi32, #tpu.memory_space<hbm>> -> memref<6144x64xi32, #tpu.memory_space<hbm>>
    tpu.enqueue_indirect_dma source(%dma_start3A_191 : memref<6144x64xi32, #tpu.memory_space<hbm>>) target(%dma_start3A_185 : memref<64x64xi32, #tpu.memory_space<vmem>>) offsets(%dma_start3A_188 : memref<64xi32, #tpu.memory_space<vmem>>) semaphore(%arg15 : memref<!tpu.dma_semaphore, #tpu.memory_space<semaphore_mem>>)
    %scan3A = arith.constant 0 : i32
    %scan3A_192 = arith.constant 0 : i32
    %scan3A_193 = arith.constant 64 : i32
    %scan3A_194 = arith.addi %scan3A_192, %scan3A_193 : i32
    %scan3A_195 = arith.constant 1 : i32
    scf.for %scan3A_307 = %scan3A_192 to %scan3A_194 step %scan3A_195  : i32 {
      %broadcast_in_dim3A = arith.constant 0.000000e+00 : f32
      %broadcast_in_dim3A_308 = vector.broadcast %broadcast_in_dim3A : f32 to vector<16xf32>
      %swap3A_309 = arith.index_cast %scan3A_307 : i32 to index
      %swap3A_310 = arith.constant 0 : index
      %swap3A_311 = tpu.vector_load %arg13[%swap3A_309, %swap3A_310] {strides = array<i32>} : memref<64x64xf32, #tpu.memory_space<vmem>>, vector<16xf32>,
      tpu.vector_store %arg13[%swap3A_309, %swap3A_310], %broadcast_in_dim3A_308 {strides = array<i32>} : memref<64x64xf32, #tpu.memory_space<vmem>>, vector<16xf32>,
      %broadcast_in_dim3A_312 = arith.constant 0.000000e+00 : f32
      %broadcast_in_dim3A_313 = vector.broadcast %broadcast_in_dim3A_312 : f32 to vector<16xf32>
      %swap3A_314 = arith.index_cast %scan3A_307 : i32 to index
      %swap3A_315 = arith.constant 16 : index
      %swap3A_316 = tpu.vector_load %arg13[%swap3A_314, %swap3A_315] {strides = array<i32>} : memref<64x64xf32, #tpu.memory_space<vmem>>, vector<16xf32>,
      tpu.vector_store %arg13[%swap3A_314, %swap3A_315], %broadcast_in_dim3A_313 {strides = array<i32>} : memref<64x64xf32, #tpu.memory_space<vmem>>, vector<16xf32>,
      %broadcast_in_dim3A_317 = arith.constant 0.000000e+00 : f32
      %broadcast_in_dim3A_318 = vector.broadcast %broadcast_in_dim3A_317 : f32 to vector<16xf32>
      %swap3A_319 = arith.index_cast %scan3A_307 : i32 to index
      %swap3A_320 = arith.constant 32 : index
      %swap3A_321 = tpu.vector_load %arg13[%swap3A_319, %swap3A_320] {strides = array<i32>} : memref<64x64xf32, #tpu.memory_space<vmem>>, vector<16xf32>,
      tpu.vector_store %arg13[%swap3A_319, %swap3A_320], %broadcast_in_dim3A_318 {strides = array<i32>} : memref<64x64xf32, #tpu.memory_space<vmem>>, vector<16xf32>,
      %broadcast_in_dim3A_322 = arith.constant 0.000000e+00 : f32
      %broadcast_in_dim3A_323 = vector.broadcast %broadcast_in_dim3A_322 : f32 to vector<16xf32>
      %swap3A_324 = arith.index_cast %scan3A_307 : i32 to index
      %swap3A_325 = arith.constant 48 : index
      %swap3A_326 = tpu.vector_load %arg13[%swap3A_324, %swap3A_325] {strides = array<i32>} : memref<64x64xf32, #tpu.memory_space<vmem>>, vector<16xf32>,
      tpu.vector_store %arg13[%swap3A_324, %swap3A_325], %broadcast_in_dim3A_323 {strides = array<i32>} : memref<64x64xf32, #tpu.memory_space<vmem>>, vector<16xf32>,
    }
    %scan3A_196 = arith.constant 64 : i32
    %add3A_197 = arith.constant 0 : i32
    %add3A_198 = arith.addi %mul3A_2, %add3A_197 : i32
    "tpu.region"() ({
      %run_scoped3A = tpu.sem_alloc : memref<!tpu.dma_semaphore, #tpu.memory_space<semaphore_mem>>
      %dma_start3A_307 = arith.constant 0 : i32
      %dma_start3A_308 = tpu.memref_slice %arg14[%add3A_198, %dma_start3A_307] : memref<10112x64xf32, #tpu.memory_space<vmem_shared>> -> memref<64x64xf32, #tpu.memory_space<vmem_shared>>
      %dma_start3A_309 = arith.constant 0 : i32
      %dma_start3A_310 = tpu.memref_slice %arg14[%add3A_198, %dma_start3A_309] : memref<10112x64xf32, #tpu.memory_space<vmem_shared>> -> memref<64x64xf32, #tpu.memory_space<vmem_shared>>
      tpu.enqueue_dma source(%arg13 : memref<64x64xf32, #tpu.memory_space<vmem>>) target(%dma_start3A_310 : memref<64x64xf32, #tpu.memory_space<vmem_shared>>) target_semaphore(%run_scoped3A : memref<!tpu.dma_semaphore, #tpu.memory_space<semaphore_mem>>)
      %dma_wait3A_311 = arith.constant 0 : i32
      %dma_wait3A_312 = tpu.memref_slice %arg14[%add3A_198, %dma_wait3A_311] : memref<10112x64xf32, #tpu.memory_space<vmem_shared>> -> memref<64x64xf32, #tpu.memory_space<vmem_shared>>
      %dma_wait3A_313 = arith.constant 0 : i32
      %dma_wait3A_314 = tpu.memref_slice %arg14[%add3A_198, %dma_wait3A_313] : memref<10112x64xf32, #tpu.memory_space<vmem_shared>> -> memref<64x64xf32, #tpu.memory_space<vmem_shared>>
      tpu.wait_dma2 semaphore(%run_scoped3A : memref<!tpu.dma_semaphore, #tpu.memory_space<semaphore_mem>>) src(%arg13 : memref<64x64xf32, #tpu.memory_space<vmem>>) dst(%dma_wait3A_314 : memref<64x64xf32, #tpu.memory_space<vmem_shared>>)
      tpu.yield
    }) : () -> ()
    %add3A_199 = arith.constant 64 : i32
    %add3A_200 = arith.addi %mul3A_2, %add3A_199 : i32
    "tpu.region"() ({
      %run_scoped3A = tpu.sem_alloc : memref<!tpu.dma_semaphore, #tpu.memory_space<semaphore_mem>>
      %dma_start3A_307 = arith.constant 0 : i32
      %dma_start3A_308 = tpu.memref_slice %arg14[%add3A_200, %dma_start3A_307] : memref<10112x64xf32, #tpu.memory_space<vmem_shared>> -> memref<64x64xf32, #tpu.memory_space<vmem_shared>>
      %dma_start3A_309 = arith.constant 0 : i32
      %dma_start3A_310 = tpu.memref_slice %arg14[%add3A_200, %dma_start3A_309] : memref<10112x64xf32, #tpu.memory_space<vmem_shared>> -> memref<64x64xf32, #tpu.memory_space<vmem_shared>>
      tpu.enqueue_dma source(%arg13 : memref<64x64xf32, #tpu.memory_space<vmem>>) target(%dma_start3A_310 : memref<64x64xf32, #tpu.memory_space<vmem_shared>>) target_semaphore(%run_scoped3A : memref<!tpu.dma_semaphore, #tpu.memory_space<semaphore_mem>>)
      %dma_wait3A_311 = arith.constant 0 : i32
      %dma_wait3A_312 = tpu.memref_slice %arg14[%add3A_200, %dma_wait3A_311] : memref<10112x64xf32, #tpu.memory_space<vmem_shared>> -> memref<64x64xf32, #tpu.memory_space<vmem_shared>>
      %dma_wait3A_313 = arith.constant 0 : i32
      %dma_wait3A_314 = tpu.memref_slice %arg14[%add3A_200, %dma_wait3A_313] : memref<10112x64xf32, #tpu.memory_space<vmem_shared>> -> memref<64x64xf32, #tpu.memory_space<vmem_shared>>
      tpu.wait_dma2 semaphore(%run_scoped3A : memref<!tpu.dma_semaphore, #tpu.memory_space<semaphore_mem>>) src(%arg13 : memref<64x64xf32, #tpu.memory_space<vmem>>) dst(%dma_wait3A_314 : memref<64x64xf32, #tpu.memory_space<vmem_shared>>)
      tpu.yield
    }) : () -> ()
    %add3A_201 = arith.constant 128 : i32
    %add3A_202 = arith.addi %mul3A_2, %add3A_201 : i32
    "tpu.region"() ({
      %run_scoped3A = tpu.sem_alloc : memref<!tpu.dma_semaphore, #tpu.memory_space<semaphore_mem>>
      %dma_start3A_307 = arith.constant 0 : i32
      %dma_start3A_308 = tpu.memref_slice %arg14[%add3A_202, %dma_start3A_307] : memref<10112x64xf32, #tpu.memory_space<vmem_shared>> -> memref<64x64xf32, #tpu.memory_space<vmem_shared>>
      %dma_start3A_309 = arith.constant 0 : i32
      %dma_start3A_310 = tpu.memref_slice %arg14[%add3A_202, %dma_start3A_309] : memref<10112x64xf32, #tpu.memory_space<vmem_shared>> -> memref<64x64xf32, #tpu.memory_space<vmem_shared>>
      tpu.enqueue_dma source(%arg13 : memref<64x64xf32, #tpu.memory_space<vmem>>) target(%dma_start3A_310 : memref<64x64xf32, #tpu.memory_space<vmem_shared>>) target_semaphore(%run_scoped3A : memref<!tpu.dma_semaphore, #tpu.memory_space<semaphore_mem>>)
      %dma_wait3A_311 = arith.constant 0 : i32
      %dma_wait3A_312 = tpu.memref_slice %arg14[%add3A_202, %dma_wait3A_311] : memref<10112x64xf32, #tpu.memory_space<vmem_shared>> -> memref<64x64xf32, #tpu.memory_space<vmem_shared>>
      %dma_wait3A_313 = arith.constant 0 : i32
      %dma_wait3A_314 = tpu.memref_slice %arg14[%add3A_202, %dma_wait3A_313] : memref<10112x64xf32, #tpu.memory_space<vmem_shared>> -> memref<64x64xf32, #tpu.memory_space<vmem_shared>>
      tpu.wait_dma2 semaphore(%run_scoped3A : memref<!tpu.dma_semaphore, #tpu.memory_space<semaphore_mem>>) src(%arg13 : memref<64x64xf32, #tpu.memory_space<vmem>>) dst(%dma_wait3A_314 : memref<64x64xf32, #tpu.memory_space<vmem_shared>>)
      tpu.yield
    }) : () -> ()
    %add3A_203 = arith.constant 192 : i32
    %add3A_204 = arith.addi %mul3A_2, %add3A_203 : i32
    "tpu.region"() ({
      %run_scoped3A = tpu.sem_alloc : memref<!tpu.dma_semaphore, #tpu.memory_space<semaphore_mem>>
      %dma_start3A_307 = arith.constant 0 : i32
      %dma_start3A_308 = tpu.memref_slice %arg14[%add3A_204, %dma_start3A_307] : memref<10112x64xf32, #tpu.memory_space<vmem_shared>> -> memref<64x64xf32, #tpu.memory_space<vmem_shared>>
      %dma_start3A_309 = arith.constant 0 : i32
      %dma_start3A_310 = tpu.memref_slice %arg14[%add3A_204, %dma_start3A_309] : memref<10112x64xf32, #tpu.memory_space<vmem_shared>> -> memref<64x64xf32, #tpu.memory_space<vmem_shared>>
      tpu.enqueue_dma source(%arg13 : memref<64x64xf32, #tpu.memory_space<vmem>>) target(%dma_start3A_310 : memref<64x64xf32, #tpu.memory_space<vmem_shared>>) target_semaphore(%run_scoped3A : memref<!tpu.dma_semaphore, #tpu.memory_space<semaphore_mem>>)
      %dma_wait3A_311 = arith.constant 0 : i32
      %dma_wait3A_312 = tpu.memref_slice %arg14[%add3A_204, %dma_wait3A_311] : memref<10112x64xf32, #tpu.memory_space<vmem_shared>> -> memref<64x64xf32, #tpu.memory_space<vmem_shared>>
      %dma_wait3A_313 = arith.constant 0 : i32
      %dma_wait3A_314 = tpu.memref_slice %arg14[%add3A_204, %dma_wait3A_313] : memref<10112x64xf32, #tpu.memory_space<vmem_shared>> -> memref<64x64xf32, #tpu.memory_space<vmem_shared>>
      tpu.wait_dma2 semaphore(%run_scoped3A : memref<!tpu.dma_semaphore, #tpu.memory_space<semaphore_mem>>) src(%arg13 : memref<64x64xf32, #tpu.memory_space<vmem>>) dst(%dma_wait3A_314 : memref<64x64xf32, #tpu.memory_space<vmem_shared>>)
      tpu.yield
    }) : () -> ()
    %add3A_205 = arith.constant 256 : i32
    %add3A_206 = arith.addi %mul3A_2, %add3A_205 : i32
    "tpu.region"() ({
      %run_scoped3A = tpu.sem_alloc : memref<!tpu.dma_semaphore, #tpu.memory_space<semaphore_mem>>
      %dma_start3A_307 = arith.constant 0 : i32
      %dma_start3A_308 = tpu.memref_slice %arg14[%add3A_206, %dma_start3A_307] : memref<10112x64xf32, #tpu.memory_space<vmem_shared>> -> memref<64x64xf32, #tpu.memory_space<vmem_shared>>
      %dma_start3A_309 = arith.constant 0 : i32
      %dma_start3A_310 = tpu.memref_slice %arg14[%add3A_206, %dma_start3A_309] : memref<10112x64xf32, #tpu.memory_space<vmem_shared>> -> memref<64x64xf32, #tpu.memory_space<vmem_shared>>
      tpu.enqueue_dma source(%arg13 : memref<64x64xf32, #tpu.memory_space<vmem>>) target(%dma_start3A_310 : memref<64x64xf32, #tpu.memory_space<vmem_shared>>) target_semaphore(%run_scoped3A : memref<!tpu.dma_semaphore, #tpu.memory_space<semaphore_mem>>)
      %dma_wait3A_311 = arith.constant 0 : i32
      %dma_wait3A_312 = tpu.memref_slice %arg14[%add3A_206, %dma_wait3A_311] : memref<10112x64xf32, #tpu.memory_space<vmem_shared>> -> memref<64x64xf32, #tpu.memory_space<vmem_shared>>
      %dma_wait3A_313 = arith.constant 0 : i32
      %dma_wait3A_314 = tpu.memref_slice %arg14[%add3A_206, %dma_wait3A_313] : memref<10112x64xf32, #tpu.memory_space<vmem_shared>> -> memref<64x64xf32, #tpu.memory_space<vmem_shared>>
      tpu.wait_dma2 semaphore(%run_scoped3A : memref<!tpu.dma_semaphore, #tpu.memory_space<semaphore_mem>>) src(%arg13 : memref<64x64xf32, #tpu.memory_space<vmem>>) dst(%dma_wait3A_314 : memref<64x64xf32, #tpu.memory_space<vmem_shared>>)
      tpu.yield
    }) : () -> ()
    %add3A_207 = arith.constant 320 : i32
    %add3A_208 = arith.addi %mul3A_2, %add3A_207 : i32
    "tpu.region"() ({
      %run_scoped3A = tpu.sem_alloc : memref<!tpu.dma_semaphore, #tpu.memory_space<semaphore_mem>>
      %dma_start3A_307 = arith.constant 0 : i32
      %dma_start3A_308 = tpu.memref_slice %arg14[%add3A_208, %dma_start3A_307] : memref<10112x64xf32, #tpu.memory_space<vmem_shared>> -> memref<64x64xf32, #tpu.memory_space<vmem_shared>>
      %dma_start3A_309 = arith.constant 0 : i32
      %dma_start3A_310 = tpu.memref_slice %arg14[%add3A_208, %dma_start3A_309] : memref<10112x64xf32, #tpu.memory_space<vmem_shared>> -> memref<64x64xf32, #tpu.memory_space<vmem_shared>>
      tpu.enqueue_dma source(%arg13 : memref<64x64xf32, #tpu.memory_space<vmem>>) target(%dma_start3A_310 : memref<64x64xf32, #tpu.memory_space<vmem_shared>>) target_semaphore(%run_scoped3A : memref<!tpu.dma_semaphore, #tpu.memory_space<semaphore_mem>>)
      %dma_wait3A_311 = arith.constant 0 : i32
      %dma_wait3A_312 = tpu.memref_slice %arg14[%add3A_208, %dma_wait3A_311] : memref<10112x64xf32, #tpu.memory_space<vmem_shared>> -> memref<64x64xf32, #tpu.memory_space<vmem_shared>>
      %dma_wait3A_313 = arith.constant 0 : i32
      %dma_wait3A_314 = tpu.memref_slice %arg14[%add3A_208, %dma_wait3A_313] : memref<10112x64xf32, #tpu.memory_space<vmem_shared>> -> memref<64x64xf32, #tpu.memory_space<vmem_shared>>
      tpu.wait_dma2 semaphore(%run_scoped3A : memref<!tpu.dma_semaphore, #tpu.memory_space<semaphore_mem>>) src(%arg13 : memref<64x64xf32, #tpu.memory_space<vmem>>) dst(%dma_wait3A_314 : memref<64x64xf32, #tpu.memory_space<vmem_shared>>)
      tpu.yield
    }) : () -> ()
    %add3A_209 = arith.constant 384 : i32
    %add3A_210 = arith.addi %mul3A_2, %add3A_209 : i32
    "tpu.region"() ({
      %run_scoped3A = tpu.sem_alloc : memref<!tpu.dma_semaphore, #tpu.memory_space<semaphore_mem>>
      %dma_start3A_307 = arith.constant 0 : i32
      %dma_start3A_308 = tpu.memref_slice %arg14[%add3A_210, %dma_start3A_307] : memref<10112x64xf32, #tpu.memory_space<vmem_shared>> -> memref<64x64xf32, #tpu.memory_space<vmem_shared>>
      %dma_start3A_309 = arith.constant 0 : i32
      %dma_start3A_310 = tpu.memref_slice %arg14[%add3A_210, %dma_start3A_309] : memref<10112x64xf32, #tpu.memory_space<vmem_shared>> -> memref<64x64xf32, #tpu.memory_space<vmem_shared>>
      tpu.enqueue_dma source(%arg13 : memref<64x64xf32, #tpu.memory_space<vmem>>) target(%dma_start3A_310 : memref<64x64xf32, #tpu.memory_space<vmem_shared>>) target_semaphore(%run_scoped3A : memref<!tpu.dma_semaphore, #tpu.memory_space<semaphore_mem>>)
      %dma_wait3A_311 = arith.constant 0 : i32
      %dma_wait3A_312 = tpu.memref_slice %arg14[%add3A_210, %dma_wait3A_311] : memref<10112x64xf32, #tpu.memory_space<vmem_shared>> -> memref<64x64xf32, #tpu.memory_space<vmem_shared>>
      %dma_wait3A_313 = arith.constant 0 : i32
      %dma_wait3A_314 = tpu.memref_slice %arg14[%add3A_210, %dma_wait3A_313] : memref<10112x64xf32, #tpu.memory_space<vmem_shared>> -> memref<64x64xf32, #tpu.memory_space<vmem_shared>>
      tpu.wait_dma2 semaphore(%run_scoped3A : memref<!tpu.dma_semaphore, #tpu.memory_space<semaphore_mem>>) src(%arg13 : memref<64x64xf32, #tpu.memory_space<vmem>>) dst(%dma_wait3A_314 : memref<64x64xf32, #tpu.memory_space<vmem_shared>>)
      tpu.yield
    }) : () -> ()
    %add3A_211 = arith.constant 448 : i32
    %add3A_212 = arith.addi %mul3A_2, %add3A_211 : i32
    "tpu.region"() ({
      %run_scoped3A = tpu.sem_alloc : memref<!tpu.dma_semaphore, #tpu.memory_space<semaphore_mem>>
      %dma_start3A_307 = arith.constant 0 : i32
      %dma_start3A_308 = tpu.memref_slice %arg14[%add3A_212, %dma_start3A_307] : memref<10112x64xf32, #tpu.memory_space<vmem_shared>> -> memref<64x64xf32, #tpu.memory_space<vmem_shared>>
      %dma_start3A_309 = arith.constant 0 : i32
      %dma_start3A_310 = tpu.memref_slice %arg14[%add3A_212, %dma_start3A_309] : memref<10112x64xf32, #tpu.memory_space<vmem_shared>> -> memref<64x64xf32, #tpu.memory_space<vmem_shared>>
      tpu.enqueue_dma source(%arg13 : memref<64x64xf32, #tpu.memory_space<vmem>>) target(%dma_start3A_310 : memref<64x64xf32, #tpu.memory_space<vmem_shared>>) target_semaphore(%run_scoped3A : memref<!tpu.dma_semaphore, #tpu.memory_space<semaphore_mem>>)
      %dma_wait3A_311 = arith.constant 0 : i32
      %dma_wait3A_312 = tpu.memref_slice %arg14[%add3A_212, %dma_wait3A_311] : memref<10112x64xf32, #tpu.memory_space<vmem_shared>> -> memref<64x64xf32, #tpu.memory_space<vmem_shared>>
      %dma_wait3A_313 = arith.constant 0 : i32
      %dma_wait3A_314 = tpu.memref_slice %arg14[%add3A_212, %dma_wait3A_313] : memref<10112x64xf32, #tpu.memory_space<vmem_shared>> -> memref<64x64xf32, #tpu.memory_space<vmem_shared>>
      tpu.wait_dma2 semaphore(%run_scoped3A : memref<!tpu.dma_semaphore, #tpu.memory_space<semaphore_mem>>) src(%arg13 : memref<64x64xf32, #tpu.memory_space<vmem>>) dst(%dma_wait3A_314 : memref<64x64xf32, #tpu.memory_space<vmem_shared>>)
      tpu.yield
    }) : () -> ()
    %add3A_213 = arith.constant 512 : i32
    %add3A_214 = arith.addi %mul3A_2, %add3A_213 : i32
    "tpu.region"() ({
      %run_scoped3A = tpu.sem_alloc : memref<!tpu.dma_semaphore, #tpu.memory_space<semaphore_mem>>
      %dma_start3A_307 = arith.constant 0 : i32
      %dma_start3A_308 = tpu.memref_slice %arg14[%add3A_214, %dma_start3A_307] : memref<10112x64xf32, #tpu.memory_space<vmem_shared>> -> memref<64x64xf32, #tpu.memory_space<vmem_shared>>
      %dma_start3A_309 = arith.constant 0 : i32
      %dma_start3A_310 = tpu.memref_slice %arg14[%add3A_214, %dma_start3A_309] : memref<10112x64xf32, #tpu.memory_space<vmem_shared>> -> memref<64x64xf32, #tpu.memory_space<vmem_shared>>
      tpu.enqueue_dma source(%arg13 : memref<64x64xf32, #tpu.memory_space<vmem>>) target(%dma_start3A_310 : memref<64x64xf32, #tpu.memory_space<vmem_shared>>) target_semaphore(%run_scoped3A : memref<!tpu.dma_semaphore, #tpu.memory_space<semaphore_mem>>)
      %dma_wait3A_311 = arith.constant 0 : i32
      %dma_wait3A_312 = tpu.memref_slice %arg14[%add3A_214, %dma_wait3A_311] : memref<10112x64xf32, #tpu.memory_space<vmem_shared>> -> memref<64x64xf32, #tpu.memory_space<vmem_shared>>
      %dma_wait3A_313 = arith.constant 0 : i32
      %dma_wait3A_314 = tpu.memref_slice %arg14[%add3A_214, %dma_wait3A_313] : memref<10112x64xf32, #tpu.memory_space<vmem_shared>> -> memref<64x64xf32, #tpu.memory_space<vmem_shared>>
      tpu.wait_dma2 semaphore(%run_scoped3A : memref<!tpu.dma_semaphore, #tpu.memory_space<semaphore_mem>>) src(%arg13 : memref<64x64xf32, #tpu.memory_space<vmem>>) dst(%dma_wait3A_314 : memref<64x64xf32, #tpu.memory_space<vmem_shared>>)
      tpu.yield
    }) : () -> ()
    %add3A_215 = arith.constant 632 : i32
    %add3A_216 = arith.addi %mul3A_2, %add3A_215 : i32
    %sub3A = arith.constant 56 : i32
    %sub3A_217 = arith.subi %add3A_216, %sub3A : i32
    "tpu.region"() ({
      %run_scoped3A = tpu.sem_alloc : memref<!tpu.dma_semaphore, #tpu.memory_space<semaphore_mem>>
      %dma_start3A_307 = arith.constant 0 : i32
      %dma_start3A_308 = arith.constant 0 : i32
      %dma_start3A_309 = tpu.memref_slice %arg13[%dma_start3A_307, %dma_start3A_308] : memref<64x64xf32, #tpu.memory_space<vmem>> -> memref<56x64xf32, #tpu.memory_space<vmem>>
      %dma_start3A_310 = arith.constant 0 : i32
      %dma_start3A_311 = tpu.memref_slice %arg14[%sub3A_217, %dma_start3A_310] : memref<10112x64xf32, #tpu.memory_space<vmem_shared>> -> memref<56x64xf32, #tpu.memory_space<vmem_shared>>
      %dma_start3A_312 = arith.constant 0 : i32
      %dma_start3A_313 = tpu.memref_slice %arg14[%sub3A_217, %dma_start3A_312] : memref<10112x64xf32, #tpu.memory_space<vmem_shared>> -> memref<56x64xf32, #tpu.memory_space<vmem_shared>>
      %dma_start3A_314 = arith.constant 0 : i32
      %dma_start3A_315 = arith.constant 0 : i32
      %dma_start3A_316 = tpu.memref_slice %arg13[%dma_start3A_314, %dma_start3A_315] : memref<64x64xf32, #tpu.memory_space<vmem>> -> memref<56x64xf32, #tpu.memory_space<vmem>>
      tpu.enqueue_dma source(%dma_start3A_316 : memref<56x64xf32, #tpu.memory_space<vmem>>) target(%dma_start3A_313 : memref<56x64xf32, #tpu.memory_space<vmem_shared>>) target_semaphore(%run_scoped3A : memref<!tpu.dma_semaphore, #tpu.memory_space<semaphore_mem>>)
      %dma_wait3A_317 = arith.constant 0 : i32
      %dma_wait3A_318 = arith.constant 0 : i32
      %dma_wait3A_319 = tpu.memref_slice %arg13[%dma_wait3A_317, %dma_wait3A_318] : memref<64x64xf32, #tpu.memory_space<vmem>> -> memref<56x64xf32, #tpu.memory_space<vmem>>
      %dma_wait3A_320 = arith.constant 0 : i32
      %dma_wait3A_321 = tpu.memref_slice %arg14[%sub3A_217, %dma_wait3A_320] : memref<10112x64xf32, #tpu.memory_space<vmem_shared>> -> memref<56x64xf32, #tpu.memory_space<vmem_shared>>
      %dma_wait3A_322 = arith.constant 0 : i32
      %dma_wait3A_323 = tpu.memref_slice %arg14[%sub3A_217, %dma_wait3A_322] : memref<10112x64xf32, #tpu.memory_space<vmem_shared>> -> memref<56x64xf32, #tpu.memory_space<vmem_shared>>
      %dma_wait3A_324 = arith.constant 0 : i32
      %dma_wait3A_325 = arith.constant 0 : i32
      %dma_wait3A_326 = tpu.memref_slice %arg13[%dma_wait3A_324, %dma_wait3A_325] : memref<64x64xf32, #tpu.memory_space<vmem>> -> memref<56x64xf32, #tpu.memory_space<vmem>>
      tpu.wait_dma2 semaphore(%run_scoped3A : memref<!tpu.dma_semaphore, #tpu.memory_space<semaphore_mem>>) src(%dma_wait3A_326 : memref<56x64xf32, #tpu.memory_space<vmem>>) dst(%dma_wait3A_323 : memref<56x64xf32, #tpu.memory_space<vmem_shared>>)
      tpu.yield
    }) : () -> ()
    %dma_wait3A = arith.constant 0 : i32
    %dma_wait3A_218 = arith.constant 0 : i32
    %dma_wait3A_219 = arith.constant 0 : i32
    %dma_wait3A_220 = tpu.memref_slice %arg8[%dma_wait3A_218, %dma_wait3A_219] : memref<192x64xi32, #tpu.memory_space<vmem>> -> memref<64x64xi32, #tpu.memory_space<vmem>>
    %dma_wait3A_221 = arith.constant 0 : i32
    %dma_wait3A_222 = tpu.memref_slice %arg7[%dma_wait3A, %dma_wait3A_221] : memref<3x64xi32, #tpu.memory_space<vmem>> -> memref<1x64xi32, #tpu.memory_space<vmem>>
    %dma_wait3A_223 = tpu.memref_squeeze %dma_wait3A_222 : memref<1x64xi32, #tpu.memory_space<vmem>> -> memref<64xi32, #tpu.memory_space<vmem>>
    %dma_wait3A_224 = arith.constant 0 : i32
    %dma_wait3A_225 = arith.constant 0 : i32
    %dma_wait3A_226 = tpu.memref_slice %arg3[%dma_wait3A_224, %dma_wait3A_225] : memref<6144x64xi32, #tpu.memory_space<hbm>> -> memref<6144x64xi32, #tpu.memory_space<hbm>>
    tpu.wait_indirect_dma semaphore(%arg15 : memref<!tpu.dma_semaphore, #tpu.memory_space<semaphore_mem>>) src(%dma_wait3A_226 : memref<6144x64xi32, #tpu.memory_space<hbm>>) dst(%dma_wait3A_220 : memref<64x64xi32, #tpu.memory_space<vmem>>)
    %dma_wait3A_227 = arith.constant 0 : i32
    %dma_wait3A_228 = arith.constant 0 : i32
    %dma_wait3A_229 = arith.constant 0 : i32
    %dma_wait3A_230 = tpu.memref_slice %arg9[%dma_wait3A_228, %dma_wait3A_229] : memref<192x64xi32, #tpu.memory_space<vmem>> -> memref<64x64xi32, #tpu.memory_space<vmem>>
    %dma_wait3A_231 = arith.constant 0 : i32
    %dma_wait3A_232 = tpu.memref_slice %arg7[%dma_wait3A_227, %dma_wait3A_231] : memref<3x64xi32, #tpu.memory_space<vmem>> -> memref<1x64xi32, #tpu.memory_space<vmem>>
    %dma_wait3A_233 = tpu.memref_squeeze %dma_wait3A_232 : memref<1x64xi32, #tpu.memory_space<vmem>> -> memref<64xi32, #tpu.memory_space<vmem>>
    %dma_wait3A_234 = arith.constant 0 : i32
    %dma_wait3A_235 = arith.constant 0 : i32
    %dma_wait3A_236 = tpu.memref_slice %arg4[%dma_wait3A_234, %dma_wait3A_235] : memref<6144x64xi32, #tpu.memory_space<hbm>> -> memref<6144x64xi32, #tpu.memory_space<hbm>>
    tpu.wait_indirect_dma semaphore(%arg15 : memref<!tpu.dma_semaphore, #tpu.memory_space<semaphore_mem>>) src(%dma_wait3A_236 : memref<6144x64xi32, #tpu.memory_space<hbm>>) dst(%dma_wait3A_230 : memref<64x64xi32, #tpu.memory_space<vmem>>)
    %dma_wait3A_237 = arith.constant 1 : i32
    %dma_wait3A_238 = arith.constant 64 : i32
    %dma_wait3A_239 = arith.constant 0 : i32
    %dma_wait3A_240 = tpu.memref_slice %arg8[%dma_wait3A_238, %dma_wait3A_239] : memref<192x64xi32, #tpu.memory_space<vmem>> -> memref<64x64xi32, #tpu.memory_space<vmem>>
    %dma_wait3A_241 = arith.constant 0 : i32
    %dma_wait3A_242 = tpu.memref_slice %arg7[%dma_wait3A_237, %dma_wait3A_241] : memref<3x64xi32, #tpu.memory_space<vmem>> -> memref<1x64xi32, #tpu.memory_space<vmem>>
    %dma_wait3A_243 = tpu.memref_squeeze %dma_wait3A_242 : memref<1x64xi32, #tpu.memory_space<vmem>> -> memref<64xi32, #tpu.memory_space<vmem>>
    %dma_wait3A_244 = arith.constant 0 : i32
    %dma_wait3A_245 = arith.constant 0 : i32
    %dma_wait3A_246 = tpu.memref_slice %arg3[%dma_wait3A_244, %dma_wait3A_245] : memref<6144x64xi32, #tpu.memory_space<hbm>> -> memref<6144x64xi32, #tpu.memory_space<hbm>>
    tpu.wait_indirect_dma semaphore(%arg15 : memref<!tpu.dma_semaphore, #tpu.memory_space<semaphore_mem>>) src(%dma_wait3A_246 : memref<6144x64xi32, #tpu.memory_space<hbm>>) dst(%dma_wait3A_240 : memref<64x64xi32, #tpu.memory_space<vmem>>)
    %dma_wait3A_247 = arith.constant 1 : i32
    %dma_wait3A_248 = arith.constant 64 : i32
    %dma_wait3A_249 = arith.constant 0 : i32
    %dma_wait3A_250 = tpu.memref_slice %arg9[%dma_wait3A_248, %dma_wait3A_249] : memref<192x64xi32, #tpu.memory_space<vmem>> -> memref<64x64xi32, #tpu.memory_space<vmem>>
    %dma_wait3A_251 = arith.constant 0 : i32
    %dma_wait3A_252 = tpu.memref_slice %arg7[%dma_wait3A_247, %dma_wait3A_251] : memref<3x64xi32, #tpu.memory_space<vmem>> -> memref<1x64xi32, #tpu.memory_space<vmem>>
    %dma_wait3A_253 = tpu.memref_squeeze %dma_wait3A_252 : memref<1x64xi32, #tpu.memory_space<vmem>> -> memref<64xi32, #tpu.memory_space<vmem>>
    %dma_wait3A_254 = arith.constant 0 : i32
    %dma_wait3A_255 = arith.constant 0 : i32
    %dma_wait3A_256 = tpu.memref_slice %arg4[%dma_wait3A_254, %dma_wait3A_255] : memref<6144x64xi32, #tpu.memory_space<hbm>> -> memref<6144x64xi32, #tpu.memory_space<hbm>>
    tpu.wait_indirect_dma semaphore(%arg15 : memref<!tpu.dma_semaphore, #tpu.memory_space<semaphore_mem>>) src(%dma_wait3A_256 : memref<6144x64xi32, #tpu.memory_space<hbm>>) dst(%dma_wait3A_250 : memref<64x64xi32, #tpu.memory_space<vmem>>)
    %dma_wait3A_257 = arith.constant 2 : i32
    %dma_wait3A_258 = arith.constant 128 : i32
    %dma_wait3A_259 = arith.constant 0 : i32
    %dma_wait3A_260 = tpu.memref_slice %arg8[%dma_wait3A_258, %dma_wait3A_259] : memref<192x64xi32, #tpu.memory_space<vmem>> -> memref<64x64xi32, #tpu.memory_space<vmem>>
    %dma_wait3A_261 = arith.constant 0 : i32
    %dma_wait3A_262 = tpu.memref_slice %arg7[%dma_wait3A_257, %dma_wait3A_261] : memref<3x64xi32, #tpu.memory_space<vmem>> -> memref<1x64xi32, #tpu.memory_space<vmem>>
    %dma_wait3A_263 = tpu.memref_squeeze %dma_wait3A_262 : memref<1x64xi32, #tpu.memory_space<vmem>> -> memref<64xi32, #tpu.memory_space<vmem>>
    %dma_wait3A_264 = arith.constant 0 : i32
    %dma_wait3A_265 = arith.constant 0 : i32
    %dma_wait3A_266 = tpu.memref_slice %arg3[%dma_wait3A_264, %dma_wait3A_265] : memref<6144x64xi32, #tpu.memory_space<hbm>> -> memref<6144x64xi32, #tpu.memory_space<hbm>>
    tpu.wait_indirect_dma semaphore(%arg15 : memref<!tpu.dma_semaphore, #tpu.memory_space<semaphore_mem>>) src(%dma_wait3A_266 : memref<6144x64xi32, #tpu.memory_space<hbm>>) dst(%dma_wait3A_260 : memref<64x64xi32, #tpu.memory_space<vmem>>)
    %dma_wait3A_267 = arith.constant 2 : i32
    %dma_wait3A_268 = arith.constant 128 : i32
    %dma_wait3A_269 = arith.constant 0 : i32
    %dma_wait3A_270 = tpu.memref_slice %arg9[%dma_wait3A_268, %dma_wait3A_269] : memref<192x64xi32, #tpu.memory_space<vmem>> -> memref<64x64xi32, #tpu.memory_space<vmem>>
    %dma_wait3A_271 = arith.constant 0 : i32
    %dma_wait3A_272 = tpu.memref_slice %arg7[%dma_wait3A_267, %dma_wait3A_271] : memref<3x64xi32, #tpu.memory_space<vmem>> -> memref<1x64xi32, #tpu.memory_space<vmem>>
    %dma_wait3A_273 = tpu.memref_squeeze %dma_wait3A_272 : memref<1x64xi32, #tpu.memory_space<vmem>> -> memref<64xi32, #tpu.memory_space<vmem>>
    %dma_wait3A_274 = arith.constant 0 : i32
    %dma_wait3A_275 = arith.constant 0 : i32
    %dma_wait3A_276 = tpu.memref_slice %arg4[%dma_wait3A_274, %dma_wait3A_275] : memref<6144x64xi32, #tpu.memory_space<hbm>> -> memref<6144x64xi32, #tpu.memory_space<hbm>>
    tpu.wait_indirect_dma semaphore(%arg15 : memref<!tpu.dma_semaphore, #tpu.memory_space<semaphore_mem>>) src(%dma_wait3A_276 : memref<6144x64xi32, #tpu.memory_space<hbm>>) dst(%dma_wait3A_270 : memref<64x64xi32, #tpu.memory_space<vmem>>)
    "tpu.region"() ({
      %run_scoped3A = tpu.sem_alloc : memref<!tpu.dma_semaphore, #tpu.memory_space<semaphore_mem>>
      %dma_start3A_307 = arith.constant 0 : i32
      %dma_start3A_308 = tpu.memref_slice %arg5[%add3A, %dma_start3A_307] : memref<32x16xi32, #tpu.memory_space<hbm>> -> memref<1x16xi32, #tpu.memory_space<hbm>>
      %dma_start3A_309 = tpu.memref_squeeze %dma_start3A_308 : memref<1x16xi32, #tpu.memory_space<hbm>> -> memref<16xi32, #tpu.memory_space<hbm>>
      %dma_start3A_310 = arith.constant 0 : i32
      %dma_start3A_311 = tpu.memref_slice %arg5[%add3A, %dma_start3A_310] : memref<32x16xi32, #tpu.memory_space<hbm>> -> memref<1x16xi32, #tpu.memory_space<hbm>>
      %dma_start3A_312 = tpu.memref_squeeze %dma_start3A_311 : memref<1x16xi32, #tpu.memory_space<hbm>> -> memref<16xi32, #tpu.memory_space<hbm>>
      tpu.enqueue_dma source(%dma_start3A_312 : memref<16xi32, #tpu.memory_space<hbm>>) target(%arg10 : memref<16xi32, #tpu.memory_space<vmem>>) target_semaphore(%run_scoped3A : memref<!tpu.dma_semaphore, #tpu.memory_space<semaphore_mem>>)
      %dma_wait3A_313 = arith.constant 0 : i32
      %dma_wait3A_314 = tpu.memref_slice %arg5[%add3A, %dma_wait3A_313] : memref<32x16xi32, #tpu.memory_space<hbm>> -> memref<1x16xi32, #tpu.memory_space<hbm>>
      %dma_wait3A_315 = tpu.memref_squeeze %dma_wait3A_314 : memref<1x16xi32, #tpu.memory_space<hbm>> -> memref<16xi32, #tpu.memory_space<hbm>>
      %dma_wait3A_316 = arith.constant 0 : i32
      %dma_wait3A_317 = tpu.memref_slice %arg5[%add3A, %dma_wait3A_316] : memref<32x16xi32, #tpu.memory_space<hbm>> -> memref<1x16xi32, #tpu.memory_space<hbm>>
      %dma_wait3A_318 = tpu.memref_squeeze %dma_wait3A_317 : memref<1x16xi32, #tpu.memory_space<hbm>> -> memref<16xi32, #tpu.memory_space<hbm>>
      tpu.wait_dma2 semaphore(%run_scoped3A : memref<!tpu.dma_semaphore, #tpu.memory_space<semaphore_mem>>) src(%dma_wait3A_318 : memref<16xi32, #tpu.memory_space<hbm>>) dst(%arg10 : memref<16xi32, #tpu.memory_space<vmem>>)
      tpu.yield
    }) : () -> ()
    %get3A = arith.constant 0 : index
    %get3A_277 = tpu.vector_load %arg10[%get3A] {strides = array<i32>} : memref<16xi32, #tpu.memory_space<vmem>>, vector<16xi32>,
    %slice3A = vector.extract_strided_slice %get3A_277 {offsets = [0], sizes = [1], strides = [1]} : vector<16xi32> to vector<1xi32>
    %squeeze3A = vector.extract %slice3A[0] : i32 from vector<1xi32>
    %barrier3A = arith.constant 0 : index
    tpu.barrier barrier_id(%barrier3A)
    %add3A_278 = arith.constant 63 : i32
    %add3A_279 = arith.addi %squeeze3A, %add3A_278 : i32
    %jit3A = arith.constant 64 : i32
    %div3A = arith.divsi %add3A_279, %jit3A : i32
    %sign3A = arith.constant 0 : i32
    %sign3A_280 = arith.cmpi sgt, %add3A_279, %sign3A : i32
    %sign3A_281 = arith.extui %sign3A_280 : i1 to i32
    %sign3A_282 = arith.constant 0 : i32
    %sign3A_283 = arith.cmpi slt, %add3A_279, %sign3A_282 : i32
    %sign3A_284 = arith.extui %sign3A_283 : i1 to i32
    %sign3A_285 = arith.subi %sign3A_281, %sign3A_284 : i32
    %sign3A_286 = arith.constant 0 : i32
    %sign3A_287 = arith.cmpi sgt, %jit3A, %sign3A_286 : i32
    %sign3A_288 = arith.extui %sign3A_287 : i1 to i32
    %sign3A_289 = arith.constant 0 : i32
    %sign3A_290 = arith.cmpi slt, %jit3A, %sign3A_289 : i32
    %sign3A_291 = arith.extui %sign3A_290 : i1 to i32
    %sign3A_292 = arith.subi %sign3A_288, %sign3A_291 : i32
    %ne3A = arith.cmpi ne, %sign3A_285, %sign3A_292 : i32
    %rem3A = arith.remsi %add3A_279, %jit3A : i32
    %ne3A_293 = arith.constant 0 : i32
    %ne3A_294 = arith.cmpi ne, %rem3A, %ne3A_293 : i32
    %and3A = arith.andi %ne3A, %ne3A_294 : i1
    %sub3A_295 = arith.constant 1 : i32
    %sub3A_296 = arith.subi %div3A, %sub3A_295 : i32
    %select_n3A = arith.select %and3A, %sub3A_296, %div3A : i32
    %while3A = arith.constant 0 : i32
    %while3A_297 = arith.constant 0 : i32
    %while3A_298 = arith.subi %select_n3A, %while3A_297 : i32
    %while3A_299 = arith.addi %while3A_297, %while3A_298 : i32
    %while3A_300 = arith.constant 1 : i32
    %while3A_301 = arith.divsi %while3A_298, %while3A_300 : i32
    %while3A_302 = arith.muli %while3A_301, %while3A_300 : i32
    %while3A_303 = arith.addi %while3A_297, %while3A_302 : i32
    %while3A_304 = arith.constant 1 : i32
    scf.for %while3A_307 = %while3A_297 to %while3A_303 step %while3A_304  : i32 {
      %dma_start3A_308 = arith.constant 0 : i32
      %dma_start3A_309 = tpu.memref_slice %arg8[%while3A_307, %dma_start3A_308] : memref<192x64xi32, #tpu.memory_space<vmem>> -> memref<1x64xi32, #tpu.memory_space<vmem>>
      %dma_start3A_310 = tpu.memref_squeeze %dma_start3A_309 : memref<1x64xi32, #tpu.memory_space<vmem>> -> memref<64xi32, #tpu.memory_space<vmem>>
      %dma_start3A_311 = arith.constant 0 : i32
      %dma_start3A_312 = arith.constant 0 : i32
      %dma_start3A_313 = tpu.memref_slice %arg2[%dma_start3A_311, %dma_start3A_312] : memref<10000x64xf32, #tpu.memory_space<hbm>> -> memref<10000x64xf32, #tpu.memory_space<hbm>>
      tpu.enqueue_indirect_dma source(%dma_start3A_313 : memref<10000x64xf32, #tpu.memory_space<hbm>>) target(%arg11 : memref<64x64xf32, #tpu.memory_space<vmem>>) offsets(%dma_start3A_310 : memref<64xi32, #tpu.memory_space<vmem>>) semaphore(%arg16 : memref<!tpu.dma_semaphore, #tpu.memory_space<semaphore_mem>>)
      %dma_wait3A_314 = arith.constant 0 : i32
      %dma_wait3A_315 = tpu.memref_slice %arg8[%while3A_307, %dma_wait3A_314] : memref<192x64xi32, #tpu.memory_space<vmem>> -> memref<1x64xi32, #tpu.memory_space<vmem>>
      %dma_wait3A_316 = tpu.memref_squeeze %dma_wait3A_315 : memref<1x64xi32, #tpu.memory_space<vmem>> -> memref<64xi32, #tpu.memory_space<vmem>>
      %dma_wait3A_317 = arith.constant 0 : i32
      %dma_wait3A_318 = arith.constant 0 : i32
      %dma_wait3A_319 = tpu.memref_slice %arg2[%dma_wait3A_317, %dma_wait3A_318] : memref<10000x64xf32, #tpu.memory_space<hbm>> -> memref<10000x64xf32, #tpu.memory_space<hbm>>
      tpu.wait_indirect_dma semaphore(%arg16 : memref<!tpu.dma_semaphore, #tpu.memory_space<semaphore_mem>>) src(%dma_wait3A_319 : memref<10000x64xf32, #tpu.memory_space<hbm>>) dst(%arg11 : memref<64x64xf32, #tpu.memory_space<vmem>>)
      "tpu.region"() ({
        %run_scoped3A = tpu.sem_alloc : memref<!tpu.dma_semaphore, #tpu.memory_space<semaphore_mem>>
        %dma_start3A_320 = arith.constant 0 : i32
        %dma_start3A_321 = tpu.memref_slice %arg9[%while3A_307, %dma_start3A_320] : memref<192x64xi32, #tpu.memory_space<vmem>> -> memref<1x64xi32, #tpu.memory_space<vmem>>
        %dma_start3A_322 = tpu.memref_squeeze %dma_start3A_321 : memref<1x64xi32, #tpu.memory_space<vmem>> -> memref<64xi32, #tpu.memory_space<vmem>>
        %dma_start3A_323 = arith.constant 0 : i32
        %dma_start3A_324 = arith.constant 0 : i32
        %dma_start3A_325 = tpu.memref_slice %arg14[%dma_start3A_323, %dma_start3A_324] : memref<10112x64xf32, #tpu.memory_space<vmem_shared>> -> memref<10112x64xf32, #tpu.memory_space<vmem_shared>>
        tpu.enqueue_indirect_dma source(%arg11 : memref<64x64xf32, #tpu.memory_space<vmem>>) target(%dma_start3A_325 : memref<10112x64xf32, #tpu.memory_space<vmem_shared>>) offsets(%dma_start3A_322 : memref<64xi32, #tpu.memory_space<vmem>>) semaphore(%run_scoped3A : memref<!tpu.dma_semaphore, #tpu.memory_space<semaphore_mem>>) {add = true}
        %dma_wait3A_326 = arith.constant 0 : i32
        %dma_wait3A_327 = tpu.memref_slice %arg9[%while3A_307, %dma_wait3A_326] : memref<192x64xi32, #tpu.memory_space<vmem>> -> memref<1x64xi32, #tpu.memory_space<vmem>>
        %dma_wait3A_328 = tpu.memref_squeeze %dma_wait3A_327 : memref<1x64xi32, #tpu.memory_space<vmem>> -> memref<64xi32, #tpu.memory_space<vmem>>
        %dma_wait3A_329 = arith.constant 0 : i32
        %dma_wait3A_330 = arith.constant 0 : i32
        %dma_wait3A_331 = tpu.memref_slice %arg14[%dma_wait3A_329, %dma_wait3A_330] : memref<10112x64xf32, #tpu.memory_space<vmem_shared>> -> memref<10112x64xf32, #tpu.memory_space<vmem_shared>>
        tpu.wait_indirect_dma semaphore(%run_scoped3A : memref<!tpu.dma_semaphore, #tpu.memory_space<semaphore_mem>>) src(%arg11 : memref<64x64xf32, #tpu.memory_space<vmem>>) dst(%dma_wait3A_331 : memref<10112x64xf32, #tpu.memory_space<vmem_shared>>)
        tpu.yield
      }) : () -> ()
    }
    %while3A_305 = arith.constant 1 : i32
    scf.for %while3A_307 = %while3A_303 to %while3A_299 step %while3A_305  : i32 {
      %dma_start3A_308 = arith.constant 0 : i32
      %dma_start3A_309 = tpu.memref_slice %arg8[%while3A_307, %dma_start3A_308] : memref<192x64xi32, #tpu.memory_space<vmem>> -> memref<1x64xi32, #tpu.memory_space<vmem>>
      %dma_start3A_310 = tpu.memref_squeeze %dma_start3A_309 : memref<1x64xi32, #tpu.memory_space<vmem>> -> memref<64xi32, #tpu.memory_space<vmem>>
      %dma_start3A_311 = arith.constant 0 : i32
      %dma_start3A_312 = arith.constant 0 : i32
      %dma_start3A_313 = tpu.memref_slice %arg2[%dma_start3A_311, %dma_start3A_312] : memref<10000x64xf32, #tpu.memory_space<hbm>> -> memref<10000x64xf32, #tpu.memory_space<hbm>>
      tpu.enqueue_indirect_dma source(%dma_start3A_313 : memref<10000x64xf32, #tpu.memory_space<hbm>>) target(%arg11 : memref<64x64xf32, #tpu.memory_space<vmem>>) offsets(%dma_start3A_310 : memref<64xi32, #tpu.memory_space<vmem>>) semaphore(%arg16 : memref<!tpu.dma_semaphore, #tpu.memory_space<semaphore_mem>>)
      %dma_wait3A_314 = arith.constant 0 : i32
      %dma_wait3A_315 = tpu.memref_slice %arg8[%while3A_307, %dma_wait3A_314] : memref<192x64xi32, #tpu.memory_space<vmem>> -> memref<1x64xi32, #tpu.memory_space<vmem>>
      %dma_wait3A_316 = tpu.memref_squeeze %dma_wait3A_315 : memref<1x64xi32, #tpu.memory_space<vmem>> -> memref<64xi32, #tpu.memory_space<vmem>>
      %dma_wait3A_317 = arith.constant 0 : i32
      %dma_wait3A_318 = arith.constant 0 : i32
      %dma_wait3A_319 = tpu.memref_slice %arg2[%dma_wait3A_317, %dma_wait3A_318] : memref<10000x64xf32, #tpu.memory_space<hbm>> -> memref<10000x64xf32, #tpu.memory_space<hbm>>
      tpu.wait_indirect_dma semaphore(%arg16 : memref<!tpu.dma_semaphore, #tpu.memory_space<semaphore_mem>>) src(%dma_wait3A_319 : memref<10000x64xf32, #tpu.memory_space<hbm>>) dst(%arg11 : memref<64x64xf32, #tpu.memory_space<vmem>>)
      "tpu.region"() ({
        %run_scoped3A = tpu.sem_alloc : memref<!tpu.dma_semaphore, #tpu.memory_space<semaphore_mem>>
        %dma_start3A_320 = arith.constant 0 : i32
        %dma_start3A_321 = tpu.memref_slice %arg9[%while3A_307, %dma_start3A_320] : memref<192x64xi32, #tpu.memory_space<vmem>> -> memref<1x64xi32, #tpu.memory_space<vmem>>
        %dma_start3A_322 = tpu.memref_squeeze %dma_start3A_321 : memref<1x64xi32, #tpu.memory_space<vmem>> -> memref<64xi32, #tpu.memory_space<vmem>>
        %dma_start3A_323 = arith.constant 0 : i32
        %dma_start3A_324 = arith.constant 0 : i32
        %dma_start3A_325 = tpu.memref_slice %arg14[%dma_start3A_323, %dma_start3A_324] : memref<10112x64xf32, #tpu.memory_space<vmem_shared>> -> memref<10112x64xf32, #tpu.memory_space<vmem_shared>>
        tpu.enqueue_indirect_dma source(%arg11 : memref<64x64xf32, #tpu.memory_space<vmem>>) target(%dma_start3A_325 : memref<10112x64xf32, #tpu.memory_space<vmem_shared>>) offsets(%dma_start3A_322 : memref<64xi32, #tpu.memory_space<vmem>>) semaphore(%run_scoped3A : memref<!tpu.dma_semaphore, #tpu.memory_space<semaphore_mem>>) {add = true}
        %dma_wait3A_326 = arith.constant 0 : i32
        %dma_wait3A_327 = tpu.memref_slice %arg9[%while3A_307, %dma_wait3A_326] : memref<192x64xi32, #tpu.memory_space<vmem>> -> memref<1x64xi32, #tpu.memory_space<vmem>>
        %dma_wait3A_328 = tpu.memref_squeeze %dma_wait3A_327 : memref<1x64xi32, #tpu.memory_space<vmem>> -> memref<64xi32, #tpu.memory_space<vmem>>
        %dma_wait3A_329 = arith.constant 0 : i32
        %dma_wait3A_330 = arith.constant 0 : i32
        %dma_wait3A_331 = tpu.memref_slice %arg14[%dma_wait3A_329, %dma_wait3A_330] : memref<10112x64xf32, #tpu.memory_space<vmem_shared>> -> memref<10112x64xf32, #tpu.memory_space<vmem_shared>>
        tpu.wait_indirect_dma semaphore(%run_scoped3A : memref<!tpu.dma_semaphore, #tpu.memory_space<semaphore_mem>>) src(%arg11 : memref<64x64xf32, #tpu.memory_space<vmem>>) dst(%dma_wait3A_331 : memref<10112x64xf32, #tpu.memory_space<vmem_shared>>)
        tpu.yield
      }) : () -> ()
    }
    %barrier3A_306 = arith.constant 0 : index
    tpu.barrier barrier_id(%barrier3A_306)
    "tpu.region"() ({
      %run_scoped3A = tpu.sem_alloc : memref<!tpu.dma_semaphore, #tpu.memory_space<semaphore_mem>>
      %dma_start3A_307 = arith.constant 0 : i32
      %dma_start3A_308 = tpu.memref_slice %arg6[%arg0, %mul3A_2, %dma_start3A_307] : memref<2x10112x64xf32, #tpu.memory_space<hbm>> -> memref<1x632x64xf32, #tpu.memory_space<hbm>>
      %dma_start3A_309 = tpu.memref_squeeze %dma_start3A_308 : memref<1x632x64xf32, #tpu.memory_space<hbm>> -> memref<632x64xf32, #tpu.memory_space<hbm>>
      %dma_start3A_310 = arith.constant 0 : i32
      %dma_start3A_311 = tpu.memref_slice %arg14[%mul3A_2, %dma_start3A_310] : memref<10112x64xf32, #tpu.memory_space<vmem_shared>> -> memref<632x64xf32, #tpu.memory_space<vmem_shared>>
      tpu.enqueue_dma source(%dma_start3A_311 : memref<632x64xf32, #tpu.memory_space<vmem_shared>>) target(%dma_start3A_309 : memref<632x64xf32, #tpu.memory_space<hbm>>) target_semaphore(%run_scoped3A : memref<!tpu.dma_semaphore, #tpu.memory_space<semaphore_mem>>)
      %dma_wait3A_312 = arith.constant 0 : i32
      %dma_wait3A_313 = tpu.memref_slice %arg6[%arg0, %mul3A_2, %dma_wait3A_312] : memref<2x10112x64xf32, #tpu.memory_space<hbm>> -> memref<1x632x64xf32, #tpu.memory_space<hbm>>
      %dma_wait3A_314 = tpu.memref_squeeze %dma_wait3A_313 : memref<1x632x64xf32, #tpu.memory_space<hbm>> -> memref<632x64xf32, #tpu.memory_space<hbm>>
      %dma_wait3A_315 = arith.constant 0 : i32
      %dma_wait3A_316 = tpu.memref_slice %arg14[%mul3A_2, %dma_wait3A_315] : memref<10112x64xf32, #tpu.memory_space<vmem_shared>> -> memref<632x64xf32, #tpu.memory_space<vmem_shared>>
      tpu.wait_dma2 semaphore(%run_scoped3A : memref<!tpu.dma_semaphore, #tpu.memory_space<semaphore_mem>>) src(%dma_wait3A_316 : memref<632x64xf32, #tpu.memory_space<vmem_shared>>) dst(%dma_wait3A_314 : memref<632x64xf32, #tpu.memory_space<hbm>>)
      tpu.yield
    }) : () -> ()
    return
  }
}

#map = affine_map<(d0, d1) -> (0, 0)>
module attributes {stable_mosaic.version = 14 : i64} {
  func.func @body(%arg0: i32, %arg1: i32, %arg2: memref<2528x128xi32, #tpu.memory_space<hbm>>, %arg3: memref<2528x128xi32, #tpu.memory_space<hbm>>, %arg4: memref<2528x128xi32, #tpu.memory_space<hbm>>, %arg5: memref<6144x64xi32, #tpu.memory_space<hbm>>, %arg6: memref<6144x64xi32, #tpu.memory_space<hbm>>, %arg7: memref<6144x64xi32, #tpu.memory_space<hbm>>, %arg8: memref<6144x64xi32, #tpu.memory_space<hbm>>, %arg9: memref<32x16xi32, #tpu.memory_space<hbm>>, %arg10: memref<32x16xi32, #tpu.memory_space<hbm>>, %arg11: memref<2x64xi32, #tpu.memory_space<vmem>>, %arg12: memref<128x128xi32, #tpu.memory_space<vmem>>, %arg13: memref<128x128xi32, #tpu.memory_space<vmem>>, %arg14: memref<128x128xi32, #tpu.memory_space<vmem>>, %arg15: memref<192x64xi32, #tpu.memory_space<vmem>>, %arg16: memref<192x64xi32, #tpu.memory_space<vmem>>, %arg17: memref<192x64xi32, #tpu.memory_space<vmem>>, %arg18: memref<192x64xi32, #tpu.memory_space<vmem>>, %arg19: memref<16xi32, #tpu.memory_space<vmem>>, %arg20: memref<!tpu.dma_semaphore, #tpu.memory_space<semaphore_mem>>) attributes {dimension_semantics = [#tpu.dimension_semantics<core_parallel>, #tpu.dimension_semantics<subcore_parallel>], iteration_bounds = array<i64: 2, 16>, scalar_prefetch = 0 : i64, scratch_operands = 10 : i64, tpu.core_type = #tpu.core_type<sc_vector_subcore>, window_params = [{transform_indices = #map}, {transform_indices = #map}, {transform_indices = #map}, {transform_indices = #map}, {transform_indices = #map}, {transform_indices = #map}, {transform_indices = #map}, {transform_indices = #map}, {transform_indices = #map}]} {
    %mul3A = arith.constant 16 : i32
    %mul3A_0 = arith.muli %arg0, %mul3A : i32
    %add3A = arith.addi %mul3A_0, %arg1 : i32
    %iota3A = tpu.iota {dimensions = array<i32: 0>} : vector<16xi32>
    %add3A_1 = arith.constant 0 : i32
    %add3A_2 = vector.broadcast %add3A_1 : i32 to vector<16xi32>
    %add3A_3 = arith.addi %add3A_2, %iota3A : vector<16xi32>
    %lt3A = arith.constant 79 : i32
    %lt3A_4 = vector.broadcast %lt3A : i32 to vector<16xi32>
    %lt3A_5 = arith.cmpi slt, %add3A_3, %lt3A_4 : vector<16xi32>
    %mul3A_6 = arith.constant 79 : i32
    %mul3A_7 = arith.muli %add3A, %mul3A_6 : i32
    %add3A_8 = vector.broadcast %mul3A_7 : i32 to vector<16xi32>
    %add3A_9 = arith.addi %add3A_8, %add3A_3 : vector<16xi32>
    %mul3A_10 = arith.constant 79 : i32
    %mul3A_11 = arith.muli %add3A, %mul3A_10 : i32
    %broadcast_in_dim3A = vector.broadcast %mul3A_11 : i32 to vector<16xi32>
    %select_n3A = arith.select %lt3A_5, %add3A_9, %broadcast_in_dim3A : vector<16xi1>, vector<16xi32>
    %swap3A = arith.constant 0 : i32
    %swap3A_12 = arith.index_cast %swap3A : i32 to index
    %swap3A_13 = arith.constant 0 : index
    %swap3A_14 = tpu.vector_load %arg11[%swap3A_12, %swap3A_13] {strides = array<i32>} : memref<2x64xi32, #tpu.memory_space<vmem>>, vector<16xi32>,
    tpu.vector_store %arg11[%swap3A_12, %swap3A_13], %select_n3A {strides = array<i32>} : memref<2x64xi32, #tpu.memory_space<vmem>>, vector<16xi32>,
    %iota3A_15 = tpu.iota {dimensions = array<i32: 0>} : vector<16xi32>
    %add3A_16 = arith.constant 16 : i32
    %add3A_17 = vector.broadcast %add3A_16 : i32 to vector<16xi32>
    %add3A_18 = arith.addi %add3A_17, %iota3A_15 : vector<16xi32>
    %lt3A_19 = arith.constant 79 : i32
    %lt3A_20 = vector.broadcast %lt3A_19 : i32 to vector<16xi32>
    %lt3A_21 = arith.cmpi slt, %add3A_18, %lt3A_20 : vector<16xi32>
    %mul3A_22 = arith.constant 79 : i32
    %mul3A_23 = arith.muli %add3A, %mul3A_22 : i32
    %add3A_24 = vector.broadcast %mul3A_23 : i32 to vector<16xi32>
    %add3A_25 = arith.addi %add3A_24, %add3A_18 : vector<16xi32>
    %mul3A_26 = arith.constant 79 : i32
    %mul3A_27 = arith.muli %add3A, %mul3A_26 : i32
    %broadcast_in_dim3A_28 = vector.broadcast %mul3A_27 : i32 to vector<16xi32>
    %select_n3A_29 = arith.select %lt3A_21, %add3A_25, %broadcast_in_dim3A_28 : vector<16xi1>, vector<16xi32>
    %swap3A_30 = arith.constant 0 : i32
    %swap3A_31 = arith.index_cast %swap3A_30 : i32 to index
    %swap3A_32 = arith.constant 16 : index
    %swap3A_33 = tpu.vector_load %arg11[%swap3A_31, %swap3A_32] {strides = array<i32>} : memref<2x64xi32, #tpu.memory_space<vmem>>, vector<16xi32>,
    tpu.vector_store %arg11[%swap3A_31, %swap3A_32], %select_n3A_29 {strides = array<i32>} : memref<2x64xi32, #tpu.memory_space<vmem>>, vector<16xi32>,
    %iota3A_34 = tpu.iota {dimensions = array<i32: 0>} : vector<16xi32>
    %add3A_35 = arith.constant 32 : i32
    %add3A_36 = vector.broadcast %add3A_35 : i32 to vector<16xi32>
    %add3A_37 = arith.addi %add3A_36, %iota3A_34 : vector<16xi32>
    %lt3A_38 = arith.constant 79 : i32
    %lt3A_39 = vector.broadcast %lt3A_38 : i32 to vector<16xi32>
    %lt3A_40 = arith.cmpi slt, %add3A_37, %lt3A_39 : vector<16xi32>
    %mul3A_41 = arith.constant 79 : i32
    %mul3A_42 = arith.muli %add3A, %mul3A_41 : i32
    %add3A_43 = vector.broadcast %mul3A_42 : i32 to vector<16xi32>
    %add3A_44 = arith.addi %add3A_43, %add3A_37 : vector<16xi32>
    %mul3A_45 = arith.constant 79 : i32
    %mul3A_46 = arith.muli %add3A, %mul3A_45 : i32
    %broadcast_in_dim3A_47 = vector.broadcast %mul3A_46 : i32 to vector<16xi32>
    %select_n3A_48 = arith.select %lt3A_40, %add3A_44, %broadcast_in_dim3A_47 : vector<16xi1>, vector<16xi32>
    %swap3A_49 = arith.constant 0 : i32
    %swap3A_50 = arith.index_cast %swap3A_49 : i32 to index
    %swap3A_51 = arith.constant 32 : index
    %swap3A_52 = tpu.vector_load %arg11[%swap3A_50, %swap3A_51] {strides = array<i32>} : memref<2x64xi32, #tpu.memory_space<vmem>>, vector<16xi32>,
    tpu.vector_store %arg11[%swap3A_50, %swap3A_51], %select_n3A_48 {strides = array<i32>} : memref<2x64xi32, #tpu.memory_space<vmem>>, vector<16xi32>,
    %iota3A_53 = tpu.iota {dimensions = array<i32: 0>} : vector<16xi32>
    %add3A_54 = arith.constant 48 : i32
    %add3A_55 = vector.broadcast %add3A_54 : i32 to vector<16xi32>
    %add3A_56 = arith.addi %add3A_55, %iota3A_53 : vector<16xi32>
    %lt3A_57 = arith.constant 79 : i32
    %lt3A_58 = vector.broadcast %lt3A_57 : i32 to vector<16xi32>
    %lt3A_59 = arith.cmpi slt, %add3A_56, %lt3A_58 : vector<16xi32>
    %mul3A_60 = arith.constant 79 : i32
    %mul3A_61 = arith.muli %add3A, %mul3A_60 : i32
    %add3A_62 = vector.broadcast %mul3A_61 : i32 to vector<16xi32>
    %add3A_63 = arith.addi %add3A_62, %add3A_56 : vector<16xi32>
    %mul3A_64 = arith.constant 79 : i32
    %mul3A_65 = arith.muli %add3A, %mul3A_64 : i32
    %broadcast_in_dim3A_66 = vector.broadcast %mul3A_65 : i32 to vector<16xi32>
    %select_n3A_67 = arith.select %lt3A_59, %add3A_63, %broadcast_in_dim3A_66 : vector<16xi1>, vector<16xi32>
    %swap3A_68 = arith.constant 0 : i32
    %swap3A_69 = arith.index_cast %swap3A_68 : i32 to index
    %swap3A_70 = arith.constant 48 : index
    %swap3A_71 = tpu.vector_load %arg11[%swap3A_69, %swap3A_70] {strides = array<i32>} : memref<2x64xi32, #tpu.memory_space<vmem>>, vector<16xi32>,
    tpu.vector_store %arg11[%swap3A_69, %swap3A_70], %select_n3A_67 {strides = array<i32>} : memref<2x64xi32, #tpu.memory_space<vmem>>, vector<16xi32>,
    %iota3A_72 = tpu.iota {dimensions = array<i32: 0>} : vector<16xi32>
    %add3A_73 = arith.constant 64 : i32
    %add3A_74 = vector.broadcast %add3A_73 : i32 to vector<16xi32>
    %add3A_75 = arith.addi %add3A_74, %iota3A_72 : vector<16xi32>
    %lt3A_76 = arith.constant 79 : i32
    %lt3A_77 = vector.broadcast %lt3A_76 : i32 to vector<16xi32>
    %lt3A_78 = arith.cmpi slt, %add3A_75, %lt3A_77 : vector<16xi32>
    %mul3A_79 = arith.constant 79 : i32
    %mul3A_80 = arith.muli %add3A, %mul3A_79 : i32
    %add3A_81 = vector.broadcast %mul3A_80 : i32 to vector<16xi32>
    %add3A_82 = arith.addi %add3A_81, %add3A_75 : vector<16xi32>
    %mul3A_83 = arith.constant 79 : i32
    %mul3A_84 = arith.muli %add3A, %mul3A_83 : i32
    %broadcast_in_dim3A_85 = vector.broadcast %mul3A_84 : i32 to vector<16xi32>
    %select_n3A_86 = arith.select %lt3A_78, %add3A_82, %broadcast_in_dim3A_85 : vector<16xi1>, vector<16xi32>
    %swap3A_87 = arith.constant 1 : i32
    %swap3A_88 = arith.index_cast %swap3A_87 : i32 to index
    %swap3A_89 = arith.constant 0 : index
    %swap3A_90 = tpu.vector_load %arg11[%swap3A_88, %swap3A_89] {strides = array<i32>} : memref<2x64xi32, #tpu.memory_space<vmem>>, vector<16xi32>,
    tpu.vector_store %arg11[%swap3A_88, %swap3A_89], %select_n3A_86 {strides = array<i32>} : memref<2x64xi32, #tpu.memory_space<vmem>>, vector<16xi32>,
    %iota3A_91 = tpu.iota {dimensions = array<i32: 0>} : vector<16xi32>
    %add3A_92 = arith.constant 80 : i32
    %add3A_93 = vector.broadcast %add3A_92 : i32 to vector<16xi32>
    %add3A_94 = arith.addi %add3A_93, %iota3A_91 : vector<16xi32>
    %lt3A_95 = arith.constant 79 : i32
    %lt3A_96 = vector.broadcast %lt3A_95 : i32 to vector<16xi32>
    %lt3A_97 = arith.cmpi slt, %add3A_94, %lt3A_96 : vector<16xi32>
    %mul3A_98 = arith.constant 79 : i32
    %mul3A_99 = arith.muli %add3A, %mul3A_98 : i32
    %add3A_100 = vector.broadcast %mul3A_99 : i32 to vector<16xi32>
    %add3A_101 = arith.addi %add3A_100, %add3A_94 : vector<16xi32>
    %mul3A_102 = arith.constant 79 : i32
    %mul3A_103 = arith.muli %add3A, %mul3A_102 : i32
    %broadcast_in_dim3A_104 = vector.broadcast %mul3A_103 : i32 to vector<16xi32>
    %select_n3A_105 = arith.select %lt3A_97, %add3A_101, %broadcast_in_dim3A_104 : vector<16xi1>, vector<16xi32>
    %swap3A_106 = arith.constant 1 : i32
    %swap3A_107 = arith.index_cast %swap3A_106 : i32 to index
    %swap3A_108 = arith.constant 16 : index
    %swap3A_109 = tpu.vector_load %arg11[%swap3A_107, %swap3A_108] {strides = array<i32>} : memref<2x64xi32, #tpu.memory_space<vmem>>, vector<16xi32>,
    tpu.vector_store %arg11[%swap3A_107, %swap3A_108], %select_n3A_105 {strides = array<i32>} : memref<2x64xi32, #tpu.memory_space<vmem>>, vector<16xi32>,
    %iota3A_110 = tpu.iota {dimensions = array<i32: 0>} : vector<16xi32>
    %add3A_111 = arith.constant 96 : i32
    %add3A_112 = vector.broadcast %add3A_111 : i32 to vector<16xi32>
    %add3A_113 = arith.addi %add3A_112, %iota3A_110 : vector<16xi32>
    %lt3A_114 = arith.constant 79 : i32
    %lt3A_115 = vector.broadcast %lt3A_114 : i32 to vector<16xi32>
    %lt3A_116 = arith.cmpi slt, %add3A_113, %lt3A_115 : vector<16xi32>
    %mul3A_117 = arith.constant 79 : i32
    %mul3A_118 = arith.muli %add3A, %mul3A_117 : i32
    %add3A_119 = vector.broadcast %mul3A_118 : i32 to vector<16xi32>
    %add3A_120 = arith.addi %add3A_119, %add3A_113 : vector<16xi32>
    %mul3A_121 = arith.constant 79 : i32
    %mul3A_122 = arith.muli %add3A, %mul3A_121 : i32
    %broadcast_in_dim3A_123 = vector.broadcast %mul3A_122 : i32 to vector<16xi32>
    %select_n3A_124 = arith.select %lt3A_116, %add3A_120, %broadcast_in_dim3A_123 : vector<16xi1>, vector<16xi32>
    %swap3A_125 = arith.constant 1 : i32
    %swap3A_126 = arith.index_cast %swap3A_125 : i32 to index
    %swap3A_127 = arith.constant 32 : index
    %swap3A_128 = tpu.vector_load %arg11[%swap3A_126, %swap3A_127] {strides = array<i32>} : memref<2x64xi32, #tpu.memory_space<vmem>>, vector<16xi32>,
    tpu.vector_store %arg11[%swap3A_126, %swap3A_127], %select_n3A_124 {strides = array<i32>} : memref<2x64xi32, #tpu.memory_space<vmem>>, vector<16xi32>,
    %iota3A_129 = tpu.iota {dimensions = array<i32: 0>} : vector<16xi32>
    %add3A_130 = arith.constant 112 : i32
    %add3A_131 = vector.broadcast %add3A_130 : i32 to vector<16xi32>
    %add3A_132 = arith.addi %add3A_131, %iota3A_129 : vector<16xi32>
    %lt3A_133 = arith.constant 79 : i32
    %lt3A_134 = vector.broadcast %lt3A_133 : i32 to vector<16xi32>
    %lt3A_135 = arith.cmpi slt, %add3A_132, %lt3A_134 : vector<16xi32>
    %mul3A_136 = arith.constant 79 : i32
    %mul3A_137 = arith.muli %add3A, %mul3A_136 : i32
    %add3A_138 = vector.broadcast %mul3A_137 : i32 to vector<16xi32>
    %add3A_139 = arith.addi %add3A_138, %add3A_132 : vector<16xi32>
    %mul3A_140 = arith.constant 79 : i32
    %mul3A_141 = arith.muli %add3A, %mul3A_140 : i32
    %broadcast_in_dim3A_142 = vector.broadcast %mul3A_141 : i32 to vector<16xi32>
    %select_n3A_143 = arith.select %lt3A_135, %add3A_139, %broadcast_in_dim3A_142 : vector<16xi1>, vector<16xi32>
    %swap3A_144 = arith.constant 1 : i32
    %swap3A_145 = arith.index_cast %swap3A_144 : i32 to index
    %swap3A_146 = arith.constant 48 : index
    %swap3A_147 = tpu.vector_load %arg11[%swap3A_145, %swap3A_146] {strides = array<i32>} : memref<2x64xi32, #tpu.memory_space<vmem>>, vector<16xi32>,
    tpu.vector_store %arg11[%swap3A_145, %swap3A_146], %select_n3A_143 {strides = array<i32>} : memref<2x64xi32, #tpu.memory_space<vmem>>, vector<16xi32>,
    %dma_start3A = arith.constant 0 : i32
    %dma_start3A_148 = arith.constant 0 : i32
    %dma_start3A_149 = arith.constant 0 : i32
    %dma_start3A_150 = tpu.memref_slice %arg12[%dma_start3A_148, %dma_start3A_149] : memref<128x128xi32, #tpu.memory_space<vmem>> -> memref<64x128xi32, #tpu.memory_space<vmem>>
    %dma_start3A_151 = arith.constant 0 : i32
    %dma_start3A_152 = tpu.memref_slice %arg11[%dma_start3A, %dma_start3A_151] : memref<2x64xi32, #tpu.memory_space<vmem>> -> memref<1x64xi32, #tpu.memory_space<vmem>>
    %dma_start3A_153 = tpu.memref_squeeze %dma_start3A_152 : memref<1x64xi32, #tpu.memory_space<vmem>> -> memref<64xi32, #tpu.memory_space<vmem>>
    %dma_start3A_154 = arith.constant 0 : i32
    %dma_start3A_155 = arith.constant 0 : i32
    %dma_start3A_156 = tpu.memref_slice %arg4[%dma_start3A_154, %dma_start3A_155] : memref<2528x128xi32, #tpu.memory_space<hbm>> -> memref<2528x128xi32, #tpu.memory_space<hbm>>
    tpu.enqueue_indirect_dma source(%dma_start3A_156 : memref<2528x128xi32, #tpu.memory_space<hbm>>) target(%dma_start3A_150 : memref<64x128xi32, #tpu.memory_space<vmem>>) offsets(%dma_start3A_153 : memref<64xi32, #tpu.memory_space<vmem>>) semaphore(%arg20 : memref<!tpu.dma_semaphore, #tpu.memory_space<semaphore_mem>>)
    %dma_wait3A = arith.constant 0 : i32
    %dma_wait3A_157 = arith.constant 0 : i32
    %dma_wait3A_158 = arith.constant 0 : i32
    %dma_wait3A_159 = tpu.memref_slice %arg12[%dma_wait3A_157, %dma_wait3A_158] : memref<128x128xi32, #tpu.memory_space<vmem>> -> memref<64x128xi32, #tpu.memory_space<vmem>>
    %dma_wait3A_160 = arith.constant 0 : i32
    %dma_wait3A_161 = tpu.memref_slice %arg11[%dma_wait3A, %dma_wait3A_160] : memref<2x64xi32, #tpu.memory_space<vmem>> -> memref<1x64xi32, #tpu.memory_space<vmem>>
    %dma_wait3A_162 = tpu.memref_squeeze %dma_wait3A_161 : memref<1x64xi32, #tpu.memory_space<vmem>> -> memref<64xi32, #tpu.memory_space<vmem>>
    %dma_wait3A_163 = arith.constant 0 : i32
    %dma_wait3A_164 = arith.constant 0 : i32
    %dma_wait3A_165 = tpu.memref_slice %arg4[%dma_wait3A_163, %dma_wait3A_164] : memref<2528x128xi32, #tpu.memory_space<hbm>> -> memref<2528x128xi32, #tpu.memory_space<hbm>>
    tpu.wait_indirect_dma semaphore(%arg20 : memref<!tpu.dma_semaphore, #tpu.memory_space<semaphore_mem>>) src(%dma_wait3A_165 : memref<2528x128xi32, #tpu.memory_space<hbm>>) dst(%dma_wait3A_159 : memref<64x128xi32, #tpu.memory_space<vmem>>)
    %dma_start3A_166 = arith.constant 0 : i32
    %dma_start3A_167 = arith.constant 0 : i32
    %dma_start3A_168 = arith.constant 0 : i32
    %dma_start3A_169 = tpu.memref_slice %arg13[%dma_start3A_167, %dma_start3A_168] : memref<128x128xi32, #tpu.memory_space<vmem>> -> memref<64x128xi32, #tpu.memory_space<vmem>>
    %dma_start3A_170 = arith.constant 0 : i32
    %dma_start3A_171 = tpu.memref_slice %arg11[%dma_start3A_166, %dma_start3A_170] : memref<2x64xi32, #tpu.memory_space<vmem>> -> memref<1x64xi32, #tpu.memory_space<vmem>>
    %dma_start3A_172 = tpu.memref_squeeze %dma_start3A_171 : memref<1x64xi32, #tpu.memory_space<vmem>> -> memref<64xi32, #tpu.memory_space<vmem>>
    %dma_start3A_173 = arith.constant 0 : i32
    %dma_start3A_174 = arith.constant 0 : i32
    %dma_start3A_175 = tpu.memref_slice %arg2[%dma_start3A_173, %dma_start3A_174] : memref<2528x128xi32, #tpu.memory_space<hbm>> -> memref<2528x128xi32, #tpu.memory_space<hbm>>
    tpu.enqueue_indirect_dma source(%dma_start3A_175 : memref<2528x128xi32, #tpu.memory_space<hbm>>) target(%dma_start3A_169 : memref<64x128xi32, #tpu.memory_space<vmem>>) offsets(%dma_start3A_172 : memref<64xi32, #tpu.memory_space<vmem>>) semaphore(%arg20 : memref<!tpu.dma_semaphore, #tpu.memory_space<semaphore_mem>>)
    %dma_wait3A_176 = arith.constant 0 : i32
    %dma_wait3A_177 = arith.constant 0 : i32
    %dma_wait3A_178 = arith.constant 0 : i32
    %dma_wait3A_179 = tpu.memref_slice %arg13[%dma_wait3A_177, %dma_wait3A_178] : memref<128x128xi32, #tpu.memory_space<vmem>> -> memref<64x128xi32, #tpu.memory_space<vmem>>
    %dma_wait3A_180 = arith.constant 0 : i32
    %dma_wait3A_181 = tpu.memref_slice %arg11[%dma_wait3A_176, %dma_wait3A_180] : memref<2x64xi32, #tpu.memory_space<vmem>> -> memref<1x64xi32, #tpu.memory_space<vmem>>
    %dma_wait3A_182 = tpu.memref_squeeze %dma_wait3A_181 : memref<1x64xi32, #tpu.memory_space<vmem>> -> memref<64xi32, #tpu.memory_space<vmem>>
    %dma_wait3A_183 = arith.constant 0 : i32
    %dma_wait3A_184 = arith.constant 0 : i32
    %dma_wait3A_185 = tpu.memref_slice %arg2[%dma_wait3A_183, %dma_wait3A_184] : memref<2528x128xi32, #tpu.memory_space<hbm>> -> memref<2528x128xi32, #tpu.memory_space<hbm>>
    tpu.wait_indirect_dma semaphore(%arg20 : memref<!tpu.dma_semaphore, #tpu.memory_space<semaphore_mem>>) src(%dma_wait3A_185 : memref<2528x128xi32, #tpu.memory_space<hbm>>) dst(%dma_wait3A_179 : memref<64x128xi32, #tpu.memory_space<vmem>>)
    %dma_start3A_186 = arith.constant 0 : i32
    %dma_start3A_187 = arith.constant 0 : i32
    %dma_start3A_188 = arith.constant 0 : i32
    %dma_start3A_189 = tpu.memref_slice %arg14[%dma_start3A_187, %dma_start3A_188] : memref<128x128xi32, #tpu.memory_space<vmem>> -> memref<64x128xi32, #tpu.memory_space<vmem>>
    %dma_start3A_190 = arith.constant 0 : i32
    %dma_start3A_191 = tpu.memref_slice %arg11[%dma_start3A_186, %dma_start3A_190] : memref<2x64xi32, #tpu.memory_space<vmem>> -> memref<1x64xi32, #tpu.memory_space<vmem>>
    %dma_start3A_192 = tpu.memref_squeeze %dma_start3A_191 : memref<1x64xi32, #tpu.memory_space<vmem>> -> memref<64xi32, #tpu.memory_space<vmem>>
    %dma_start3A_193 = arith.constant 0 : i32
    %dma_start3A_194 = arith.constant 0 : i32
    %dma_start3A_195 = tpu.memref_slice %arg3[%dma_start3A_193, %dma_start3A_194] : memref<2528x128xi32, #tpu.memory_space<hbm>> -> memref<2528x128xi32, #tpu.memory_space<hbm>>
    tpu.enqueue_indirect_dma source(%dma_start3A_195 : memref<2528x128xi32, #tpu.memory_space<hbm>>) target(%dma_start3A_189 : memref<64x128xi32, #tpu.memory_space<vmem>>) offsets(%dma_start3A_192 : memref<64xi32, #tpu.memory_space<vmem>>) semaphore(%arg20 : memref<!tpu.dma_semaphore, #tpu.memory_space<semaphore_mem>>)
    %dma_wait3A_196 = arith.constant 0 : i32
    %dma_wait3A_197 = arith.constant 0 : i32
    %dma_wait3A_198 = arith.constant 0 : i32
    %dma_wait3A_199 = tpu.memref_slice %arg14[%dma_wait3A_197, %dma_wait3A_198] : memref<128x128xi32, #tpu.memory_space<vmem>> -> memref<64x128xi32, #tpu.memory_space<vmem>>
    %dma_wait3A_200 = arith.constant 0 : i32
    %dma_wait3A_201 = tpu.memref_slice %arg11[%dma_wait3A_196, %dma_wait3A_200] : memref<2x64xi32, #tpu.memory_space<vmem>> -> memref<1x64xi32, #tpu.memory_space<vmem>>
    %dma_wait3A_202 = tpu.memref_squeeze %dma_wait3A_201 : memref<1x64xi32, #tpu.memory_space<vmem>> -> memref<64xi32, #tpu.memory_space<vmem>>
    %dma_wait3A_203 = arith.constant 0 : i32
    %dma_wait3A_204 = arith.constant 0 : i32
    %dma_wait3A_205 = tpu.memref_slice %arg3[%dma_wait3A_203, %dma_wait3A_204] : memref<2528x128xi32, #tpu.memory_space<hbm>> -> memref<2528x128xi32, #tpu.memory_space<hbm>>
    tpu.wait_indirect_dma semaphore(%arg20 : memref<!tpu.dma_semaphore, #tpu.memory_space<semaphore_mem>>) src(%dma_wait3A_205 : memref<2528x128xi32, #tpu.memory_space<hbm>>) dst(%dma_wait3A_199 : memref<64x128xi32, #tpu.memory_space<vmem>>)
    %dma_start3A_206 = arith.constant 1 : i32
    %dma_start3A_207 = arith.constant 64 : i32
    %dma_start3A_208 = arith.constant 0 : i32
    %dma_start3A_209 = tpu.memref_slice %arg12[%dma_start3A_207, %dma_start3A_208] : memref<128x128xi32, #tpu.memory_space<vmem>> -> memref<64x128xi32, #tpu.memory_space<vmem>>
    %dma_start3A_210 = arith.constant 0 : i32
    %dma_start3A_211 = tpu.memref_slice %arg11[%dma_start3A_206, %dma_start3A_210] : memref<2x64xi32, #tpu.memory_space<vmem>> -> memref<1x64xi32, #tpu.memory_space<vmem>>
    %dma_start3A_212 = tpu.memref_squeeze %dma_start3A_211 : memref<1x64xi32, #tpu.memory_space<vmem>> -> memref<64xi32, #tpu.memory_space<vmem>>
    %dma_start3A_213 = arith.constant 0 : i32
    %dma_start3A_214 = arith.constant 0 : i32
    %dma_start3A_215 = tpu.memref_slice %arg4[%dma_start3A_213, %dma_start3A_214] : memref<2528x128xi32, #tpu.memory_space<hbm>> -> memref<2528x128xi32, #tpu.memory_space<hbm>>
    tpu.enqueue_indirect_dma source(%dma_start3A_215 : memref<2528x128xi32, #tpu.memory_space<hbm>>) target(%dma_start3A_209 : memref<64x128xi32, #tpu.memory_space<vmem>>) offsets(%dma_start3A_212 : memref<64xi32, #tpu.memory_space<vmem>>) semaphore(%arg20 : memref<!tpu.dma_semaphore, #tpu.memory_space<semaphore_mem>>)
    %dma_wait3A_216 = arith.constant 1 : i32
    %dma_wait3A_217 = arith.constant 64 : i32
    %dma_wait3A_218 = arith.constant 0 : i32
    %dma_wait3A_219 = tpu.memref_slice %arg12[%dma_wait3A_217, %dma_wait3A_218] : memref<128x128xi32, #tpu.memory_space<vmem>> -> memref<64x128xi32, #tpu.memory_space<vmem>>
    %dma_wait3A_220 = arith.constant 0 : i32
    %dma_wait3A_221 = tpu.memref_slice %arg11[%dma_wait3A_216, %dma_wait3A_220] : memref<2x64xi32, #tpu.memory_space<vmem>> -> memref<1x64xi32, #tpu.memory_space<vmem>>
    %dma_wait3A_222 = tpu.memref_squeeze %dma_wait3A_221 : memref<1x64xi32, #tpu.memory_space<vmem>> -> memref<64xi32, #tpu.memory_space<vmem>>
    %dma_wait3A_223 = arith.constant 0 : i32
    %dma_wait3A_224 = arith.constant 0 : i32
    %dma_wait3A_225 = tpu.memref_slice %arg4[%dma_wait3A_223, %dma_wait3A_224] : memref<2528x128xi32, #tpu.memory_space<hbm>> -> memref<2528x128xi32, #tpu.memory_space<hbm>>
    tpu.wait_indirect_dma semaphore(%arg20 : memref<!tpu.dma_semaphore, #tpu.memory_space<semaphore_mem>>) src(%dma_wait3A_225 : memref<2528x128xi32, #tpu.memory_space<hbm>>) dst(%dma_wait3A_219 : memref<64x128xi32, #tpu.memory_space<vmem>>)
    %dma_start3A_226 = arith.constant 1 : i32
    %dma_start3A_227 = arith.constant 64 : i32
    %dma_start3A_228 = arith.constant 0 : i32
    %dma_start3A_229 = tpu.memref_slice %arg13[%dma_start3A_227, %dma_start3A_228] : memref<128x128xi32, #tpu.memory_space<vmem>> -> memref<64x128xi32, #tpu.memory_space<vmem>>
    %dma_start3A_230 = arith.constant 0 : i32
    %dma_start3A_231 = tpu.memref_slice %arg11[%dma_start3A_226, %dma_start3A_230] : memref<2x64xi32, #tpu.memory_space<vmem>> -> memref<1x64xi32, #tpu.memory_space<vmem>>
    %dma_start3A_232 = tpu.memref_squeeze %dma_start3A_231 : memref<1x64xi32, #tpu.memory_space<vmem>> -> memref<64xi32, #tpu.memory_space<vmem>>
    %dma_start3A_233 = arith.constant 0 : i32
    %dma_start3A_234 = arith.constant 0 : i32
    %dma_start3A_235 = tpu.memref_slice %arg2[%dma_start3A_233, %dma_start3A_234] : memref<2528x128xi32, #tpu.memory_space<hbm>> -> memref<2528x128xi32, #tpu.memory_space<hbm>>
    tpu.enqueue_indirect_dma source(%dma_start3A_235 : memref<2528x128xi32, #tpu.memory_space<hbm>>) target(%dma_start3A_229 : memref<64x128xi32, #tpu.memory_space<vmem>>) offsets(%dma_start3A_232 : memref<64xi32, #tpu.memory_space<vmem>>) semaphore(%arg20 : memref<!tpu.dma_semaphore, #tpu.memory_space<semaphore_mem>>)
    %dma_wait3A_236 = arith.constant 1 : i32
    %dma_wait3A_237 = arith.constant 64 : i32
    %dma_wait3A_238 = arith.constant 0 : i32
    %dma_wait3A_239 = tpu.memref_slice %arg13[%dma_wait3A_237, %dma_wait3A_238] : memref<128x128xi32, #tpu.memory_space<vmem>> -> memref<64x128xi32, #tpu.memory_space<vmem>>
    %dma_wait3A_240 = arith.constant 0 : i32
    %dma_wait3A_241 = tpu.memref_slice %arg11[%dma_wait3A_236, %dma_wait3A_240] : memref<2x64xi32, #tpu.memory_space<vmem>> -> memref<1x64xi32, #tpu.memory_space<vmem>>
    %dma_wait3A_242 = tpu.memref_squeeze %dma_wait3A_241 : memref<1x64xi32, #tpu.memory_space<vmem>> -> memref<64xi32, #tpu.memory_space<vmem>>
    %dma_wait3A_243 = arith.constant 0 : i32
    %dma_wait3A_244 = arith.constant 0 : i32
    %dma_wait3A_245 = tpu.memref_slice %arg2[%dma_wait3A_243, %dma_wait3A_244] : memref<2528x128xi32, #tpu.memory_space<hbm>> -> memref<2528x128xi32, #tpu.memory_space<hbm>>
    tpu.wait_indirect_dma semaphore(%arg20 : memref<!tpu.dma_semaphore, #tpu.memory_space<semaphore_mem>>) src(%dma_wait3A_245 : memref<2528x128xi32, #tpu.memory_space<hbm>>) dst(%dma_wait3A_239 : memref<64x128xi32, #tpu.memory_space<vmem>>)
    %dma_start3A_246 = arith.constant 1 : i32
    %dma_start3A_247 = arith.constant 64 : i32
    %dma_start3A_248 = arith.constant 0 : i32
    %dma_start3A_249 = tpu.memref_slice %arg14[%dma_start3A_247, %dma_start3A_248] : memref<128x128xi32, #tpu.memory_space<vmem>> -> memref<64x128xi32, #tpu.memory_space<vmem>>
    %dma_start3A_250 = arith.constant 0 : i32
    %dma_start3A_251 = tpu.memref_slice %arg11[%dma_start3A_246, %dma_start3A_250] : memref<2x64xi32, #tpu.memory_space<vmem>> -> memref<1x64xi32, #tpu.memory_space<vmem>>
    %dma_start3A_252 = tpu.memref_squeeze %dma_start3A_251 : memref<1x64xi32, #tpu.memory_space<vmem>> -> memref<64xi32, #tpu.memory_space<vmem>>
    %dma_start3A_253 = arith.constant 0 : i32
    %dma_start3A_254 = arith.constant 0 : i32
    %dma_start3A_255 = tpu.memref_slice %arg3[%dma_start3A_253, %dma_start3A_254] : memref<2528x128xi32, #tpu.memory_space<hbm>> -> memref<2528x128xi32, #tpu.memory_space<hbm>>
    tpu.enqueue_indirect_dma source(%dma_start3A_255 : memref<2528x128xi32, #tpu.memory_space<hbm>>) target(%dma_start3A_249 : memref<64x128xi32, #tpu.memory_space<vmem>>) offsets(%dma_start3A_252 : memref<64xi32, #tpu.memory_space<vmem>>) semaphore(%arg20 : memref<!tpu.dma_semaphore, #tpu.memory_space<semaphore_mem>>)
    %dma_wait3A_256 = arith.constant 1 : i32
    %dma_wait3A_257 = arith.constant 64 : i32
    %dma_wait3A_258 = arith.constant 0 : i32
    %dma_wait3A_259 = tpu.memref_slice %arg14[%dma_wait3A_257, %dma_wait3A_258] : memref<128x128xi32, #tpu.memory_space<vmem>> -> memref<64x128xi32, #tpu.memory_space<vmem>>
    %dma_wait3A_260 = arith.constant 0 : i32
    %dma_wait3A_261 = tpu.memref_slice %arg11[%dma_wait3A_256, %dma_wait3A_260] : memref<2x64xi32, #tpu.memory_space<vmem>> -> memref<1x64xi32, #tpu.memory_space<vmem>>
    %dma_wait3A_262 = tpu.memref_squeeze %dma_wait3A_261 : memref<1x64xi32, #tpu.memory_space<vmem>> -> memref<64xi32, #tpu.memory_space<vmem>>
    %dma_wait3A_263 = arith.constant 0 : i32
    %dma_wait3A_264 = arith.constant 0 : i32
    %dma_wait3A_265 = tpu.memref_slice %arg3[%dma_wait3A_263, %dma_wait3A_264] : memref<2528x128xi32, #tpu.memory_space<hbm>> -> memref<2528x128xi32, #tpu.memory_space<hbm>>
    tpu.wait_indirect_dma semaphore(%arg20 : memref<!tpu.dma_semaphore, #tpu.memory_space<semaphore_mem>>) src(%dma_wait3A_265 : memref<2528x128xi32, #tpu.memory_space<hbm>>) dst(%dma_wait3A_259 : memref<64x128xi32, #tpu.memory_space<vmem>>)
    %scan3A = arith.constant 0 : i32
    %scan3A_266 = arith.constant 0 : i32
    %scan3A_267 = arith.constant 0 : i32
    %scan3A_268 = arith.constant 632 : i32
    %scan3A_269 = arith.addi %scan3A_267, %scan3A_268 : i32
    %scan3A_270 = arith.constant 1 : i32
    %scan3A_271:2 = scf.for %scan3A_437 = %scan3A_267 to %scan3A_269 step %scan3A_270 iter_args(%scan3A_438 = %scan3A, %scan3A_439 = %scan3A_266) -> (i32, i32)  : i32 {
      %jit3A = arith.constant 8 : i32
      %div3A = arith.divsi %scan3A_437, %jit3A : i32
      %sign3A = arith.constant 0 : i32
      %sign3A_440 = arith.cmpi sgt, %scan3A_437, %sign3A : i32
      %sign3A_441 = arith.extui %sign3A_440 : i1 to i32
      %sign3A_442 = arith.constant 0 : i32
      %sign3A_443 = arith.cmpi slt, %scan3A_437, %sign3A_442 : i32
      %sign3A_444 = arith.extui %sign3A_443 : i1 to i32
      %sign3A_445 = arith.subi %sign3A_441, %sign3A_444 : i32
      %sign3A_446 = arith.constant 0 : i32
      %sign3A_447 = arith.cmpi sgt, %jit3A, %sign3A_446 : i32
      %sign3A_448 = arith.extui %sign3A_447 : i1 to i32
      %sign3A_449 = arith.constant 0 : i32
      %sign3A_450 = arith.cmpi slt, %jit3A, %sign3A_449 : i32
      %sign3A_451 = arith.extui %sign3A_450 : i1 to i32
      %sign3A_452 = arith.subi %sign3A_448, %sign3A_451 : i32
      %ne3A = arith.cmpi ne, %sign3A_445, %sign3A_452 : i32
      %rem3A = arith.remsi %scan3A_437, %jit3A : i32
      %ne3A_453 = arith.constant 0 : i32
      %ne3A_454 = arith.cmpi ne, %rem3A, %ne3A_453 : i32
      %and3A_455 = arith.andi %ne3A, %ne3A_454 : i1
      %sub3A = arith.constant 1 : i32
      %sub3A_456 = arith.subi %div3A, %sub3A : i32
      %select_n3A_457 = arith.select %and3A_455, %sub3A_456, %div3A : i32
      %jit3A_458 = arith.constant 8 : i32
      %eq3A = arith.constant 0 : i32
      %eq3A_459 = arith.cmpi eq, %jit3A_458, %eq3A : i32
      %jit3A_460 = arith.constant 1 : i32
      %select_n3A_461 = arith.select %eq3A_459, %jit3A_460, %jit3A_458 : i32
      %rem3A_462 = arith.remsi %scan3A_437, %select_n3A_461 : i32
      %ne3A_463 = arith.constant 0 : i32
      %ne3A_464 = arith.cmpi ne, %rem3A_462, %ne3A_463 : i32
      %lt3A_465 = arith.constant 0 : i32
      %lt3A_466 = arith.cmpi slt, %rem3A_462, %lt3A_465 : i32
      %lt3A_467 = arith.constant 0 : i32
      %lt3A_468 = arith.cmpi slt, %select_n3A_461, %lt3A_467 : i32
      %ne3A_469 = arith.xori %lt3A_466, %lt3A_468 : i1
      %and3A_470 = arith.andi %ne3A_469, %ne3A_464 : i1
      %add3A_471 = arith.addi %rem3A_462, %select_n3A_461 : i32
      %select_n3A_472 = arith.select %and3A_470, %add3A_471, %rem3A_462 : i32
      %mul3A_473 = arith.constant 16 : i32
      %mul3A_474 = arith.muli %select_n3A_472, %mul3A_473 : i32
      %get3A = arith.index_cast %select_n3A_457 : i32 to index
      %get3A_475 = arith.index_cast %mul3A_474 : i32 to index
      %get3A_476 = tpu.vector_load %arg12[%get3A, %get3A_475] {strides = array<i32>} : memref<128x128xi32, #tpu.memory_space<vmem>>, vector<16xi32>,
      %get3A_477 = arith.index_cast %select_n3A_457 : i32 to index
      %get3A_478 = arith.index_cast %mul3A_474 : i32 to index
      %get3A_479 = tpu.vector_load %arg13[%get3A_477, %get3A_478] {strides = array<i32>} : memref<128x128xi32, #tpu.memory_space<vmem>>, vector<16xi32>,
      %get3A_480 = arith.index_cast %select_n3A_457 : i32 to index
      %get3A_481 = arith.index_cast %mul3A_474 : i32 to index
      %get3A_482 = tpu.vector_load %arg14[%get3A_480, %get3A_481] {strides = array<i32>} : memref<128x128xi32, #tpu.memory_space<vmem>>, vector<16xi32>,
      %eq3A_483 = arith.constant 2 : i32
      %eq3A_484 = vector.broadcast %eq3A_483 : i32 to vector<16xi32>
      %eq3A_485 = arith.cmpi eq, %get3A_476, %eq3A_484 : vector<16xi32>
      %jit3A_486 = arith.constant 1 : i32
      %jit3A_487 = arith.constant 0 : i32
      %broadcast_in_dim3A_488 = vector.broadcast %jit3A_486 : i32 to vector<16xi32>
      %broadcast_in_dim3A_489 = vector.broadcast %jit3A_487 : i32 to vector<16xi32>
      %select_n3A_490 = arith.select %eq3A_485, %broadcast_in_dim3A_488, %broadcast_in_dim3A_489 : vector<16xi1>, vector<16xi32>
      %broadcast_in_dim3A_491 = arith.constant true
      %broadcast_in_dim3A_492 = vector.broadcast %broadcast_in_dim3A_491 : i1 to vector<16xi1>
      %masked_cumsum3A = tpu.scan <sum>, %select_n3A_490 masked %broadcast_in_dim3A_492 : vector<16xi32>, vector<16xi1> -> vector<16xi32>
      %add3A_493 = vector.broadcast %scan3A_438 : i32 to vector<16xi32>
      %add3A_494 = arith.addi %add3A_493, %masked_cumsum3A : vector<16xi32>
      %sub3A_495 = arith.constant 1 : i32
      %sub3A_496 = vector.broadcast %sub3A_495 : i32 to vector<16xi32>
      %sub3A_497 = arith.subi %add3A_494, %sub3A_496 : vector<16xi32>
      %shift_right_arithmetic3A_498 = arith.constant 6 : i32
      %shift_right_arithmetic3A_499 = vector.broadcast %shift_right_arithmetic3A_498 : i32 to vector<16xi32>
      %shift_right_arithmetic3A_500 = arith.shrsi %sub3A_497, %shift_right_arithmetic3A_499 : vector<16xi32>
      %and3A_501 = arith.constant 63 : i32
      %and3A_502 = vector.broadcast %and3A_501 : i32 to vector<16xi32>
      %and3A_503 = arith.andi %sub3A_497, %and3A_502 : vector<16xi32>
      tpu.vector_store_idx %arg15[%shift_right_arithmetic3A_500, %and3A_503], %get3A_479 masked %eq3A_485 : memref<192x64xi32, #tpu.memory_space<vmem>>[vector<16xi32>, vector<16xi32>], vector<16xi32>, vector<16xi1>
      tpu.vector_store_idx %arg16[%shift_right_arithmetic3A_500, %and3A_503], %get3A_482 masked %eq3A_485 : memref<192x64xi32, #tpu.memory_space<vmem>>[vector<16xi32>, vector<16xi32>], vector<16xi32>, vector<16xi1>
      %slice3A = vector.extract_strided_slice %masked_cumsum3A {offsets = [15], sizes = [1], strides = [1]} : vector<16xi32> to vector<1xi32>
      %squeeze3A = vector.extract %slice3A[0] : i32 from vector<1xi32>
      %add3A_504 = arith.addi %scan3A_438, %squeeze3A : i32
      %eq3A_505 = arith.constant 3 : i32
      %eq3A_506 = vector.broadcast %eq3A_505 : i32 to vector<16xi32>
      %eq3A_507 = arith.cmpi eq, %get3A_476, %eq3A_506 : vector<16xi32>
      %jit3A_508 = arith.constant 1 : i32
      %jit3A_509 = arith.constant 0 : i32
      %broadcast_in_dim3A_510 = vector.broadcast %jit3A_508 : i32 to vector<16xi32>
      %broadcast_in_dim3A_511 = vector.broadcast %jit3A_509 : i32 to vector<16xi32>
      %select_n3A_512 = arith.select %eq3A_507, %broadcast_in_dim3A_510, %broadcast_in_dim3A_511 : vector<16xi1>, vector<16xi32>
      %broadcast_in_dim3A_513 = arith.constant true
      %broadcast_in_dim3A_514 = vector.broadcast %broadcast_in_dim3A_513 : i1 to vector<16xi1>
      %masked_cumsum3A_515 = tpu.scan <sum>, %select_n3A_512 masked %broadcast_in_dim3A_514 : vector<16xi32>, vector<16xi1> -> vector<16xi32>
      %add3A_516 = vector.broadcast %scan3A_439 : i32 to vector<16xi32>
      %add3A_517 = arith.addi %add3A_516, %masked_cumsum3A_515 : vector<16xi32>
      %sub3A_518 = arith.constant 1 : i32
      %sub3A_519 = vector.broadcast %sub3A_518 : i32 to vector<16xi32>
      %sub3A_520 = arith.subi %add3A_517, %sub3A_519 : vector<16xi32>
      %shift_right_arithmetic3A_521 = arith.constant 6 : i32
      %shift_right_arithmetic3A_522 = vector.broadcast %shift_right_arithmetic3A_521 : i32 to vector<16xi32>
      %shift_right_arithmetic3A_523 = arith.shrsi %sub3A_520, %shift_right_arithmetic3A_522 : vector<16xi32>
      %and3A_524 = arith.constant 63 : i32
      %and3A_525 = vector.broadcast %and3A_524 : i32 to vector<16xi32>
      %and3A_526 = arith.andi %sub3A_520, %and3A_525 : vector<16xi32>
      tpu.vector_store_idx %arg17[%shift_right_arithmetic3A_523, %and3A_526], %get3A_479 masked %eq3A_507 : memref<192x64xi32, #tpu.memory_space<vmem>>[vector<16xi32>, vector<16xi32>], vector<16xi32>, vector<16xi1>
      tpu.vector_store_idx %arg18[%shift_right_arithmetic3A_523, %and3A_526], %get3A_482 masked %eq3A_507 : memref<192x64xi32, #tpu.memory_space<vmem>>[vector<16xi32>, vector<16xi32>], vector<16xi32>, vector<16xi1>
      %slice3A_527 = vector.extract_strided_slice %masked_cumsum3A_515 {offsets = [15], sizes = [1], strides = [1]} : vector<16xi32> to vector<1xi32>
      %squeeze3A_528 = vector.extract %slice3A_527[0] : i32 from vector<1xi32>
      %add3A_529 = arith.addi %scan3A_439, %squeeze3A_528 : i32
      scf.yield %add3A_504, %add3A_529 : i32, i32
    }
    %scan3A_272 = arith.constant 632 : i32
    %add3A_273 = arith.constant 0 : i32
    %add3A_274 = arith.addi %scan3A_271#0, %add3A_273 : i32
    %iota3A_275 = tpu.iota {dimensions = array<i32: 0>} : vector<16xi32>
    %add3A_276 = vector.broadcast %add3A_274 : i32 to vector<16xi32>
    %add3A_277 = arith.addi %add3A_276, %iota3A_275 : vector<16xi32>
    %shift_right_arithmetic3A = arith.constant 6 : i32
    %shift_right_arithmetic3A_278 = vector.broadcast %shift_right_arithmetic3A : i32 to vector<16xi32>
    %shift_right_arithmetic3A_279 = arith.shrsi %add3A_277, %shift_right_arithmetic3A_278 : vector<16xi32>
    %and3A = arith.constant 63 : i32
    %and3A_280 = vector.broadcast %and3A : i32 to vector<16xi32>
    %and3A_281 = arith.andi %add3A_277, %and3A_280 : vector<16xi32>
    %broadcast_in_dim3A_282 = arith.constant 0 : i32
    %broadcast_in_dim3A_283 = vector.broadcast %broadcast_in_dim3A_282 : i32 to vector<16xi32>
    %broadcast_in_dim3A_284 = arith.constant true
    %broadcast_in_dim3A_285 = vector.broadcast %broadcast_in_dim3A_284 : i1 to vector<16xi1>
    tpu.vector_store_idx %arg15[%shift_right_arithmetic3A_279, %and3A_281], %broadcast_in_dim3A_283 masked %broadcast_in_dim3A_285 : memref<192x64xi32, #tpu.memory_space<vmem>>[vector<16xi32>, vector<16xi32>], vector<16xi32>, vector<16xi1>
    %broadcast_in_dim3A_286 = arith.constant 10000 : i32
    %broadcast_in_dim3A_287 = vector.broadcast %broadcast_in_dim3A_286 : i32 to vector<16xi32>
    %broadcast_in_dim3A_288 = arith.constant true
    %broadcast_in_dim3A_289 = vector.broadcast %broadcast_in_dim3A_288 : i1 to vector<16xi1>
    tpu.vector_store_idx %arg16[%shift_right_arithmetic3A_279, %and3A_281], %broadcast_in_dim3A_287 masked %broadcast_in_dim3A_289 : memref<192x64xi32, #tpu.memory_space<vmem>>[vector<16xi32>, vector<16xi32>], vector<16xi32>, vector<16xi1>
    %add3A_290 = arith.constant 16 : i32
    %add3A_291 = arith.addi %scan3A_271#0, %add3A_290 : i32
    %iota3A_292 = tpu.iota {dimensions = array<i32: 0>} : vector<16xi32>
    %add3A_293 = vector.broadcast %add3A_291 : i32 to vector<16xi32>
    %add3A_294 = arith.addi %add3A_293, %iota3A_292 : vector<16xi32>
    %shift_right_arithmetic3A_295 = arith.constant 6 : i32
    %shift_right_arithmetic3A_296 = vector.broadcast %shift_right_arithmetic3A_295 : i32 to vector<16xi32>
    %shift_right_arithmetic3A_297 = arith.shrsi %add3A_294, %shift_right_arithmetic3A_296 : vector<16xi32>
    %and3A_298 = arith.constant 63 : i32
    %and3A_299 = vector.broadcast %and3A_298 : i32 to vector<16xi32>
    %and3A_300 = arith.andi %add3A_294, %and3A_299 : vector<16xi32>
    %broadcast_in_dim3A_301 = arith.constant 0 : i32
    %broadcast_in_dim3A_302 = vector.broadcast %broadcast_in_dim3A_301 : i32 to vector<16xi32>
    %broadcast_in_dim3A_303 = arith.constant true
    %broadcast_in_dim3A_304 = vector.broadcast %broadcast_in_dim3A_303 : i1 to vector<16xi1>
    tpu.vector_store_idx %arg15[%shift_right_arithmetic3A_297, %and3A_300], %broadcast_in_dim3A_302 masked %broadcast_in_dim3A_304 : memref<192x64xi32, #tpu.memory_space<vmem>>[vector<16xi32>, vector<16xi32>], vector<16xi32>, vector<16xi1>
    %broadcast_in_dim3A_305 = arith.constant 10000 : i32
    %broadcast_in_dim3A_306 = vector.broadcast %broadcast_in_dim3A_305 : i32 to vector<16xi32>
    %broadcast_in_dim3A_307 = arith.constant true
    %broadcast_in_dim3A_308 = vector.broadcast %broadcast_in_dim3A_307 : i1 to vector<16xi1>
    tpu.vector_store_idx %arg16[%shift_right_arithmetic3A_297, %and3A_300], %broadcast_in_dim3A_306 masked %broadcast_in_dim3A_308 : memref<192x64xi32, #tpu.memory_space<vmem>>[vector<16xi32>, vector<16xi32>], vector<16xi32>, vector<16xi1>
    %add3A_309 = arith.constant 32 : i32
    %add3A_310 = arith.addi %scan3A_271#0, %add3A_309 : i32
    %iota3A_311 = tpu.iota {dimensions = array<i32: 0>} : vector<16xi32>
    %add3A_312 = vector.broadcast %add3A_310 : i32 to vector<16xi32>
    %add3A_313 = arith.addi %add3A_312, %iota3A_311 : vector<16xi32>
    %shift_right_arithmetic3A_314 = arith.constant 6 : i32
    %shift_right_arithmetic3A_315 = vector.broadcast %shift_right_arithmetic3A_314 : i32 to vector<16xi32>
    %shift_right_arithmetic3A_316 = arith.shrsi %add3A_313, %shift_right_arithmetic3A_315 : vector<16xi32>
    %and3A_317 = arith.constant 63 : i32
    %and3A_318 = vector.broadcast %and3A_317 : i32 to vector<16xi32>
    %and3A_319 = arith.andi %add3A_313, %and3A_318 : vector<16xi32>
    %broadcast_in_dim3A_320 = arith.constant 0 : i32
    %broadcast_in_dim3A_321 = vector.broadcast %broadcast_in_dim3A_320 : i32 to vector<16xi32>
    %broadcast_in_dim3A_322 = arith.constant true
    %broadcast_in_dim3A_323 = vector.broadcast %broadcast_in_dim3A_322 : i1 to vector<16xi1>
    tpu.vector_store_idx %arg15[%shift_right_arithmetic3A_316, %and3A_319], %broadcast_in_dim3A_321 masked %broadcast_in_dim3A_323 : memref<192x64xi32, #tpu.memory_space<vmem>>[vector<16xi32>, vector<16xi32>], vector<16xi32>, vector<16xi1>
    %broadcast_in_dim3A_324 = arith.constant 10000 : i32
    %broadcast_in_dim3A_325 = vector.broadcast %broadcast_in_dim3A_324 : i32 to vector<16xi32>
    %broadcast_in_dim3A_326 = arith.constant true
    %broadcast_in_dim3A_327 = vector.broadcast %broadcast_in_dim3A_326 : i1 to vector<16xi1>
    tpu.vector_store_idx %arg16[%shift_right_arithmetic3A_316, %and3A_319], %broadcast_in_dim3A_325 masked %broadcast_in_dim3A_327 : memref<192x64xi32, #tpu.memory_space<vmem>>[vector<16xi32>, vector<16xi32>], vector<16xi32>, vector<16xi1>
    %add3A_328 = arith.constant 48 : i32
    %add3A_329 = arith.addi %scan3A_271#0, %add3A_328 : i32
    %iota3A_330 = tpu.iota {dimensions = array<i32: 0>} : vector<16xi32>
    %add3A_331 = vector.broadcast %add3A_329 : i32 to vector<16xi32>
    %add3A_332 = arith.addi %add3A_331, %iota3A_330 : vector<16xi32>
    %shift_right_arithmetic3A_333 = arith.constant 6 : i32
    %shift_right_arithmetic3A_334 = vector.broadcast %shift_right_arithmetic3A_333 : i32 to vector<16xi32>
    %shift_right_arithmetic3A_335 = arith.shrsi %add3A_332, %shift_right_arithmetic3A_334 : vector<16xi32>
    %and3A_336 = arith.constant 63 : i32
    %and3A_337 = vector.broadcast %and3A_336 : i32 to vector<16xi32>
    %and3A_338 = arith.andi %add3A_332, %and3A_337 : vector<16xi32>
    %broadcast_in_dim3A_339 = arith.constant 0 : i32
    %broadcast_in_dim3A_340 = vector.broadcast %broadcast_in_dim3A_339 : i32 to vector<16xi32>
    %broadcast_in_dim3A_341 = arith.constant true
    %broadcast_in_dim3A_342 = vector.broadcast %broadcast_in_dim3A_341 : i1 to vector<16xi1>
    tpu.vector_store_idx %arg15[%shift_right_arithmetic3A_335, %and3A_338], %broadcast_in_dim3A_340 masked %broadcast_in_dim3A_342 : memref<192x64xi32, #tpu.memory_space<vmem>>[vector<16xi32>, vector<16xi32>], vector<16xi32>, vector<16xi1>
    %broadcast_in_dim3A_343 = arith.constant 10000 : i32
    %broadcast_in_dim3A_344 = vector.broadcast %broadcast_in_dim3A_343 : i32 to vector<16xi32>
    %broadcast_in_dim3A_345 = arith.constant true
    %broadcast_in_dim3A_346 = vector.broadcast %broadcast_in_dim3A_345 : i1 to vector<16xi1>
    tpu.vector_store_idx %arg16[%shift_right_arithmetic3A_335, %and3A_338], %broadcast_in_dim3A_344 masked %broadcast_in_dim3A_346 : memref<192x64xi32, #tpu.memory_space<vmem>>[vector<16xi32>, vector<16xi32>], vector<16xi32>, vector<16xi1>
    %add3A_347 = arith.constant 0 : i32
    %add3A_348 = arith.addi %scan3A_271#1, %add3A_347 : i32
    %iota3A_349 = tpu.iota {dimensions = array<i32: 0>} : vector<16xi32>
    %add3A_350 = vector.broadcast %add3A_348 : i32 to vector<16xi32>
    %add3A_351 = arith.addi %add3A_350, %iota3A_349 : vector<16xi32>
    %shift_right_arithmetic3A_352 = arith.constant 6 : i32
    %shift_right_arithmetic3A_353 = vector.broadcast %shift_right_arithmetic3A_352 : i32 to vector<16xi32>
    %shift_right_arithmetic3A_354 = arith.shrsi %add3A_351, %shift_right_arithmetic3A_353 : vector<16xi32>
    %and3A_355 = arith.constant 63 : i32
    %and3A_356 = vector.broadcast %and3A_355 : i32 to vector<16xi32>
    %and3A_357 = arith.andi %add3A_351, %and3A_356 : vector<16xi32>
    %broadcast_in_dim3A_358 = arith.constant 0 : i32
    %broadcast_in_dim3A_359 = vector.broadcast %broadcast_in_dim3A_358 : i32 to vector<16xi32>
    %broadcast_in_dim3A_360 = arith.constant true
    %broadcast_in_dim3A_361 = vector.broadcast %broadcast_in_dim3A_360 : i1 to vector<16xi1>
    tpu.vector_store_idx %arg17[%shift_right_arithmetic3A_354, %and3A_357], %broadcast_in_dim3A_359 masked %broadcast_in_dim3A_361 : memref<192x64xi32, #tpu.memory_space<vmem>>[vector<16xi32>, vector<16xi32>], vector<16xi32>, vector<16xi1>
    %broadcast_in_dim3A_362 = arith.constant 10000 : i32
    %broadcast_in_dim3A_363 = vector.broadcast %broadcast_in_dim3A_362 : i32 to vector<16xi32>
    %broadcast_in_dim3A_364 = arith.constant true
    %broadcast_in_dim3A_365 = vector.broadcast %broadcast_in_dim3A_364 : i1 to vector<16xi1>
    tpu.vector_store_idx %arg18[%shift_right_arithmetic3A_354, %and3A_357], %broadcast_in_dim3A_363 masked %broadcast_in_dim3A_365 : memref<192x64xi32, #tpu.memory_space<vmem>>[vector<16xi32>, vector<16xi32>], vector<16xi32>, vector<16xi1>
    %add3A_366 = arith.constant 16 : i32
    %add3A_367 = arith.addi %scan3A_271#1, %add3A_366 : i32
    %iota3A_368 = tpu.iota {dimensions = array<i32: 0>} : vector<16xi32>
    %add3A_369 = vector.broadcast %add3A_367 : i32 to vector<16xi32>
    %add3A_370 = arith.addi %add3A_369, %iota3A_368 : vector<16xi32>
    %shift_right_arithmetic3A_371 = arith.constant 6 : i32
    %shift_right_arithmetic3A_372 = vector.broadcast %shift_right_arithmetic3A_371 : i32 to vector<16xi32>
    %shift_right_arithmetic3A_373 = arith.shrsi %add3A_370, %shift_right_arithmetic3A_372 : vector<16xi32>
    %and3A_374 = arith.constant 63 : i32
    %and3A_375 = vector.broadcast %and3A_374 : i32 to vector<16xi32>
    %and3A_376 = arith.andi %add3A_370, %and3A_375 : vector<16xi32>
    %broadcast_in_dim3A_377 = arith.constant 0 : i32
    %broadcast_in_dim3A_378 = vector.broadcast %broadcast_in_dim3A_377 : i32 to vector<16xi32>
    %broadcast_in_dim3A_379 = arith.constant true
    %broadcast_in_dim3A_380 = vector.broadcast %broadcast_in_dim3A_379 : i1 to vector<16xi1>
    tpu.vector_store_idx %arg17[%shift_right_arithmetic3A_373, %and3A_376], %broadcast_in_dim3A_378 masked %broadcast_in_dim3A_380 : memref<192x64xi32, #tpu.memory_space<vmem>>[vector<16xi32>, vector<16xi32>], vector<16xi32>, vector<16xi1>
    %broadcast_in_dim3A_381 = arith.constant 10000 : i32
    %broadcast_in_dim3A_382 = vector.broadcast %broadcast_in_dim3A_381 : i32 to vector<16xi32>
    %broadcast_in_dim3A_383 = arith.constant true
    %broadcast_in_dim3A_384 = vector.broadcast %broadcast_in_dim3A_383 : i1 to vector<16xi1>
    tpu.vector_store_idx %arg18[%shift_right_arithmetic3A_373, %and3A_376], %broadcast_in_dim3A_382 masked %broadcast_in_dim3A_384 : memref<192x64xi32, #tpu.memory_space<vmem>>[vector<16xi32>, vector<16xi32>], vector<16xi32>, vector<16xi1>
    %add3A_385 = arith.constant 32 : i32
    %add3A_386 = arith.addi %scan3A_271#1, %add3A_385 : i32
    %iota3A_387 = tpu.iota {dimensions = array<i32: 0>} : vector<16xi32>
    %add3A_388 = vector.broadcast %add3A_386 : i32 to vector<16xi32>
    %add3A_389 = arith.addi %add3A_388, %iota3A_387 : vector<16xi32>
    %shift_right_arithmetic3A_390 = arith.constant 6 : i32
    %shift_right_arithmetic3A_391 = vector.broadcast %shift_right_arithmetic3A_390 : i32 to vector<16xi32>
    %shift_right_arithmetic3A_392 = arith.shrsi %add3A_389, %shift_right_arithmetic3A_391 : vector<16xi32>
    %and3A_393 = arith.constant 63 : i32
    %and3A_394 = vector.broadcast %and3A_393 : i32 to vector<16xi32>
    %and3A_395 = arith.andi %add3A_389, %and3A_394 : vector<16xi32>
    %broadcast_in_dim3A_396 = arith.constant 0 : i32
    %broadcast_in_dim3A_397 = vector.broadcast %broadcast_in_dim3A_396 : i32 to vector<16xi32>
    %broadcast_in_dim3A_398 = arith.constant true
    %broadcast_in_dim3A_399 = vector.broadcast %broadcast_in_dim3A_398 : i1 to vector<16xi1>
    tpu.vector_store_idx %arg17[%shift_right_arithmetic3A_392, %and3A_395], %broadcast_in_dim3A_397 masked %broadcast_in_dim3A_399 : memref<192x64xi32, #tpu.memory_space<vmem>>[vector<16xi32>, vector<16xi32>], vector<16xi32>, vector<16xi1>
    %broadcast_in_dim3A_400 = arith.constant 10000 : i32
    %broadcast_in_dim3A_401 = vector.broadcast %broadcast_in_dim3A_400 : i32 to vector<16xi32>
    %broadcast_in_dim3A_402 = arith.constant true
    %broadcast_in_dim3A_403 = vector.broadcast %broadcast_in_dim3A_402 : i1 to vector<16xi1>
    tpu.vector_store_idx %arg18[%shift_right_arithmetic3A_392, %and3A_395], %broadcast_in_dim3A_401 masked %broadcast_in_dim3A_403 : memref<192x64xi32, #tpu.memory_space<vmem>>[vector<16xi32>, vector<16xi32>], vector<16xi32>, vector<16xi1>
    %add3A_404 = arith.constant 48 : i32
    %add3A_405 = arith.addi %scan3A_271#1, %add3A_404 : i32
    %iota3A_406 = tpu.iota {dimensions = array<i32: 0>} : vector<16xi32>
    %add3A_407 = vector.broadcast %add3A_405 : i32 to vector<16xi32>
    %add3A_408 = arith.addi %add3A_407, %iota3A_406 : vector<16xi32>
    %shift_right_arithmetic3A_409 = arith.constant 6 : i32
    %shift_right_arithmetic3A_410 = vector.broadcast %shift_right_arithmetic3A_409 : i32 to vector<16xi32>
    %shift_right_arithmetic3A_411 = arith.shrsi %add3A_408, %shift_right_arithmetic3A_410 : vector<16xi32>
    %and3A_412 = arith.constant 63 : i32
    %and3A_413 = vector.broadcast %and3A_412 : i32 to vector<16xi32>
    %and3A_414 = arith.andi %add3A_408, %and3A_413 : vector<16xi32>
    %broadcast_in_dim3A_415 = arith.constant 0 : i32
    %broadcast_in_dim3A_416 = vector.broadcast %broadcast_in_dim3A_415 : i32 to vector<16xi32>
    %broadcast_in_dim3A_417 = arith.constant true
    %broadcast_in_dim3A_418 = vector.broadcast %broadcast_in_dim3A_417 : i1 to vector<16xi1>
    tpu.vector_store_idx %arg17[%shift_right_arithmetic3A_411, %and3A_414], %broadcast_in_dim3A_416 masked %broadcast_in_dim3A_418 : memref<192x64xi32, #tpu.memory_space<vmem>>[vector<16xi32>, vector<16xi32>], vector<16xi32>, vector<16xi1>
    %broadcast_in_dim3A_419 = arith.constant 10000 : i32
    %broadcast_in_dim3A_420 = vector.broadcast %broadcast_in_dim3A_419 : i32 to vector<16xi32>
    %broadcast_in_dim3A_421 = arith.constant true
    %broadcast_in_dim3A_422 = vector.broadcast %broadcast_in_dim3A_421 : i1 to vector<16xi1>
    tpu.vector_store_idx %arg18[%shift_right_arithmetic3A_411, %and3A_414], %broadcast_in_dim3A_420 masked %broadcast_in_dim3A_422 : memref<192x64xi32, #tpu.memory_space<vmem>>[vector<16xi32>, vector<16xi32>], vector<16xi32>, vector<16xi1>
    %broadcast_in_dim3A_423 = arith.constant 0 : i32
    %broadcast_in_dim3A_424 = vector.broadcast %broadcast_in_dim3A_423 : i32 to vector<16xi32>
    %add3A_425 = vector.broadcast %scan3A_271#0 : i32 to vector<16xi32>
    %add3A_426 = arith.addi %add3A_425, %broadcast_in_dim3A_424 : vector<16xi32>
    %swap3A_427 = arith.constant 0 : index
    %swap3A_428 = tpu.vector_load %arg19[%swap3A_427] {strides = array<i32>} : memref<16xi32, #tpu.memory_space<vmem>>, vector<16xi32>,
    tpu.vector_store %arg19[%swap3A_427], %add3A_426 {strides = array<i32>} : memref<16xi32, #tpu.memory_space<vmem>>, vector<16xi32>,
    "tpu.region"() ({
      %run_scoped3A = tpu.sem_alloc : memref<!tpu.dma_semaphore, #tpu.memory_space<semaphore_mem>>
      %dma_start3A_437 = arith.constant 0 : i32
      %dma_start3A_438 = tpu.memref_slice %arg9[%add3A, %dma_start3A_437] : memref<32x16xi32, #tpu.memory_space<hbm>> -> memref<1x16xi32, #tpu.memory_space<hbm>>
      %dma_start3A_439 = tpu.memref_squeeze %dma_start3A_438 : memref<1x16xi32, #tpu.memory_space<hbm>> -> memref<16xi32, #tpu.memory_space<hbm>>
      %dma_start3A_440 = arith.constant 0 : i32
      %dma_start3A_441 = tpu.memref_slice %arg9[%add3A, %dma_start3A_440] : memref<32x16xi32, #tpu.memory_space<hbm>> -> memref<1x16xi32, #tpu.memory_space<hbm>>
      %dma_start3A_442 = tpu.memref_squeeze %dma_start3A_441 : memref<1x16xi32, #tpu.memory_space<hbm>> -> memref<16xi32, #tpu.memory_space<hbm>>
      tpu.enqueue_dma source(%arg19 : memref<16xi32, #tpu.memory_space<vmem>>) target(%dma_start3A_442 : memref<16xi32, #tpu.memory_space<hbm>>) target_semaphore(%run_scoped3A : memref<!tpu.dma_semaphore, #tpu.memory_space<semaphore_mem>>)
      %dma_wait3A_443 = arith.constant 0 : i32
      %dma_wait3A_444 = tpu.memref_slice %arg9[%add3A, %dma_wait3A_443] : memref<32x16xi32, #tpu.memory_space<hbm>> -> memref<1x16xi32, #tpu.memory_space<hbm>>
      %dma_wait3A_445 = tpu.memref_squeeze %dma_wait3A_444 : memref<1x16xi32, #tpu.memory_space<hbm>> -> memref<16xi32, #tpu.memory_space<hbm>>
      %dma_wait3A_446 = arith.constant 0 : i32
      %dma_wait3A_447 = tpu.memref_slice %arg9[%add3A, %dma_wait3A_446] : memref<32x16xi32, #tpu.memory_space<hbm>> -> memref<1x16xi32, #tpu.memory_space<hbm>>
      %dma_wait3A_448 = tpu.memref_squeeze %dma_wait3A_447 : memref<1x16xi32, #tpu.memory_space<hbm>> -> memref<16xi32, #tpu.memory_space<hbm>>
      tpu.wait_dma2 semaphore(%run_scoped3A : memref<!tpu.dma_semaphore, #tpu.memory_space<semaphore_mem>>) src(%arg19 : memref<16xi32, #tpu.memory_space<vmem>>) dst(%dma_wait3A_448 : memref<16xi32, #tpu.memory_space<hbm>>)
      tpu.yield
    }) : () -> ()
    %broadcast_in_dim3A_429 = arith.constant 0 : i32
    %broadcast_in_dim3A_430 = vector.broadcast %broadcast_in_dim3A_429 : i32 to vector<16xi32>
    %add3A_431 = vector.broadcast %scan3A_271#1 : i32 to vector<16xi32>
    %add3A_432 = arith.addi %add3A_431, %broadcast_in_dim3A_430 : vector<16xi32>
    %swap3A_433 = arith.constant 0 : index
    %swap3A_434 = tpu.vector_load %arg19[%swap3A_433] {strides = array<i32>} : memref<16xi32, #tpu.memory_space<vmem>>, vector<16xi32>,
    tpu.vector_store %arg19[%swap3A_433], %add3A_432 {strides = array<i32>} : memref<16xi32, #tpu.memory_space<vmem>>, vector<16xi32>,
    "tpu.region"() ({
      %run_scoped3A = tpu.sem_alloc : memref<!tpu.dma_semaphore, #tpu.memory_space<semaphore_mem>>
      %dma_start3A_437 = arith.constant 0 : i32
      %dma_start3A_438 = tpu.memref_slice %arg10[%add3A, %dma_start3A_437] : memref<32x16xi32, #tpu.memory_space<hbm>> -> memref<1x16xi32, #tpu.memory_space<hbm>>
      %dma_start3A_439 = tpu.memref_squeeze %dma_start3A_438 : memref<1x16xi32, #tpu.memory_space<hbm>> -> memref<16xi32, #tpu.memory_space<hbm>>
      %dma_start3A_440 = arith.constant 0 : i32
      %dma_start3A_441 = tpu.memref_slice %arg10[%add3A, %dma_start3A_440] : memref<32x16xi32, #tpu.memory_space<hbm>> -> memref<1x16xi32, #tpu.memory_space<hbm>>
      %dma_start3A_442 = tpu.memref_squeeze %dma_start3A_441 : memref<1x16xi32, #tpu.memory_space<hbm>> -> memref<16xi32, #tpu.memory_space<hbm>>
      tpu.enqueue_dma source(%arg19 : memref<16xi32, #tpu.memory_space<vmem>>) target(%dma_start3A_442 : memref<16xi32, #tpu.memory_space<hbm>>) target_semaphore(%run_scoped3A : memref<!tpu.dma_semaphore, #tpu.memory_space<semaphore_mem>>)
      %dma_wait3A_443 = arith.constant 0 : i32
      %dma_wait3A_444 = tpu.memref_slice %arg10[%add3A, %dma_wait3A_443] : memref<32x16xi32, #tpu.memory_space<hbm>> -> memref<1x16xi32, #tpu.memory_space<hbm>>
      %dma_wait3A_445 = tpu.memref_squeeze %dma_wait3A_444 : memref<1x16xi32, #tpu.memory_space<hbm>> -> memref<16xi32, #tpu.memory_space<hbm>>
      %dma_wait3A_446 = arith.constant 0 : i32
      %dma_wait3A_447 = tpu.memref_slice %arg10[%add3A, %dma_wait3A_446] : memref<32x16xi32, #tpu.memory_space<hbm>> -> memref<1x16xi32, #tpu.memory_space<hbm>>
      %dma_wait3A_448 = tpu.memref_squeeze %dma_wait3A_447 : memref<1x16xi32, #tpu.memory_space<hbm>> -> memref<16xi32, #tpu.memory_space<hbm>>
      tpu.wait_dma2 semaphore(%run_scoped3A : memref<!tpu.dma_semaphore, #tpu.memory_space<semaphore_mem>>) src(%arg19 : memref<16xi32, #tpu.memory_space<vmem>>) dst(%dma_wait3A_448 : memref<16xi32, #tpu.memory_space<hbm>>)
      tpu.yield
    }) : () -> ()
    %mul3A_435 = arith.constant 192 : i32
    %mul3A_436 = arith.muli %add3A, %mul3A_435 : i32
    "tpu.region"() ({
      %run_scoped3A = tpu.sem_alloc : memref<!tpu.dma_semaphore, #tpu.memory_space<semaphore_mem>>
      %dma_start3A_437 = arith.constant 0 : i32
      %dma_start3A_438 = tpu.memref_slice %arg5[%mul3A_436, %dma_start3A_437] : memref<6144x64xi32, #tpu.memory_space<hbm>> -> memref<192x64xi32, #tpu.memory_space<hbm>>
      %dma_start3A_439 = arith.constant 0 : i32
      %dma_start3A_440 = tpu.memref_slice %arg5[%mul3A_436, %dma_start3A_439] : memref<6144x64xi32, #tpu.memory_space<hbm>> -> memref<192x64xi32, #tpu.memory_space<hbm>>
      tpu.enqueue_dma source(%arg15 : memref<192x64xi32, #tpu.memory_space<vmem>>) target(%dma_start3A_440 : memref<192x64xi32, #tpu.memory_space<hbm>>) target_semaphore(%run_scoped3A : memref<!tpu.dma_semaphore, #tpu.memory_space<semaphore_mem>>)
      %dma_wait3A_441 = arith.constant 0 : i32
      %dma_wait3A_442 = tpu.memref_slice %arg5[%mul3A_436, %dma_wait3A_441] : memref<6144x64xi32, #tpu.memory_space<hbm>> -> memref<192x64xi32, #tpu.memory_space<hbm>>
      %dma_wait3A_443 = arith.constant 0 : i32
      %dma_wait3A_444 = tpu.memref_slice %arg5[%mul3A_436, %dma_wait3A_443] : memref<6144x64xi32, #tpu.memory_space<hbm>> -> memref<192x64xi32, #tpu.memory_space<hbm>>
      tpu.wait_dma2 semaphore(%run_scoped3A : memref<!tpu.dma_semaphore, #tpu.memory_space<semaphore_mem>>) src(%arg15 : memref<192x64xi32, #tpu.memory_space<vmem>>) dst(%dma_wait3A_444 : memref<192x64xi32, #tpu.memory_space<hbm>>)
      tpu.yield
    }) : () -> ()
    "tpu.region"() ({
      %run_scoped3A = tpu.sem_alloc : memref<!tpu.dma_semaphore, #tpu.memory_space<semaphore_mem>>
      %dma_start3A_437 = arith.constant 0 : i32
      %dma_start3A_438 = tpu.memref_slice %arg6[%mul3A_436, %dma_start3A_437] : memref<6144x64xi32, #tpu.memory_space<hbm>> -> memref<192x64xi32, #tpu.memory_space<hbm>>
      %dma_start3A_439 = arith.constant 0 : i32
      %dma_start3A_440 = tpu.memref_slice %arg6[%mul3A_436, %dma_start3A_439] : memref<6144x64xi32, #tpu.memory_space<hbm>> -> memref<192x64xi32, #tpu.memory_space<hbm>>
      tpu.enqueue_dma source(%arg16 : memref<192x64xi32, #tpu.memory_space<vmem>>) target(%dma_start3A_440 : memref<192x64xi32, #tpu.memory_space<hbm>>) target_semaphore(%run_scoped3A : memref<!tpu.dma_semaphore, #tpu.memory_space<semaphore_mem>>)
      %dma_wait3A_441 = arith.constant 0 : i32
      %dma_wait3A_442 = tpu.memref_slice %arg6[%mul3A_436, %dma_wait3A_441] : memref<6144x64xi32, #tpu.memory_space<hbm>> -> memref<192x64xi32, #tpu.memory_space<hbm>>
      %dma_wait3A_443 = arith.constant 0 : i32
      %dma_wait3A_444 = tpu.memref_slice %arg6[%mul3A_436, %dma_wait3A_443] : memref<6144x64xi32, #tpu.memory_space<hbm>> -> memref<192x64xi32, #tpu.memory_space<hbm>>
      tpu.wait_dma2 semaphore(%run_scoped3A : memref<!tpu.dma_semaphore, #tpu.memory_space<semaphore_mem>>) src(%arg16 : memref<192x64xi32, #tpu.memory_space<vmem>>) dst(%dma_wait3A_444 : memref<192x64xi32, #tpu.memory_space<hbm>>)
      tpu.yield
    }) : () -> ()
    "tpu.region"() ({
      %run_scoped3A = tpu.sem_alloc : memref<!tpu.dma_semaphore, #tpu.memory_space<semaphore_mem>>
      %dma_start3A_437 = arith.constant 0 : i32
      %dma_start3A_438 = tpu.memref_slice %arg7[%mul3A_436, %dma_start3A_437] : memref<6144x64xi32, #tpu.memory_space<hbm>> -> memref<192x64xi32, #tpu.memory_space<hbm>>
      %dma_start3A_439 = arith.constant 0 : i32
      %dma_start3A_440 = tpu.memref_slice %arg7[%mul3A_436, %dma_start3A_439] : memref<6144x64xi32, #tpu.memory_space<hbm>> -> memref<192x64xi32, #tpu.memory_space<hbm>>
      tpu.enqueue_dma source(%arg17 : memref<192x64xi32, #tpu.memory_space<vmem>>) target(%dma_start3A_440 : memref<192x64xi32, #tpu.memory_space<hbm>>) target_semaphore(%run_scoped3A : memref<!tpu.dma_semaphore, #tpu.memory_space<semaphore_mem>>)
      %dma_wait3A_441 = arith.constant 0 : i32
      %dma_wait3A_442 = tpu.memref_slice %arg7[%mul3A_436, %dma_wait3A_441] : memref<6144x64xi32, #tpu.memory_space<hbm>> -> memref<192x64xi32, #tpu.memory_space<hbm>>
      %dma_wait3A_443 = arith.constant 0 : i32
      %dma_wait3A_444 = tpu.memref_slice %arg7[%mul3A_436, %dma_wait3A_443] : memref<6144x64xi32, #tpu.memory_space<hbm>> -> memref<192x64xi32, #tpu.memory_space<hbm>>
      tpu.wait_dma2 semaphore(%run_scoped3A : memref<!tpu.dma_semaphore, #tpu.memory_space<semaphore_mem>>) src(%arg17 : memref<192x64xi32, #tpu.memory_space<vmem>>) dst(%dma_wait3A_444 : memref<192x64xi32, #tpu.memory_space<hbm>>)
      tpu.yield
    }) : () -> ()
    "tpu.region"() ({
      %run_scoped3A = tpu.sem_alloc : memref<!tpu.dma_semaphore, #tpu.memory_space<semaphore_mem>>
      %dma_start3A_437 = arith.constant 0 : i32
      %dma_start3A_438 = tpu.memref_slice %arg8[%mul3A_436, %dma_start3A_437] : memref<6144x64xi32, #tpu.memory_space<hbm>> -> memref<192x64xi32, #tpu.memory_space<hbm>>
      %dma_start3A_439 = arith.constant 0 : i32
      %dma_start3A_440 = tpu.memref_slice %arg8[%mul3A_436, %dma_start3A_439] : memref<6144x64xi32, #tpu.memory_space<hbm>> -> memref<192x64xi32, #tpu.memory_space<hbm>>
      tpu.enqueue_dma source(%arg18 : memref<192x64xi32, #tpu.memory_space<vmem>>) target(%dma_start3A_440 : memref<192x64xi32, #tpu.memory_space<hbm>>) target_semaphore(%run_scoped3A : memref<!tpu.dma_semaphore, #tpu.memory_space<semaphore_mem>>)
      %dma_wait3A_441 = arith.constant 0 : i32
      %dma_wait3A_442 = tpu.memref_slice %arg8[%mul3A_436, %dma_wait3A_441] : memref<6144x64xi32, #tpu.memory_space<hbm>> -> memref<192x64xi32, #tpu.memory_space<hbm>>
      %dma_wait3A_443 = arith.constant 0 : i32
      %dma_wait3A_444 = tpu.memref_slice %arg8[%mul3A_436, %dma_wait3A_443] : memref<6144x64xi32, #tpu.memory_space<hbm>> -> memref<192x64xi32, #tpu.memory_space<hbm>>
      tpu.wait_dma2 semaphore(%run_scoped3A : memref<!tpu.dma_semaphore, #tpu.memory_space<semaphore_mem>>) src(%arg18 : memref<192x64xi32, #tpu.memory_space<vmem>>) dst(%dma_wait3A_444 : memref<192x64xi32, #tpu.memory_space<hbm>>)
      tpu.yield
    }) : () -> ()
    return
  }
}

#map = affine_map<(d0, d1) -> (0, 0)>
#map1 = affine_map<(d0, d1) -> (0, 0, 0)>
module attributes {stable_mosaic.version = 14 : i64} {
  func.func @body(%arg0: i32, %arg1: i32, %arg2: memref<10000x128xf32, #tpu.memory_space<hbm>>, %arg3: memref<6144x64xi32, #tpu.memory_space<hbm>>, %arg4: memref<6144x64xi32, #tpu.memory_space<hbm>>, %arg5: memref<32x16xi32, #tpu.memory_space<hbm>>, %arg6: memref<2x10112x128xf32, #tpu.memory_space<hbm>>, %arg7: memref<3x64xi32, #tpu.memory_space<vmem>>, %arg8: memref<192x64xi32, #tpu.memory_space<vmem>>, %arg9: memref<192x64xi32, #tpu.memory_space<vmem>>, %arg10: memref<16xi32, #tpu.memory_space<vmem>>, %arg11: memref<64x128xf32, #tpu.memory_space<vmem>>, %arg12: memref<64x128xf32, #tpu.memory_space<vmem>>, %arg13: memref<64x128xf32, #tpu.memory_space<vmem>>, %arg14: memref<10112x128xf32, #tpu.memory_space<vmem_shared>>, %arg15: memref<!tpu.dma_semaphore, #tpu.memory_space<semaphore_mem>>, %arg16: memref<!tpu.dma_semaphore, #tpu.memory_space<semaphore_mem>>, %arg17: memref<!tpu.dma_semaphore, #tpu.memory_space<semaphore_mem>>) attributes {dimension_semantics = [#tpu.dimension_semantics<core_parallel>, #tpu.dimension_semantics<subcore_parallel>], iteration_bounds = array<i64: 2, 16>, scalar_prefetch = 0 : i64, scratch_operands = 11 : i64, tpu.core_type = #tpu.core_type<sc_vector_subcore>, window_params = [{transform_indices = #map}, {transform_indices = #map}, {transform_indices = #map}, {transform_indices = #map}, {transform_indices = #map1}]} {
    %mul3A = arith.constant 16 : i32
    %mul3A_0 = arith.muli %arg0, %mul3A : i32
    %add3A = arith.addi %mul3A_0, %arg1 : i32
    %mul3A_1 = arith.constant 632 : i32
    %mul3A_2 = arith.muli %arg1, %mul3A_1 : i32
    %mul3A_3 = arith.constant 192 : i32
    %mul3A_4 = arith.muli %add3A, %mul3A_3 : i32
    %add3A_5 = arith.constant 0 : i32
    %add3A_6 = arith.addi %mul3A_4, %add3A_5 : i32
    %iota3A = tpu.iota {dimensions = array<i32: 0>} : vector<16xi32>
    %add3A_7 = vector.broadcast %add3A_6 : i32 to vector<16xi32>
    %add3A_8 = arith.addi %add3A_7, %iota3A : vector<16xi32>
    %swap3A = arith.constant 0 : i32
    %swap3A_9 = arith.index_cast %swap3A : i32 to index
    %swap3A_10 = arith.constant 0 : index
    %swap3A_11 = tpu.vector_load %arg7[%swap3A_9, %swap3A_10] {strides = array<i32>} : memref<3x64xi32, #tpu.memory_space<vmem>>, vector<16xi32>,
    tpu.vector_store %arg7[%swap3A_9, %swap3A_10], %add3A_8 {strides = array<i32>} : memref<3x64xi32, #tpu.memory_space<vmem>>, vector<16xi32>,
    %mul3A_12 = arith.constant 192 : i32
    %mul3A_13 = arith.muli %add3A, %mul3A_12 : i32
    %add3A_14 = arith.constant 16 : i32
    %add3A_15 = arith.addi %mul3A_13, %add3A_14 : i32
    %iota3A_16 = tpu.iota {dimensions = array<i32: 0>} : vector<16xi32>
    %add3A_17 = vector.broadcast %add3A_15 : i32 to vector<16xi32>
    %add3A_18 = arith.addi %add3A_17, %iota3A_16 : vector<16xi32>
    %swap3A_19 = arith.constant 0 : i32
    %swap3A_20 = arith.index_cast %swap3A_19 : i32 to index
    %swap3A_21 = arith.constant 16 : index
    %swap3A_22 = tpu.vector_load %arg7[%swap3A_20, %swap3A_21] {strides = array<i32>} : memref<3x64xi32, #tpu.memory_space<vmem>>, vector<16xi32>,
    tpu.vector_store %arg7[%swap3A_20, %swap3A_21], %add3A_18 {strides = array<i32>} : memref<3x64xi32, #tpu.memory_space<vmem>>, vector<16xi32>,
    %mul3A_23 = arith.constant 192 : i32
    %mul3A_24 = arith.muli %add3A, %mul3A_23 : i32
    %add3A_25 = arith.constant 32 : i32
    %add3A_26 = arith.addi %mul3A_24, %add3A_25 : i32
    %iota3A_27 = tpu.iota {dimensions = array<i32: 0>} : vector<16xi32>
    %add3A_28 = vector.broadcast %add3A_26 : i32 to vector<16xi32>
    %add3A_29 = arith.addi %add3A_28, %iota3A_27 : vector<16xi32>
    %swap3A_30 = arith.constant 0 : i32
    %swap3A_31 = arith.index_cast %swap3A_30 : i32 to index
    %swap3A_32 = arith.constant 32 : index
    %swap3A_33 = tpu.vector_load %arg7[%swap3A_31, %swap3A_32] {strides = array<i32>} : memref<3x64xi32, #tpu.memory_space<vmem>>, vector<16xi32>,
    tpu.vector_store %arg7[%swap3A_31, %swap3A_32], %add3A_29 {strides = array<i32>} : memref<3x64xi32, #tpu.memory_space<vmem>>, vector<16xi32>,
    %mul3A_34 = arith.constant 192 : i32
    %mul3A_35 = arith.muli %add3A, %mul3A_34 : i32
    %add3A_36 = arith.constant 48 : i32
    %add3A_37 = arith.addi %mul3A_35, %add3A_36 : i32
    %iota3A_38 = tpu.iota {dimensions = array<i32: 0>} : vector<16xi32>
    %add3A_39 = vector.broadcast %add3A_37 : i32 to vector<16xi32>
    %add3A_40 = arith.addi %add3A_39, %iota3A_38 : vector<16xi32>
    %swap3A_41 = arith.constant 0 : i32
    %swap3A_42 = arith.index_cast %swap3A_41 : i32 to index
    %swap3A_43 = arith.constant 48 : index
    %swap3A_44 = tpu.vector_load %arg7[%swap3A_42, %swap3A_43] {strides = array<i32>} : memref<3x64xi32, #tpu.memory_space<vmem>>, vector<16xi32>,
    tpu.vector_store %arg7[%swap3A_42, %swap3A_43], %add3A_40 {strides = array<i32>} : memref<3x64xi32, #tpu.memory_space<vmem>>, vector<16xi32>,
    %mul3A_45 = arith.constant 192 : i32
    %mul3A_46 = arith.muli %add3A, %mul3A_45 : i32
    %add3A_47 = arith.constant 64 : i32
    %add3A_48 = arith.addi %mul3A_46, %add3A_47 : i32
    %iota3A_49 = tpu.iota {dimensions = array<i32: 0>} : vector<16xi32>
    %add3A_50 = vector.broadcast %add3A_48 : i32 to vector<16xi32>
    %add3A_51 = arith.addi %add3A_50, %iota3A_49 : vector<16xi32>
    %swap3A_52 = arith.constant 1 : i32
    %swap3A_53 = arith.index_cast %swap3A_52 : i32 to index
    %swap3A_54 = arith.constant 0 : index
    %swap3A_55 = tpu.vector_load %arg7[%swap3A_53, %swap3A_54] {strides = array<i32>} : memref<3x64xi32, #tpu.memory_space<vmem>>, vector<16xi32>,
    tpu.vector_store %arg7[%swap3A_53, %swap3A_54], %add3A_51 {strides = array<i32>} : memref<3x64xi32, #tpu.memory_space<vmem>>, vector<16xi32>,
    %mul3A_56 = arith.constant 192 : i32
    %mul3A_57 = arith.muli %add3A, %mul3A_56 : i32
    %add3A_58 = arith.constant 80 : i32
    %add3A_59 = arith.addi %mul3A_57, %add3A_58 : i32
    %iota3A_60 = tpu.iota {dimensions = array<i32: 0>} : vector<16xi32>
    %add3A_61 = vector.broadcast %add3A_59 : i32 to vector<16xi32>
    %add3A_62 = arith.addi %add3A_61, %iota3A_60 : vector<16xi32>
    %swap3A_63 = arith.constant 1 : i32
    %swap3A_64 = arith.index_cast %swap3A_63 : i32 to index
    %swap3A_65 = arith.constant 16 : index
    %swap3A_66 = tpu.vector_load %arg7[%swap3A_64, %swap3A_65] {strides = array<i32>} : memref<3x64xi32, #tpu.memory_space<vmem>>, vector<16xi32>,
    tpu.vector_store %arg7[%swap3A_64, %swap3A_65], %add3A_62 {strides = array<i32>} : memref<3x64xi32, #tpu.memory_space<vmem>>, vector<16xi32>,
    %mul3A_67 = arith.constant 192 : i32
    %mul3A_68 = arith.muli %add3A, %mul3A_67 : i32
    %add3A_69 = arith.constant 96 : i32
    %add3A_70 = arith.addi %mul3A_68, %add3A_69 : i32
    %iota3A_71 = tpu.iota {dimensions = array<i32: 0>} : vector<16xi32>
    %add3A_72 = vector.broadcast %add3A_70 : i32 to vector<16xi32>
    %add3A_73 = arith.addi %add3A_72, %iota3A_71 : vector<16xi32>
    %swap3A_74 = arith.constant 1 : i32
    %swap3A_75 = arith.index_cast %swap3A_74 : i32 to index
    %swap3A_76 = arith.constant 32 : index
    %swap3A_77 = tpu.vector_load %arg7[%swap3A_75, %swap3A_76] {strides = array<i32>} : memref<3x64xi32, #tpu.memory_space<vmem>>, vector<16xi32>,
    tpu.vector_store %arg7[%swap3A_75, %swap3A_76], %add3A_73 {strides = array<i32>} : memref<3x64xi32, #tpu.memory_space<vmem>>, vector<16xi32>,
    %mul3A_78 = arith.constant 192 : i32
    %mul3A_79 = arith.muli %add3A, %mul3A_78 : i32
    %add3A_80 = arith.constant 112 : i32
    %add3A_81 = arith.addi %mul3A_79, %add3A_80 : i32
    %iota3A_82 = tpu.iota {dimensions = array<i32: 0>} : vector<16xi32>
    %add3A_83 = vector.broadcast %add3A_81 : i32 to vector<16xi32>
    %add3A_84 = arith.addi %add3A_83, %iota3A_82 : vector<16xi32>
    %swap3A_85 = arith.constant 1 : i32
    %swap3A_86 = arith.index_cast %swap3A_85 : i32 to index
    %swap3A_87 = arith.constant 48 : index
    %swap3A_88 = tpu.vector_load %arg7[%swap3A_86, %swap3A_87] {strides = array<i32>} : memref<3x64xi32, #tpu.memory_space<vmem>>, vector<16xi32>,
    tpu.vector_store %arg7[%swap3A_86, %swap3A_87], %add3A_84 {strides = array<i32>} : memref<3x64xi32, #tpu.memory_space<vmem>>, vector<16xi32>,
    %mul3A_89 = arith.constant 192 : i32
    %mul3A_90 = arith.muli %add3A, %mul3A_89 : i32
    %add3A_91 = arith.constant 128 : i32
    %add3A_92 = arith.addi %mul3A_90, %add3A_91 : i32
    %iota3A_93 = tpu.iota {dimensions = array<i32: 0>} : vector<16xi32>
    %add3A_94 = vector.broadcast %add3A_92 : i32 to vector<16xi32>
    %add3A_95 = arith.addi %add3A_94, %iota3A_93 : vector<16xi32>
    %swap3A_96 = arith.constant 2 : i32
    %swap3A_97 = arith.index_cast %swap3A_96 : i32 to index
    %swap3A_98 = arith.constant 0 : index
    %swap3A_99 = tpu.vector_load %arg7[%swap3A_97, %swap3A_98] {strides = array<i32>} : memref<3x64xi32, #tpu.memory_space<vmem>>, vector<16xi32>,
    tpu.vector_store %arg7[%swap3A_97, %swap3A_98], %add3A_95 {strides = array<i32>} : memref<3x64xi32, #tpu.memory_space<vmem>>, vector<16xi32>,
    %mul3A_100 = arith.constant 192 : i32
    %mul3A_101 = arith.muli %add3A, %mul3A_100 : i32
    %add3A_102 = arith.constant 144 : i32
    %add3A_103 = arith.addi %mul3A_101, %add3A_102 : i32
    %iota3A_104 = tpu.iota {dimensions = array<i32: 0>} : vector<16xi32>
    %add3A_105 = vector.broadcast %add3A_103 : i32 to vector<16xi32>
    %add3A_106 = arith.addi %add3A_105, %iota3A_104 : vector<16xi32>
    %swap3A_107 = arith.constant 2 : i32
    %swap3A_108 = arith.index_cast %swap3A_107 : i32 to index
    %swap3A_109 = arith.constant 16 : index
    %swap3A_110 = tpu.vector_load %arg7[%swap3A_108, %swap3A_109] {strides = array<i32>} : memref<3x64xi32, #tpu.memory_space<vmem>>, vector<16xi32>,
    tpu.vector_store %arg7[%swap3A_108, %swap3A_109], %add3A_106 {strides = array<i32>} : memref<3x64xi32, #tpu.memory_space<vmem>>, vector<16xi32>,
    %mul3A_111 = arith.constant 192 : i32
    %mul3A_112 = arith.muli %add3A, %mul3A_111 : i32
    %add3A_113 = arith.constant 160 : i32
    %add3A_114 = arith.addi %mul3A_112, %add3A_113 : i32
    %iota3A_115 = tpu.iota {dimensions = array<i32: 0>} : vector<16xi32>
    %add3A_116 = vector.broadcast %add3A_114 : i32 to vector<16xi32>
    %add3A_117 = arith.addi %add3A_116, %iota3A_115 : vector<16xi32>
    %swap3A_118 = arith.constant 2 : i32
    %swap3A_119 = arith.index_cast %swap3A_118 : i32 to index
    %swap3A_120 = arith.constant 32 : index
    %swap3A_121 = tpu.vector_load %arg7[%swap3A_119, %swap3A_120] {strides = array<i32>} : memref<3x64xi32, #tpu.memory_space<vmem>>, vector<16xi32>,
    tpu.vector_store %arg7[%swap3A_119, %swap3A_120], %add3A_117 {strides = array<i32>} : memref<3x64xi32, #tpu.memory_space<vmem>>, vector<16xi32>,
    %mul3A_122 = arith.constant 192 : i32
    %mul3A_123 = arith.muli %add3A, %mul3A_122 : i32
    %add3A_124 = arith.constant 176 : i32
    %add3A_125 = arith.addi %mul3A_123, %add3A_124 : i32
    %iota3A_126 = tpu.iota {dimensions = array<i32: 0>} : vector<16xi32>
    %add3A_127 = vector.broadcast %add3A_125 : i32 to vector<16xi32>
    %add3A_128 = arith.addi %add3A_127, %iota3A_126 : vector<16xi32>
    %swap3A_129 = arith.constant 2 : i32
    %swap3A_130 = arith.index_cast %swap3A_129 : i32 to index
    %swap3A_131 = arith.constant 48 : index
    %swap3A_132 = tpu.vector_load %arg7[%swap3A_130, %swap3A_131] {strides = array<i32>} : memref<3x64xi32, #tpu.memory_space<vmem>>, vector<16xi32>,
    tpu.vector_store %arg7[%swap3A_130, %swap3A_131], %add3A_128 {strides = array<i32>} : memref<3x64xi32, #tpu.memory_space<vmem>>, vector<16xi32>,
    %dma_start3A = arith.constant 0 : i32
    %dma_start3A_133 = arith.constant 0 : i32
    %dma_start3A_134 = arith.constant 0 : i32
    %dma_start3A_135 = tpu.memref_slice %arg8[%dma_start3A_133, %dma_start3A_134] : memref<192x64xi32, #tpu.memory_space<vmem>> -> memref<64x64xi32, #tpu.memory_space<vmem>>
    %dma_start3A_136 = arith.constant 0 : i32
    %dma_start3A_137 = tpu.memref_slice %arg7[%dma_start3A, %dma_start3A_136] : memref<3x64xi32, #tpu.memory_space<vmem>> -> memref<1x64xi32, #tpu.memory_space<vmem>>
    %dma_start3A_138 = tpu.memref_squeeze %dma_start3A_137 : memref<1x64xi32, #tpu.memory_space<vmem>> -> memref<64xi32, #tpu.memory_space<vmem>>
    %dma_start3A_139 = arith.constant 0 : i32
    %dma_start3A_140 = arith.constant 0 : i32
    %dma_start3A_141 = tpu.memref_slice %arg3[%dma_start3A_139, %dma_start3A_140] : memref<6144x64xi32, #tpu.memory_space<hbm>> -> memref<6144x64xi32, #tpu.memory_space<hbm>>
    tpu.enqueue_indirect_dma source(%dma_start3A_141 : memref<6144x64xi32, #tpu.memory_space<hbm>>) target(%dma_start3A_135 : memref<64x64xi32, #tpu.memory_space<vmem>>) offsets(%dma_start3A_138 : memref<64xi32, #tpu.memory_space<vmem>>) semaphore(%arg15 : memref<!tpu.dma_semaphore, #tpu.memory_space<semaphore_mem>>)
    %dma_start3A_142 = arith.constant 0 : i32
    %dma_start3A_143 = arith.constant 0 : i32
    %dma_start3A_144 = arith.constant 0 : i32
    %dma_start3A_145 = tpu.memref_slice %arg9[%dma_start3A_143, %dma_start3A_144] : memref<192x64xi32, #tpu.memory_space<vmem>> -> memref<64x64xi32, #tpu.memory_space<vmem>>
    %dma_start3A_146 = arith.constant 0 : i32
    %dma_start3A_147 = tpu.memref_slice %arg7[%dma_start3A_142, %dma_start3A_146] : memref<3x64xi32, #tpu.memory_space<vmem>> -> memref<1x64xi32, #tpu.memory_space<vmem>>
    %dma_start3A_148 = tpu.memref_squeeze %dma_start3A_147 : memref<1x64xi32, #tpu.memory_space<vmem>> -> memref<64xi32, #tpu.memory_space<vmem>>
    %dma_start3A_149 = arith.constant 0 : i32
    %dma_start3A_150 = arith.constant 0 : i32
    %dma_start3A_151 = tpu.memref_slice %arg4[%dma_start3A_149, %dma_start3A_150] : memref<6144x64xi32, #tpu.memory_space<hbm>> -> memref<6144x64xi32, #tpu.memory_space<hbm>>
    tpu.enqueue_indirect_dma source(%dma_start3A_151 : memref<6144x64xi32, #tpu.memory_space<hbm>>) target(%dma_start3A_145 : memref<64x64xi32, #tpu.memory_space<vmem>>) offsets(%dma_start3A_148 : memref<64xi32, #tpu.memory_space<vmem>>) semaphore(%arg15 : memref<!tpu.dma_semaphore, #tpu.memory_space<semaphore_mem>>)
    %dma_start3A_152 = arith.constant 1 : i32
    %dma_start3A_153 = arith.constant 64 : i32
    %dma_start3A_154 = arith.constant 0 : i32
    %dma_start3A_155 = tpu.memref_slice %arg8[%dma_start3A_153, %dma_start3A_154] : memref<192x64xi32, #tpu.memory_space<vmem>> -> memref<64x64xi32, #tpu.memory_space<vmem>>
    %dma_start3A_156 = arith.constant 0 : i32
    %dma_start3A_157 = tpu.memref_slice %arg7[%dma_start3A_152, %dma_start3A_156] : memref<3x64xi32, #tpu.memory_space<vmem>> -> memref<1x64xi32, #tpu.memory_space<vmem>>
    %dma_start3A_158 = tpu.memref_squeeze %dma_start3A_157 : memref<1x64xi32, #tpu.memory_space<vmem>> -> memref<64xi32, #tpu.memory_space<vmem>>
    %dma_start3A_159 = arith.constant 0 : i32
    %dma_start3A_160 = arith.constant 0 : i32
    %dma_start3A_161 = tpu.memref_slice %arg3[%dma_start3A_159, %dma_start3A_160] : memref<6144x64xi32, #tpu.memory_space<hbm>> -> memref<6144x64xi32, #tpu.memory_space<hbm>>
    tpu.enqueue_indirect_dma source(%dma_start3A_161 : memref<6144x64xi32, #tpu.memory_space<hbm>>) target(%dma_start3A_155 : memref<64x64xi32, #tpu.memory_space<vmem>>) offsets(%dma_start3A_158 : memref<64xi32, #tpu.memory_space<vmem>>) semaphore(%arg15 : memref<!tpu.dma_semaphore, #tpu.memory_space<semaphore_mem>>)
    %dma_start3A_162 = arith.constant 1 : i32
    %dma_start3A_163 = arith.constant 64 : i32
    %dma_start3A_164 = arith.constant 0 : i32
    %dma_start3A_165 = tpu.memref_slice %arg9[%dma_start3A_163, %dma_start3A_164] : memref<192x64xi32, #tpu.memory_space<vmem>> -> memref<64x64xi32, #tpu.memory_space<vmem>>
    %dma_start3A_166 = arith.constant 0 : i32
    %dma_start3A_167 = tpu.memref_slice %arg7[%dma_start3A_162, %dma_start3A_166] : memref<3x64xi32, #tpu.memory_space<vmem>> -> memref<1x64xi32, #tpu.memory_space<vmem>>
    %dma_start3A_168 = tpu.memref_squeeze %dma_start3A_167 : memref<1x64xi32, #tpu.memory_space<vmem>> -> memref<64xi32, #tpu.memory_space<vmem>>
    %dma_start3A_169 = arith.constant 0 : i32
    %dma_start3A_170 = arith.constant 0 : i32
    %dma_start3A_171 = tpu.memref_slice %arg4[%dma_start3A_169, %dma_start3A_170] : memref<6144x64xi32, #tpu.memory_space<hbm>> -> memref<6144x64xi32, #tpu.memory_space<hbm>>
    tpu.enqueue_indirect_dma source(%dma_start3A_171 : memref<6144x64xi32, #tpu.memory_space<hbm>>) target(%dma_start3A_165 : memref<64x64xi32, #tpu.memory_space<vmem>>) offsets(%dma_start3A_168 : memref<64xi32, #tpu.memory_space<vmem>>) semaphore(%arg15 : memref<!tpu.dma_semaphore, #tpu.memory_space<semaphore_mem>>)
    %dma_start3A_172 = arith.constant 2 : i32
    %dma_start3A_173 = arith.constant 128 : i32
    %dma_start3A_174 = arith.constant 0 : i32
    %dma_start3A_175 = tpu.memref_slice %arg8[%dma_start3A_173, %dma_start3A_174] : memref<192x64xi32, #tpu.memory_space<vmem>> -> memref<64x64xi32, #tpu.memory_space<vmem>>
    %dma_start3A_176 = arith.constant 0 : i32
    %dma_start3A_177 = tpu.memref_slice %arg7[%dma_start3A_172, %dma_start3A_176] : memref<3x64xi32, #tpu.memory_space<vmem>> -> memref<1x64xi32, #tpu.memory_space<vmem>>
    %dma_start3A_178 = tpu.memref_squeeze %dma_start3A_177 : memref<1x64xi32, #tpu.memory_space<vmem>> -> memref<64xi32, #tpu.memory_space<vmem>>
    %dma_start3A_179 = arith.constant 0 : i32
    %dma_start3A_180 = arith.constant 0 : i32
    %dma_start3A_181 = tpu.memref_slice %arg3[%dma_start3A_179, %dma_start3A_180] : memref<6144x64xi32, #tpu.memory_space<hbm>> -> memref<6144x64xi32, #tpu.memory_space<hbm>>
    tpu.enqueue_indirect_dma source(%dma_start3A_181 : memref<6144x64xi32, #tpu.memory_space<hbm>>) target(%dma_start3A_175 : memref<64x64xi32, #tpu.memory_space<vmem>>) offsets(%dma_start3A_178 : memref<64xi32, #tpu.memory_space<vmem>>) semaphore(%arg15 : memref<!tpu.dma_semaphore, #tpu.memory_space<semaphore_mem>>)
    %dma_start3A_182 = arith.constant 2 : i32
    %dma_start3A_183 = arith.constant 128 : i32
    %dma_start3A_184 = arith.constant 0 : i32
    %dma_start3A_185 = tpu.memref_slice %arg9[%dma_start3A_183, %dma_start3A_184] : memref<192x64xi32, #tpu.memory_space<vmem>> -> memref<64x64xi32, #tpu.memory_space<vmem>>
    %dma_start3A_186 = arith.constant 0 : i32
    %dma_start3A_187 = tpu.memref_slice %arg7[%dma_start3A_182, %dma_start3A_186] : memref<3x64xi32, #tpu.memory_space<vmem>> -> memref<1x64xi32, #tpu.memory_space<vmem>>
    %dma_start3A_188 = tpu.memref_squeeze %dma_start3A_187 : memref<1x64xi32, #tpu.memory_space<vmem>> -> memref<64xi32, #tpu.memory_space<vmem>>
    %dma_start3A_189 = arith.constant 0 : i32
    %dma_start3A_190 = arith.constant 0 : i32
    %dma_start3A_191 = tpu.memref_slice %arg4[%dma_start3A_189, %dma_start3A_190] : memref<6144x64xi32, #tpu.memory_space<hbm>> -> memref<6144x64xi32, #tpu.memory_space<hbm>>
    tpu.enqueue_indirect_dma source(%dma_start3A_191 : memref<6144x64xi32, #tpu.memory_space<hbm>>) target(%dma_start3A_185 : memref<64x64xi32, #tpu.memory_space<vmem>>) offsets(%dma_start3A_188 : memref<64xi32, #tpu.memory_space<vmem>>) semaphore(%arg15 : memref<!tpu.dma_semaphore, #tpu.memory_space<semaphore_mem>>)
    %scan3A = arith.constant 0 : i32
    %scan3A_192 = arith.constant 0 : i32
    %scan3A_193 = arith.constant 64 : i32
    %scan3A_194 = arith.addi %scan3A_192, %scan3A_193 : i32
    %scan3A_195 = arith.constant 1 : i32
    scf.for %scan3A_307 = %scan3A_192 to %scan3A_194 step %scan3A_195  : i32 {
      %broadcast_in_dim3A = arith.constant 0.000000e+00 : f32
      %broadcast_in_dim3A_308 = vector.broadcast %broadcast_in_dim3A : f32 to vector<16xf32>
      %swap3A_309 = arith.index_cast %scan3A_307 : i32 to index
      %swap3A_310 = arith.constant 0 : index
      %swap3A_311 = tpu.vector_load %arg13[%swap3A_309, %swap3A_310] {strides = array<i32>} : memref<64x128xf32, #tpu.memory_space<vmem>>, vector<16xf32>,
      tpu.vector_store %arg13[%swap3A_309, %swap3A_310], %broadcast_in_dim3A_308 {strides = array<i32>} : memref<64x128xf32, #tpu.memory_space<vmem>>, vector<16xf32>,
      %broadcast_in_dim3A_312 = arith.constant 0.000000e+00 : f32
      %broadcast_in_dim3A_313 = vector.broadcast %broadcast_in_dim3A_312 : f32 to vector<16xf32>
      %swap3A_314 = arith.index_cast %scan3A_307 : i32 to index
      %swap3A_315 = arith.constant 16 : index
      %swap3A_316 = tpu.vector_load %arg13[%swap3A_314, %swap3A_315] {strides = array<i32>} : memref<64x128xf32, #tpu.memory_space<vmem>>, vector<16xf32>,
      tpu.vector_store %arg13[%swap3A_314, %swap3A_315], %broadcast_in_dim3A_313 {strides = array<i32>} : memref<64x128xf32, #tpu.memory_space<vmem>>, vector<16xf32>,
      %broadcast_in_dim3A_317 = arith.constant 0.000000e+00 : f32
      %broadcast_in_dim3A_318 = vector.broadcast %broadcast_in_dim3A_317 : f32 to vector<16xf32>
      %swap3A_319 = arith.index_cast %scan3A_307 : i32 to index
      %swap3A_320 = arith.constant 32 : index
      %swap3A_321 = tpu.vector_load %arg13[%swap3A_319, %swap3A_320] {strides = array<i32>} : memref<64x128xf32, #tpu.memory_space<vmem>>, vector<16xf32>,
      tpu.vector_store %arg13[%swap3A_319, %swap3A_320], %broadcast_in_dim3A_318 {strides = array<i32>} : memref<64x128xf32, #tpu.memory_space<vmem>>, vector<16xf32>,
      %broadcast_in_dim3A_322 = arith.constant 0.000000e+00 : f32
      %broadcast_in_dim3A_323 = vector.broadcast %broadcast_in_dim3A_322 : f32 to vector<16xf32>
      %swap3A_324 = arith.index_cast %scan3A_307 : i32 to index
      %swap3A_325 = arith.constant 48 : index
      %swap3A_326 = tpu.vector_load %arg13[%swap3A_324, %swap3A_325] {strides = array<i32>} : memref<64x128xf32, #tpu.memory_space<vmem>>, vector<16xf32>,
      tpu.vector_store %arg13[%swap3A_324, %swap3A_325], %broadcast_in_dim3A_323 {strides = array<i32>} : memref<64x128xf32, #tpu.memory_space<vmem>>, vector<16xf32>,
      %broadcast_in_dim3A_327 = arith.constant 0.000000e+00 : f32
      %broadcast_in_dim3A_328 = vector.broadcast %broadcast_in_dim3A_327 : f32 to vector<16xf32>
      %swap3A_329 = arith.index_cast %scan3A_307 : i32 to index
      %swap3A_330 = arith.constant 64 : index
      %swap3A_331 = tpu.vector_load %arg13[%swap3A_329, %swap3A_330] {strides = array<i32>} : memref<64x128xf32, #tpu.memory_space<vmem>>, vector<16xf32>,
      tpu.vector_store %arg13[%swap3A_329, %swap3A_330], %broadcast_in_dim3A_328 {strides = array<i32>} : memref<64x128xf32, #tpu.memory_space<vmem>>, vector<16xf32>,
      %broadcast_in_dim3A_332 = arith.constant 0.000000e+00 : f32
      %broadcast_in_dim3A_333 = vector.broadcast %broadcast_in_dim3A_332 : f32 to vector<16xf32>
      %swap3A_334 = arith.index_cast %scan3A_307 : i32 to index
      %swap3A_335 = arith.constant 80 : index
      %swap3A_336 = tpu.vector_load %arg13[%swap3A_334, %swap3A_335] {strides = array<i32>} : memref<64x128xf32, #tpu.memory_space<vmem>>, vector<16xf32>,
      tpu.vector_store %arg13[%swap3A_334, %swap3A_335], %broadcast_in_dim3A_333 {strides = array<i32>} : memref<64x128xf32, #tpu.memory_space<vmem>>, vector<16xf32>,
      %broadcast_in_dim3A_337 = arith.constant 0.000000e+00 : f32
      %broadcast_in_dim3A_338 = vector.broadcast %broadcast_in_dim3A_337 : f32 to vector<16xf32>
      %swap3A_339 = arith.index_cast %scan3A_307 : i32 to index
      %swap3A_340 = arith.constant 96 : index
      %swap3A_341 = tpu.vector_load %arg13[%swap3A_339, %swap3A_340] {strides = array<i32>} : memref<64x128xf32, #tpu.memory_space<vmem>>, vector<16xf32>,
      tpu.vector_store %arg13[%swap3A_339, %swap3A_340], %broadcast_in_dim3A_338 {strides = array<i32>} : memref<64x128xf32, #tpu.memory_space<vmem>>, vector<16xf32>,
      %broadcast_in_dim3A_342 = arith.constant 0.000000e+00 : f32
      %broadcast_in_dim3A_343 = vector.broadcast %broadcast_in_dim3A_342 : f32 to vector<16xf32>
      %swap3A_344 = arith.index_cast %scan3A_307 : i32 to index
      %swap3A_345 = arith.constant 112 : index
      %swap3A_346 = tpu.vector_load %arg13[%swap3A_344, %swap3A_345] {strides = array<i32>} : memref<64x128xf32, #tpu.memory_space<vmem>>, vector<16xf32>,
      tpu.vector_store %arg13[%swap3A_344, %swap3A_345], %broadcast_in_dim3A_343 {strides = array<i32>} : memref<64x128xf32, #tpu.memory_space<vmem>>, vector<16xf32>,
    }
    %scan3A_196 = arith.constant 64 : i32
    %add3A_197 = arith.constant 0 : i32
    %add3A_198 = arith.addi %mul3A_2, %add3A_197 : i32
    "tpu.region"() ({
      %run_scoped3A = tpu.sem_alloc : memref<!tpu.dma_semaphore, #tpu.memory_space<semaphore_mem>>
      %dma_start3A_307 = arith.constant 0 : i32
      %dma_start3A_308 = tpu.memref_slice %arg14[%add3A_198, %dma_start3A_307] : memref<10112x128xf32, #tpu.memory_space<vmem_shared>> -> memref<64x128xf32, #tpu.memory_space<vmem_shared>>
      %dma_start3A_309 = arith.constant 0 : i32
      %dma_start3A_310 = tpu.memref_slice %arg14[%add3A_198, %dma_start3A_309] : memref<10112x128xf32, #tpu.memory_space<vmem_shared>> -> memref<64x128xf32, #tpu.memory_space<vmem_shared>>
      tpu.enqueue_dma source(%arg13 : memref<64x128xf32, #tpu.memory_space<vmem>>) target(%dma_start3A_310 : memref<64x128xf32, #tpu.memory_space<vmem_shared>>) target_semaphore(%run_scoped3A : memref<!tpu.dma_semaphore, #tpu.memory_space<semaphore_mem>>)
      %dma_wait3A_311 = arith.constant 0 : i32
      %dma_wait3A_312 = tpu.memref_slice %arg14[%add3A_198, %dma_wait3A_311] : memref<10112x128xf32, #tpu.memory_space<vmem_shared>> -> memref<64x128xf32, #tpu.memory_space<vmem_shared>>
      %dma_wait3A_313 = arith.constant 0 : i32
      %dma_wait3A_314 = tpu.memref_slice %arg14[%add3A_198, %dma_wait3A_313] : memref<10112x128xf32, #tpu.memory_space<vmem_shared>> -> memref<64x128xf32, #tpu.memory_space<vmem_shared>>
      tpu.wait_dma2 semaphore(%run_scoped3A : memref<!tpu.dma_semaphore, #tpu.memory_space<semaphore_mem>>) src(%arg13 : memref<64x128xf32, #tpu.memory_space<vmem>>) dst(%dma_wait3A_314 : memref<64x128xf32, #tpu.memory_space<vmem_shared>>)
      tpu.yield
    }) : () -> ()
    %add3A_199 = arith.constant 64 : i32
    %add3A_200 = arith.addi %mul3A_2, %add3A_199 : i32
    "tpu.region"() ({
      %run_scoped3A = tpu.sem_alloc : memref<!tpu.dma_semaphore, #tpu.memory_space<semaphore_mem>>
      %dma_start3A_307 = arith.constant 0 : i32
      %dma_start3A_308 = tpu.memref_slice %arg14[%add3A_200, %dma_start3A_307] : memref<10112x128xf32, #tpu.memory_space<vmem_shared>> -> memref<64x128xf32, #tpu.memory_space<vmem_shared>>
      %dma_start3A_309 = arith.constant 0 : i32
      %dma_start3A_310 = tpu.memref_slice %arg14[%add3A_200, %dma_start3A_309] : memref<10112x128xf32, #tpu.memory_space<vmem_shared>> -> memref<64x128xf32, #tpu.memory_space<vmem_shared>>
      tpu.enqueue_dma source(%arg13 : memref<64x128xf32, #tpu.memory_space<vmem>>) target(%dma_start3A_310 : memref<64x128xf32, #tpu.memory_space<vmem_shared>>) target_semaphore(%run_scoped3A : memref<!tpu.dma_semaphore, #tpu.memory_space<semaphore_mem>>)
      %dma_wait3A_311 = arith.constant 0 : i32
      %dma_wait3A_312 = tpu.memref_slice %arg14[%add3A_200, %dma_wait3A_311] : memref<10112x128xf32, #tpu.memory_space<vmem_shared>> -> memref<64x128xf32, #tpu.memory_space<vmem_shared>>
      %dma_wait3A_313 = arith.constant 0 : i32
      %dma_wait3A_314 = tpu.memref_slice %arg14[%add3A_200, %dma_wait3A_313] : memref<10112x128xf32, #tpu.memory_space<vmem_shared>> -> memref<64x128xf32, #tpu.memory_space<vmem_shared>>
      tpu.wait_dma2 semaphore(%run_scoped3A : memref<!tpu.dma_semaphore, #tpu.memory_space<semaphore_mem>>) src(%arg13 : memref<64x128xf32, #tpu.memory_space<vmem>>) dst(%dma_wait3A_314 : memref<64x128xf32, #tpu.memory_space<vmem_shared>>)
      tpu.yield
    }) : () -> ()
    %add3A_201 = arith.constant 128 : i32
    %add3A_202 = arith.addi %mul3A_2, %add3A_201 : i32
    "tpu.region"() ({
      %run_scoped3A = tpu.sem_alloc : memref<!tpu.dma_semaphore, #tpu.memory_space<semaphore_mem>>
      %dma_start3A_307 = arith.constant 0 : i32
      %dma_start3A_308 = tpu.memref_slice %arg14[%add3A_202, %dma_start3A_307] : memref<10112x128xf32, #tpu.memory_space<vmem_shared>> -> memref<64x128xf32, #tpu.memory_space<vmem_shared>>
      %dma_start3A_309 = arith.constant 0 : i32
      %dma_start3A_310 = tpu.memref_slice %arg14[%add3A_202, %dma_start3A_309] : memref<10112x128xf32, #tpu.memory_space<vmem_shared>> -> memref<64x128xf32, #tpu.memory_space<vmem_shared>>
      tpu.enqueue_dma source(%arg13 : memref<64x128xf32, #tpu.memory_space<vmem>>) target(%dma_start3A_310 : memref<64x128xf32, #tpu.memory_space<vmem_shared>>) target_semaphore(%run_scoped3A : memref<!tpu.dma_semaphore, #tpu.memory_space<semaphore_mem>>)
      %dma_wait3A_311 = arith.constant 0 : i32
      %dma_wait3A_312 = tpu.memref_slice %arg14[%add3A_202, %dma_wait3A_311] : memref<10112x128xf32, #tpu.memory_space<vmem_shared>> -> memref<64x128xf32, #tpu.memory_space<vmem_shared>>
      %dma_wait3A_313 = arith.constant 0 : i32
      %dma_wait3A_314 = tpu.memref_slice %arg14[%add3A_202, %dma_wait3A_313] : memref<10112x128xf32, #tpu.memory_space<vmem_shared>> -> memref<64x128xf32, #tpu.memory_space<vmem_shared>>
      tpu.wait_dma2 semaphore(%run_scoped3A : memref<!tpu.dma_semaphore, #tpu.memory_space<semaphore_mem>>) src(%arg13 : memref<64x128xf32, #tpu.memory_space<vmem>>) dst(%dma_wait3A_314 : memref<64x128xf32, #tpu.memory_space<vmem_shared>>)
      tpu.yield
    }) : () -> ()
    %add3A_203 = arith.constant 192 : i32
    %add3A_204 = arith.addi %mul3A_2, %add3A_203 : i32
    "tpu.region"() ({
      %run_scoped3A = tpu.sem_alloc : memref<!tpu.dma_semaphore, #tpu.memory_space<semaphore_mem>>
      %dma_start3A_307 = arith.constant 0 : i32
      %dma_start3A_308 = tpu.memref_slice %arg14[%add3A_204, %dma_start3A_307] : memref<10112x128xf32, #tpu.memory_space<vmem_shared>> -> memref<64x128xf32, #tpu.memory_space<vmem_shared>>
      %dma_start3A_309 = arith.constant 0 : i32
      %dma_start3A_310 = tpu.memref_slice %arg14[%add3A_204, %dma_start3A_309] : memref<10112x128xf32, #tpu.memory_space<vmem_shared>> -> memref<64x128xf32, #tpu.memory_space<vmem_shared>>
      tpu.enqueue_dma source(%arg13 : memref<64x128xf32, #tpu.memory_space<vmem>>) target(%dma_start3A_310 : memref<64x128xf32, #tpu.memory_space<vmem_shared>>) target_semaphore(%run_scoped3A : memref<!tpu.dma_semaphore, #tpu.memory_space<semaphore_mem>>)
      %dma_wait3A_311 = arith.constant 0 : i32
      %dma_wait3A_312 = tpu.memref_slice %arg14[%add3A_204, %dma_wait3A_311] : memref<10112x128xf32, #tpu.memory_space<vmem_shared>> -> memref<64x128xf32, #tpu.memory_space<vmem_shared>>
      %dma_wait3A_313 = arith.constant 0 : i32
      %dma_wait3A_314 = tpu.memref_slice %arg14[%add3A_204, %dma_wait3A_313] : memref<10112x128xf32, #tpu.memory_space<vmem_shared>> -> memref<64x128xf32, #tpu.memory_space<vmem_shared>>
      tpu.wait_dma2 semaphore(%run_scoped3A : memref<!tpu.dma_semaphore, #tpu.memory_space<semaphore_mem>>) src(%arg13 : memref<64x128xf32, #tpu.memory_space<vmem>>) dst(%dma_wait3A_314 : memref<64x128xf32, #tpu.memory_space<vmem_shared>>)
      tpu.yield
    }) : () -> ()
    %add3A_205 = arith.constant 256 : i32
    %add3A_206 = arith.addi %mul3A_2, %add3A_205 : i32
    "tpu.region"() ({
      %run_scoped3A = tpu.sem_alloc : memref<!tpu.dma_semaphore, #tpu.memory_space<semaphore_mem>>
      %dma_start3A_307 = arith.constant 0 : i32
      %dma_start3A_308 = tpu.memref_slice %arg14[%add3A_206, %dma_start3A_307] : memref<10112x128xf32, #tpu.memory_space<vmem_shared>> -> memref<64x128xf32, #tpu.memory_space<vmem_shared>>
      %dma_start3A_309 = arith.constant 0 : i32
      %dma_start3A_310 = tpu.memref_slice %arg14[%add3A_206, %dma_start3A_309] : memref<10112x128xf32, #tpu.memory_space<vmem_shared>> -> memref<64x128xf32, #tpu.memory_space<vmem_shared>>
      tpu.enqueue_dma source(%arg13 : memref<64x128xf32, #tpu.memory_space<vmem>>) target(%dma_start3A_310 : memref<64x128xf32, #tpu.memory_space<vmem_shared>>) target_semaphore(%run_scoped3A : memref<!tpu.dma_semaphore, #tpu.memory_space<semaphore_mem>>)
      %dma_wait3A_311 = arith.constant 0 : i32
      %dma_wait3A_312 = tpu.memref_slice %arg14[%add3A_206, %dma_wait3A_311] : memref<10112x128xf32, #tpu.memory_space<vmem_shared>> -> memref<64x128xf32, #tpu.memory_space<vmem_shared>>
      %dma_wait3A_313 = arith.constant 0 : i32
      %dma_wait3A_314 = tpu.memref_slice %arg14[%add3A_206, %dma_wait3A_313] : memref<10112x128xf32, #tpu.memory_space<vmem_shared>> -> memref<64x128xf32, #tpu.memory_space<vmem_shared>>
      tpu.wait_dma2 semaphore(%run_scoped3A : memref<!tpu.dma_semaphore, #tpu.memory_space<semaphore_mem>>) src(%arg13 : memref<64x128xf32, #tpu.memory_space<vmem>>) dst(%dma_wait3A_314 : memref<64x128xf32, #tpu.memory_space<vmem_shared>>)
      tpu.yield
    }) : () -> ()
    %add3A_207 = arith.constant 320 : i32
    %add3A_208 = arith.addi %mul3A_2, %add3A_207 : i32
    "tpu.region"() ({
      %run_scoped3A = tpu.sem_alloc : memref<!tpu.dma_semaphore, #tpu.memory_space<semaphore_mem>>
      %dma_start3A_307 = arith.constant 0 : i32
      %dma_start3A_308 = tpu.memref_slice %arg14[%add3A_208, %dma_start3A_307] : memref<10112x128xf32, #tpu.memory_space<vmem_shared>> -> memref<64x128xf32, #tpu.memory_space<vmem_shared>>
      %dma_start3A_309 = arith.constant 0 : i32
      %dma_start3A_310 = tpu.memref_slice %arg14[%add3A_208, %dma_start3A_309] : memref<10112x128xf32, #tpu.memory_space<vmem_shared>> -> memref<64x128xf32, #tpu.memory_space<vmem_shared>>
      tpu.enqueue_dma source(%arg13 : memref<64x128xf32, #tpu.memory_space<vmem>>) target(%dma_start3A_310 : memref<64x128xf32, #tpu.memory_space<vmem_shared>>) target_semaphore(%run_scoped3A : memref<!tpu.dma_semaphore, #tpu.memory_space<semaphore_mem>>)
      %dma_wait3A_311 = arith.constant 0 : i32
      %dma_wait3A_312 = tpu.memref_slice %arg14[%add3A_208, %dma_wait3A_311] : memref<10112x128xf32, #tpu.memory_space<vmem_shared>> -> memref<64x128xf32, #tpu.memory_space<vmem_shared>>
      %dma_wait3A_313 = arith.constant 0 : i32
      %dma_wait3A_314 = tpu.memref_slice %arg14[%add3A_208, %dma_wait3A_313] : memref<10112x128xf32, #tpu.memory_space<vmem_shared>> -> memref<64x128xf32, #tpu.memory_space<vmem_shared>>
      tpu.wait_dma2 semaphore(%run_scoped3A : memref<!tpu.dma_semaphore, #tpu.memory_space<semaphore_mem>>) src(%arg13 : memref<64x128xf32, #tpu.memory_space<vmem>>) dst(%dma_wait3A_314 : memref<64x128xf32, #tpu.memory_space<vmem_shared>>)
      tpu.yield
    }) : () -> ()
    %add3A_209 = arith.constant 384 : i32
    %add3A_210 = arith.addi %mul3A_2, %add3A_209 : i32
    "tpu.region"() ({
      %run_scoped3A = tpu.sem_alloc : memref<!tpu.dma_semaphore, #tpu.memory_space<semaphore_mem>>
      %dma_start3A_307 = arith.constant 0 : i32
      %dma_start3A_308 = tpu.memref_slice %arg14[%add3A_210, %dma_start3A_307] : memref<10112x128xf32, #tpu.memory_space<vmem_shared>> -> memref<64x128xf32, #tpu.memory_space<vmem_shared>>
      %dma_start3A_309 = arith.constant 0 : i32
      %dma_start3A_310 = tpu.memref_slice %arg14[%add3A_210, %dma_start3A_309] : memref<10112x128xf32, #tpu.memory_space<vmem_shared>> -> memref<64x128xf32, #tpu.memory_space<vmem_shared>>
      tpu.enqueue_dma source(%arg13 : memref<64x128xf32, #tpu.memory_space<vmem>>) target(%dma_start3A_310 : memref<64x128xf32, #tpu.memory_space<vmem_shared>>) target_semaphore(%run_scoped3A : memref<!tpu.dma_semaphore, #tpu.memory_space<semaphore_mem>>)
      %dma_wait3A_311 = arith.constant 0 : i32
      %dma_wait3A_312 = tpu.memref_slice %arg14[%add3A_210, %dma_wait3A_311] : memref<10112x128xf32, #tpu.memory_space<vmem_shared>> -> memref<64x128xf32, #tpu.memory_space<vmem_shared>>
      %dma_wait3A_313 = arith.constant 0 : i32
      %dma_wait3A_314 = tpu.memref_slice %arg14[%add3A_210, %dma_wait3A_313] : memref<10112x128xf32, #tpu.memory_space<vmem_shared>> -> memref<64x128xf32, #tpu.memory_space<vmem_shared>>
      tpu.wait_dma2 semaphore(%run_scoped3A : memref<!tpu.dma_semaphore, #tpu.memory_space<semaphore_mem>>) src(%arg13 : memref<64x128xf32, #tpu.memory_space<vmem>>) dst(%dma_wait3A_314 : memref<64x128xf32, #tpu.memory_space<vmem_shared>>)
      tpu.yield
    }) : () -> ()
    %add3A_211 = arith.constant 448 : i32
    %add3A_212 = arith.addi %mul3A_2, %add3A_211 : i32
    "tpu.region"() ({
      %run_scoped3A = tpu.sem_alloc : memref<!tpu.dma_semaphore, #tpu.memory_space<semaphore_mem>>
      %dma_start3A_307 = arith.constant 0 : i32
      %dma_start3A_308 = tpu.memref_slice %arg14[%add3A_212, %dma_start3A_307] : memref<10112x128xf32, #tpu.memory_space<vmem_shared>> -> memref<64x128xf32, #tpu.memory_space<vmem_shared>>
      %dma_start3A_309 = arith.constant 0 : i32
      %dma_start3A_310 = tpu.memref_slice %arg14[%add3A_212, %dma_start3A_309] : memref<10112x128xf32, #tpu.memory_space<vmem_shared>> -> memref<64x128xf32, #tpu.memory_space<vmem_shared>>
      tpu.enqueue_dma source(%arg13 : memref<64x128xf32, #tpu.memory_space<vmem>>) target(%dma_start3A_310 : memref<64x128xf32, #tpu.memory_space<vmem_shared>>) target_semaphore(%run_scoped3A : memref<!tpu.dma_semaphore, #tpu.memory_space<semaphore_mem>>)
      %dma_wait3A_311 = arith.constant 0 : i32
      %dma_wait3A_312 = tpu.memref_slice %arg14[%add3A_212, %dma_wait3A_311] : memref<10112x128xf32, #tpu.memory_space<vmem_shared>> -> memref<64x128xf32, #tpu.memory_space<vmem_shared>>
      %dma_wait3A_313 = arith.constant 0 : i32
      %dma_wait3A_314 = tpu.memref_slice %arg14[%add3A_212, %dma_wait3A_313] : memref<10112x128xf32, #tpu.memory_space<vmem_shared>> -> memref<64x128xf32, #tpu.memory_space<vmem_shared>>
      tpu.wait_dma2 semaphore(%run_scoped3A : memref<!tpu.dma_semaphore, #tpu.memory_space<semaphore_mem>>) src(%arg13 : memref<64x128xf32, #tpu.memory_space<vmem>>) dst(%dma_wait3A_314 : memref<64x128xf32, #tpu.memory_space<vmem_shared>>)
      tpu.yield
    }) : () -> ()
    %add3A_213 = arith.constant 512 : i32
    %add3A_214 = arith.addi %mul3A_2, %add3A_213 : i32
    "tpu.region"() ({
      %run_scoped3A = tpu.sem_alloc : memref<!tpu.dma_semaphore, #tpu.memory_space<semaphore_mem>>
      %dma_start3A_307 = arith.constant 0 : i32
      %dma_start3A_308 = tpu.memref_slice %arg14[%add3A_214, %dma_start3A_307] : memref<10112x128xf32, #tpu.memory_space<vmem_shared>> -> memref<64x128xf32, #tpu.memory_space<vmem_shared>>
      %dma_start3A_309 = arith.constant 0 : i32
      %dma_start3A_310 = tpu.memref_slice %arg14[%add3A_214, %dma_start3A_309] : memref<10112x128xf32, #tpu.memory_space<vmem_shared>> -> memref<64x128xf32, #tpu.memory_space<vmem_shared>>
      tpu.enqueue_dma source(%arg13 : memref<64x128xf32, #tpu.memory_space<vmem>>) target(%dma_start3A_310 : memref<64x128xf32, #tpu.memory_space<vmem_shared>>) target_semaphore(%run_scoped3A : memref<!tpu.dma_semaphore, #tpu.memory_space<semaphore_mem>>)
      %dma_wait3A_311 = arith.constant 0 : i32
      %dma_wait3A_312 = tpu.memref_slice %arg14[%add3A_214, %dma_wait3A_311] : memref<10112x128xf32, #tpu.memory_space<vmem_shared>> -> memref<64x128xf32, #tpu.memory_space<vmem_shared>>
      %dma_wait3A_313 = arith.constant 0 : i32
      %dma_wait3A_314 = tpu.memref_slice %arg14[%add3A_214, %dma_wait3A_313] : memref<10112x128xf32, #tpu.memory_space<vmem_shared>> -> memref<64x128xf32, #tpu.memory_space<vmem_shared>>
      tpu.wait_dma2 semaphore(%run_scoped3A : memref<!tpu.dma_semaphore, #tpu.memory_space<semaphore_mem>>) src(%arg13 : memref<64x128xf32, #tpu.memory_space<vmem>>) dst(%dma_wait3A_314 : memref<64x128xf32, #tpu.memory_space<vmem_shared>>)
      tpu.yield
    }) : () -> ()
    %add3A_215 = arith.constant 632 : i32
    %add3A_216 = arith.addi %mul3A_2, %add3A_215 : i32
    %sub3A = arith.constant 56 : i32
    %sub3A_217 = arith.subi %add3A_216, %sub3A : i32
    "tpu.region"() ({
      %run_scoped3A = tpu.sem_alloc : memref<!tpu.dma_semaphore, #tpu.memory_space<semaphore_mem>>
      %dma_start3A_307 = arith.constant 0 : i32
      %dma_start3A_308 = arith.constant 0 : i32
      %dma_start3A_309 = tpu.memref_slice %arg13[%dma_start3A_307, %dma_start3A_308] : memref<64x128xf32, #tpu.memory_space<vmem>> -> memref<56x128xf32, #tpu.memory_space<vmem>>
      %dma_start3A_310 = arith.constant 0 : i32
      %dma_start3A_311 = tpu.memref_slice %arg14[%sub3A_217, %dma_start3A_310] : memref<10112x128xf32, #tpu.memory_space<vmem_shared>> -> memref<56x128xf32, #tpu.memory_space<vmem_shared>>
      %dma_start3A_312 = arith.constant 0 : i32
      %dma_start3A_313 = tpu.memref_slice %arg14[%sub3A_217, %dma_start3A_312] : memref<10112x128xf32, #tpu.memory_space<vmem_shared>> -> memref<56x128xf32, #tpu.memory_space<vmem_shared>>
      %dma_start3A_314 = arith.constant 0 : i32
      %dma_start3A_315 = arith.constant 0 : i32
      %dma_start3A_316 = tpu.memref_slice %arg13[%dma_start3A_314, %dma_start3A_315] : memref<64x128xf32, #tpu.memory_space<vmem>> -> memref<56x128xf32, #tpu.memory_space<vmem>>
      tpu.enqueue_dma source(%dma_start3A_316 : memref<56x128xf32, #tpu.memory_space<vmem>>) target(%dma_start3A_313 : memref<56x128xf32, #tpu.memory_space<vmem_shared>>) target_semaphore(%run_scoped3A : memref<!tpu.dma_semaphore, #tpu.memory_space<semaphore_mem>>)
      %dma_wait3A_317 = arith.constant 0 : i32
      %dma_wait3A_318 = arith.constant 0 : i32
      %dma_wait3A_319 = tpu.memref_slice %arg13[%dma_wait3A_317, %dma_wait3A_318] : memref<64x128xf32, #tpu.memory_space<vmem>> -> memref<56x128xf32, #tpu.memory_space<vmem>>
      %dma_wait3A_320 = arith.constant 0 : i32
      %dma_wait3A_321 = tpu.memref_slice %arg14[%sub3A_217, %dma_wait3A_320] : memref<10112x128xf32, #tpu.memory_space<vmem_shared>> -> memref<56x128xf32, #tpu.memory_space<vmem_shared>>
      %dma_wait3A_322 = arith.constant 0 : i32
      %dma_wait3A_323 = tpu.memref_slice %arg14[%sub3A_217, %dma_wait3A_322] : memref<10112x128xf32, #tpu.memory_space<vmem_shared>> -> memref<56x128xf32, #tpu.memory_space<vmem_shared>>
      %dma_wait3A_324 = arith.constant 0 : i32
      %dma_wait3A_325 = arith.constant 0 : i32
      %dma_wait3A_326 = tpu.memref_slice %arg13[%dma_wait3A_324, %dma_wait3A_325] : memref<64x128xf32, #tpu.memory_space<vmem>> -> memref<56x128xf32, #tpu.memory_space<vmem>>
      tpu.wait_dma2 semaphore(%run_scoped3A : memref<!tpu.dma_semaphore, #tpu.memory_space<semaphore_mem>>) src(%dma_wait3A_326 : memref<56x128xf32, #tpu.memory_space<vmem>>) dst(%dma_wait3A_323 : memref<56x128xf32, #tpu.memory_space<vmem_shared>>)
      tpu.yield
    }) : () -> ()
    %dma_wait3A = arith.constant 0 : i32
    %dma_wait3A_218 = arith.constant 0 : i32
    %dma_wait3A_219 = arith.constant 0 : i32
    %dma_wait3A_220 = tpu.memref_slice %arg8[%dma_wait3A_218, %dma_wait3A_219] : memref<192x64xi32, #tpu.memory_space<vmem>> -> memref<64x64xi32, #tpu.memory_space<vmem>>
    %dma_wait3A_221 = arith.constant 0 : i32
    %dma_wait3A_222 = tpu.memref_slice %arg7[%dma_wait3A, %dma_wait3A_221] : memref<3x64xi32, #tpu.memory_space<vmem>> -> memref<1x64xi32, #tpu.memory_space<vmem>>
    %dma_wait3A_223 = tpu.memref_squeeze %dma_wait3A_222 : memref<1x64xi32, #tpu.memory_space<vmem>> -> memref<64xi32, #tpu.memory_space<vmem>>
    %dma_wait3A_224 = arith.constant 0 : i32
    %dma_wait3A_225 = arith.constant 0 : i32
    %dma_wait3A_226 = tpu.memref_slice %arg3[%dma_wait3A_224, %dma_wait3A_225] : memref<6144x64xi32, #tpu.memory_space<hbm>> -> memref<6144x64xi32, #tpu.memory_space<hbm>>
    tpu.wait_indirect_dma semaphore(%arg15 : memref<!tpu.dma_semaphore, #tpu.memory_space<semaphore_mem>>) src(%dma_wait3A_226 : memref<6144x64xi32, #tpu.memory_space<hbm>>) dst(%dma_wait3A_220 : memref<64x64xi32, #tpu.memory_space<vmem>>)
    %dma_wait3A_227 = arith.constant 0 : i32
    %dma_wait3A_228 = arith.constant 0 : i32
    %dma_wait3A_229 = arith.constant 0 : i32
    %dma_wait3A_230 = tpu.memref_slice %arg9[%dma_wait3A_228, %dma_wait3A_229] : memref<192x64xi32, #tpu.memory_space<vmem>> -> memref<64x64xi32, #tpu.memory_space<vmem>>
    %dma_wait3A_231 = arith.constant 0 : i32
    %dma_wait3A_232 = tpu.memref_slice %arg7[%dma_wait3A_227, %dma_wait3A_231] : memref<3x64xi32, #tpu.memory_space<vmem>> -> memref<1x64xi32, #tpu.memory_space<vmem>>
    %dma_wait3A_233 = tpu.memref_squeeze %dma_wait3A_232 : memref<1x64xi32, #tpu.memory_space<vmem>> -> memref<64xi32, #tpu.memory_space<vmem>>
    %dma_wait3A_234 = arith.constant 0 : i32
    %dma_wait3A_235 = arith.constant 0 : i32
    %dma_wait3A_236 = tpu.memref_slice %arg4[%dma_wait3A_234, %dma_wait3A_235] : memref<6144x64xi32, #tpu.memory_space<hbm>> -> memref<6144x64xi32, #tpu.memory_space<hbm>>
    tpu.wait_indirect_dma semaphore(%arg15 : memref<!tpu.dma_semaphore, #tpu.memory_space<semaphore_mem>>) src(%dma_wait3A_236 : memref<6144x64xi32, #tpu.memory_space<hbm>>) dst(%dma_wait3A_230 : memref<64x64xi32, #tpu.memory_space<vmem>>)
    %dma_wait3A_237 = arith.constant 1 : i32
    %dma_wait3A_238 = arith.constant 64 : i32
    %dma_wait3A_239 = arith.constant 0 : i32
    %dma_wait3A_240 = tpu.memref_slice %arg8[%dma_wait3A_238, %dma_wait3A_239] : memref<192x64xi32, #tpu.memory_space<vmem>> -> memref<64x64xi32, #tpu.memory_space<vmem>>
    %dma_wait3A_241 = arith.constant 0 : i32
    %dma_wait3A_242 = tpu.memref_slice %arg7[%dma_wait3A_237, %dma_wait3A_241] : memref<3x64xi32, #tpu.memory_space<vmem>> -> memref<1x64xi32, #tpu.memory_space<vmem>>
    %dma_wait3A_243 = tpu.memref_squeeze %dma_wait3A_242 : memref<1x64xi32, #tpu.memory_space<vmem>> -> memref<64xi32, #tpu.memory_space<vmem>>
    %dma_wait3A_244 = arith.constant 0 : i32
    %dma_wait3A_245 = arith.constant 0 : i32
    %dma_wait3A_246 = tpu.memref_slice %arg3[%dma_wait3A_244, %dma_wait3A_245] : memref<6144x64xi32, #tpu.memory_space<hbm>> -> memref<6144x64xi32, #tpu.memory_space<hbm>>
    tpu.wait_indirect_dma semaphore(%arg15 : memref<!tpu.dma_semaphore, #tpu.memory_space<semaphore_mem>>) src(%dma_wait3A_246 : memref<6144x64xi32, #tpu.memory_space<hbm>>) dst(%dma_wait3A_240 : memref<64x64xi32, #tpu.memory_space<vmem>>)
    %dma_wait3A_247 = arith.constant 1 : i32
    %dma_wait3A_248 = arith.constant 64 : i32
    %dma_wait3A_249 = arith.constant 0 : i32
    %dma_wait3A_250 = tpu.memref_slice %arg9[%dma_wait3A_248, %dma_wait3A_249] : memref<192x64xi32, #tpu.memory_space<vmem>> -> memref<64x64xi32, #tpu.memory_space<vmem>>
    %dma_wait3A_251 = arith.constant 0 : i32
    %dma_wait3A_252 = tpu.memref_slice %arg7[%dma_wait3A_247, %dma_wait3A_251] : memref<3x64xi32, #tpu.memory_space<vmem>> -> memref<1x64xi32, #tpu.memory_space<vmem>>
    %dma_wait3A_253 = tpu.memref_squeeze %dma_wait3A_252 : memref<1x64xi32, #tpu.memory_space<vmem>> -> memref<64xi32, #tpu.memory_space<vmem>>
    %dma_wait3A_254 = arith.constant 0 : i32
    %dma_wait3A_255 = arith.constant 0 : i32
    %dma_wait3A_256 = tpu.memref_slice %arg4[%dma_wait3A_254, %dma_wait3A_255] : memref<6144x64xi32, #tpu.memory_space<hbm>> -> memref<6144x64xi32, #tpu.memory_space<hbm>>
    tpu.wait_indirect_dma semaphore(%arg15 : memref<!tpu.dma_semaphore, #tpu.memory_space<semaphore_mem>>) src(%dma_wait3A_256 : memref<6144x64xi32, #tpu.memory_space<hbm>>) dst(%dma_wait3A_250 : memref<64x64xi32, #tpu.memory_space<vmem>>)
    %dma_wait3A_257 = arith.constant 2 : i32
    %dma_wait3A_258 = arith.constant 128 : i32
    %dma_wait3A_259 = arith.constant 0 : i32
    %dma_wait3A_260 = tpu.memref_slice %arg8[%dma_wait3A_258, %dma_wait3A_259] : memref<192x64xi32, #tpu.memory_space<vmem>> -> memref<64x64xi32, #tpu.memory_space<vmem>>
    %dma_wait3A_261 = arith.constant 0 : i32
    %dma_wait3A_262 = tpu.memref_slice %arg7[%dma_wait3A_257, %dma_wait3A_261] : memref<3x64xi32, #tpu.memory_space<vmem>> -> memref<1x64xi32, #tpu.memory_space<vmem>>
    %dma_wait3A_263 = tpu.memref_squeeze %dma_wait3A_262 : memref<1x64xi32, #tpu.memory_space<vmem>> -> memref<64xi32, #tpu.memory_space<vmem>>
    %dma_wait3A_264 = arith.constant 0 : i32
    %dma_wait3A_265 = arith.constant 0 : i32
    %dma_wait3A_266 = tpu.memref_slice %arg3[%dma_wait3A_264, %dma_wait3A_265] : memref<6144x64xi32, #tpu.memory_space<hbm>> -> memref<6144x64xi32, #tpu.memory_space<hbm>>
    tpu.wait_indirect_dma semaphore(%arg15 : memref<!tpu.dma_semaphore, #tpu.memory_space<semaphore_mem>>) src(%dma_wait3A_266 : memref<6144x64xi32, #tpu.memory_space<hbm>>) dst(%dma_wait3A_260 : memref<64x64xi32, #tpu.memory_space<vmem>>)
    %dma_wait3A_267 = arith.constant 2 : i32
    %dma_wait3A_268 = arith.constant 128 : i32
    %dma_wait3A_269 = arith.constant 0 : i32
    %dma_wait3A_270 = tpu.memref_slice %arg9[%dma_wait3A_268, %dma_wait3A_269] : memref<192x64xi32, #tpu.memory_space<vmem>> -> memref<64x64xi32, #tpu.memory_space<vmem>>
    %dma_wait3A_271 = arith.constant 0 : i32
    %dma_wait3A_272 = tpu.memref_slice %arg7[%dma_wait3A_267, %dma_wait3A_271] : memref<3x64xi32, #tpu.memory_space<vmem>> -> memref<1x64xi32, #tpu.memory_space<vmem>>
    %dma_wait3A_273 = tpu.memref_squeeze %dma_wait3A_272 : memref<1x64xi32, #tpu.memory_space<vmem>> -> memref<64xi32, #tpu.memory_space<vmem>>
    %dma_wait3A_274 = arith.constant 0 : i32
    %dma_wait3A_275 = arith.constant 0 : i32
    %dma_wait3A_276 = tpu.memref_slice %arg4[%dma_wait3A_274, %dma_wait3A_275] : memref<6144x64xi32, #tpu.memory_space<hbm>> -> memref<6144x64xi32, #tpu.memory_space<hbm>>
    tpu.wait_indirect_dma semaphore(%arg15 : memref<!tpu.dma_semaphore, #tpu.memory_space<semaphore_mem>>) src(%dma_wait3A_276 : memref<6144x64xi32, #tpu.memory_space<hbm>>) dst(%dma_wait3A_270 : memref<64x64xi32, #tpu.memory_space<vmem>>)
    "tpu.region"() ({
      %run_scoped3A = tpu.sem_alloc : memref<!tpu.dma_semaphore, #tpu.memory_space<semaphore_mem>>
      %dma_start3A_307 = arith.constant 0 : i32
      %dma_start3A_308 = tpu.memref_slice %arg5[%add3A, %dma_start3A_307] : memref<32x16xi32, #tpu.memory_space<hbm>> -> memref<1x16xi32, #tpu.memory_space<hbm>>
      %dma_start3A_309 = tpu.memref_squeeze %dma_start3A_308 : memref<1x16xi32, #tpu.memory_space<hbm>> -> memref<16xi32, #tpu.memory_space<hbm>>
      %dma_start3A_310 = arith.constant 0 : i32
      %dma_start3A_311 = tpu.memref_slice %arg5[%add3A, %dma_start3A_310] : memref<32x16xi32, #tpu.memory_space<hbm>> -> memref<1x16xi32, #tpu.memory_space<hbm>>
      %dma_start3A_312 = tpu.memref_squeeze %dma_start3A_311 : memref<1x16xi32, #tpu.memory_space<hbm>> -> memref<16xi32, #tpu.memory_space<hbm>>
      tpu.enqueue_dma source(%dma_start3A_312 : memref<16xi32, #tpu.memory_space<hbm>>) target(%arg10 : memref<16xi32, #tpu.memory_space<vmem>>) target_semaphore(%run_scoped3A : memref<!tpu.dma_semaphore, #tpu.memory_space<semaphore_mem>>)
      %dma_wait3A_313 = arith.constant 0 : i32
      %dma_wait3A_314 = tpu.memref_slice %arg5[%add3A, %dma_wait3A_313] : memref<32x16xi32, #tpu.memory_space<hbm>> -> memref<1x16xi32, #tpu.memory_space<hbm>>
      %dma_wait3A_315 = tpu.memref_squeeze %dma_wait3A_314 : memref<1x16xi32, #tpu.memory_space<hbm>> -> memref<16xi32, #tpu.memory_space<hbm>>
      %dma_wait3A_316 = arith.constant 0 : i32
      %dma_wait3A_317 = tpu.memref_slice %arg5[%add3A, %dma_wait3A_316] : memref<32x16xi32, #tpu.memory_space<hbm>> -> memref<1x16xi32, #tpu.memory_space<hbm>>
      %dma_wait3A_318 = tpu.memref_squeeze %dma_wait3A_317 : memref<1x16xi32, #tpu.memory_space<hbm>> -> memref<16xi32, #tpu.memory_space<hbm>>
      tpu.wait_dma2 semaphore(%run_scoped3A : memref<!tpu.dma_semaphore, #tpu.memory_space<semaphore_mem>>) src(%dma_wait3A_318 : memref<16xi32, #tpu.memory_space<hbm>>) dst(%arg10 : memref<16xi32, #tpu.memory_space<vmem>>)
      tpu.yield
    }) : () -> ()
    %get3A = arith.constant 0 : index
    %get3A_277 = tpu.vector_load %arg10[%get3A] {strides = array<i32>} : memref<16xi32, #tpu.memory_space<vmem>>, vector<16xi32>,
    %slice3A = vector.extract_strided_slice %get3A_277 {offsets = [0], sizes = [1], strides = [1]} : vector<16xi32> to vector<1xi32>
    %squeeze3A = vector.extract %slice3A[0] : i32 from vector<1xi32>
    %barrier3A = arith.constant 0 : index
    tpu.barrier barrier_id(%barrier3A)
    %add3A_278 = arith.constant 63 : i32
    %add3A_279 = arith.addi %squeeze3A, %add3A_278 : i32
    %jit3A = arith.constant 64 : i32
    %div3A = arith.divsi %add3A_279, %jit3A : i32
    %sign3A = arith.constant 0 : i32
    %sign3A_280 = arith.cmpi sgt, %add3A_279, %sign3A : i32
    %sign3A_281 = arith.extui %sign3A_280 : i1 to i32
    %sign3A_282 = arith.constant 0 : i32
    %sign3A_283 = arith.cmpi slt, %add3A_279, %sign3A_282 : i32
    %sign3A_284 = arith.extui %sign3A_283 : i1 to i32
    %sign3A_285 = arith.subi %sign3A_281, %sign3A_284 : i32
    %sign3A_286 = arith.constant 0 : i32
    %sign3A_287 = arith.cmpi sgt, %jit3A, %sign3A_286 : i32
    %sign3A_288 = arith.extui %sign3A_287 : i1 to i32
    %sign3A_289 = arith.constant 0 : i32
    %sign3A_290 = arith.cmpi slt, %jit3A, %sign3A_289 : i32
    %sign3A_291 = arith.extui %sign3A_290 : i1 to i32
    %sign3A_292 = arith.subi %sign3A_288, %sign3A_291 : i32
    %ne3A = arith.cmpi ne, %sign3A_285, %sign3A_292 : i32
    %rem3A = arith.remsi %add3A_279, %jit3A : i32
    %ne3A_293 = arith.constant 0 : i32
    %ne3A_294 = arith.cmpi ne, %rem3A, %ne3A_293 : i32
    %and3A = arith.andi %ne3A, %ne3A_294 : i1
    %sub3A_295 = arith.constant 1 : i32
    %sub3A_296 = arith.subi %div3A, %sub3A_295 : i32
    %select_n3A = arith.select %and3A, %sub3A_296, %div3A : i32
    %while3A = arith.constant 0 : i32
    %while3A_297 = arith.constant 0 : i32
    %while3A_298 = arith.subi %select_n3A, %while3A_297 : i32
    %while3A_299 = arith.addi %while3A_297, %while3A_298 : i32
    %while3A_300 = arith.constant 1 : i32
    %while3A_301 = arith.divsi %while3A_298, %while3A_300 : i32
    %while3A_302 = arith.muli %while3A_301, %while3A_300 : i32
    %while3A_303 = arith.addi %while3A_297, %while3A_302 : i32
    %while3A_304 = arith.constant 1 : i32
    scf.for %while3A_307 = %while3A_297 to %while3A_303 step %while3A_304  : i32 {
      %dma_start3A_308 = arith.constant 0 : i32
      %dma_start3A_309 = tpu.memref_slice %arg8[%while3A_307, %dma_start3A_308] : memref<192x64xi32, #tpu.memory_space<vmem>> -> memref<1x64xi32, #tpu.memory_space<vmem>>
      %dma_start3A_310 = tpu.memref_squeeze %dma_start3A_309 : memref<1x64xi32, #tpu.memory_space<vmem>> -> memref<64xi32, #tpu.memory_space<vmem>>
      %dma_start3A_311 = arith.constant 0 : i32
      %dma_start3A_312 = arith.constant 0 : i32
      %dma_start3A_313 = tpu.memref_slice %arg2[%dma_start3A_311, %dma_start3A_312] : memref<10000x128xf32, #tpu.memory_space<hbm>> -> memref<10000x128xf32, #tpu.memory_space<hbm>>
      tpu.enqueue_indirect_dma source(%dma_start3A_313 : memref<10000x128xf32, #tpu.memory_space<hbm>>) target(%arg11 : memref<64x128xf32, #tpu.memory_space<vmem>>) offsets(%dma_start3A_310 : memref<64xi32, #tpu.memory_space<vmem>>) semaphore(%arg16 : memref<!tpu.dma_semaphore, #tpu.memory_space<semaphore_mem>>)
      %dma_wait3A_314 = arith.constant 0 : i32
      %dma_wait3A_315 = tpu.memref_slice %arg8[%while3A_307, %dma_wait3A_314] : memref<192x64xi32, #tpu.memory_space<vmem>> -> memref<1x64xi32, #tpu.memory_space<vmem>>
      %dma_wait3A_316 = tpu.memref_squeeze %dma_wait3A_315 : memref<1x64xi32, #tpu.memory_space<vmem>> -> memref<64xi32, #tpu.memory_space<vmem>>
      %dma_wait3A_317 = arith.constant 0 : i32
      %dma_wait3A_318 = arith.constant 0 : i32
      %dma_wait3A_319 = tpu.memref_slice %arg2[%dma_wait3A_317, %dma_wait3A_318] : memref<10000x128xf32, #tpu.memory_space<hbm>> -> memref<10000x128xf32, #tpu.memory_space<hbm>>
      tpu.wait_indirect_dma semaphore(%arg16 : memref<!tpu.dma_semaphore, #tpu.memory_space<semaphore_mem>>) src(%dma_wait3A_319 : memref<10000x128xf32, #tpu.memory_space<hbm>>) dst(%arg11 : memref<64x128xf32, #tpu.memory_space<vmem>>)
      "tpu.region"() ({
        %run_scoped3A = tpu.sem_alloc : memref<!tpu.dma_semaphore, #tpu.memory_space<semaphore_mem>>
        %dma_start3A_320 = arith.constant 0 : i32
        %dma_start3A_321 = tpu.memref_slice %arg9[%while3A_307, %dma_start3A_320] : memref<192x64xi32, #tpu.memory_space<vmem>> -> memref<1x64xi32, #tpu.memory_space<vmem>>
        %dma_start3A_322 = tpu.memref_squeeze %dma_start3A_321 : memref<1x64xi32, #tpu.memory_space<vmem>> -> memref<64xi32, #tpu.memory_space<vmem>>
        %dma_start3A_323 = arith.constant 0 : i32
        %dma_start3A_324 = arith.constant 0 : i32
        %dma_start3A_325 = tpu.memref_slice %arg14[%dma_start3A_323, %dma_start3A_324] : memref<10112x128xf32, #tpu.memory_space<vmem_shared>> -> memref<10112x128xf32, #tpu.memory_space<vmem_shared>>
        tpu.enqueue_indirect_dma source(%arg11 : memref<64x128xf32, #tpu.memory_space<vmem>>) target(%dma_start3A_325 : memref<10112x128xf32, #tpu.memory_space<vmem_shared>>) offsets(%dma_start3A_322 : memref<64xi32, #tpu.memory_space<vmem>>) semaphore(%run_scoped3A : memref<!tpu.dma_semaphore, #tpu.memory_space<semaphore_mem>>) {add = true}
        %dma_wait3A_326 = arith.constant 0 : i32
        %dma_wait3A_327 = tpu.memref_slice %arg9[%while3A_307, %dma_wait3A_326] : memref<192x64xi32, #tpu.memory_space<vmem>> -> memref<1x64xi32, #tpu.memory_space<vmem>>
        %dma_wait3A_328 = tpu.memref_squeeze %dma_wait3A_327 : memref<1x64xi32, #tpu.memory_space<vmem>> -> memref<64xi32, #tpu.memory_space<vmem>>
        %dma_wait3A_329 = arith.constant 0 : i32
        %dma_wait3A_330 = arith.constant 0 : i32
        %dma_wait3A_331 = tpu.memref_slice %arg14[%dma_wait3A_329, %dma_wait3A_330] : memref<10112x128xf32, #tpu.memory_space<vmem_shared>> -> memref<10112x128xf32, #tpu.memory_space<vmem_shared>>
        tpu.wait_indirect_dma semaphore(%run_scoped3A : memref<!tpu.dma_semaphore, #tpu.memory_space<semaphore_mem>>) src(%arg11 : memref<64x128xf32, #tpu.memory_space<vmem>>) dst(%dma_wait3A_331 : memref<10112x128xf32, #tpu.memory_space<vmem_shared>>)
        tpu.yield
      }) : () -> ()
    }
    %while3A_305 = arith.constant 1 : i32
    scf.for %while3A_307 = %while3A_303 to %while3A_299 step %while3A_305  : i32 {
      %dma_start3A_308 = arith.constant 0 : i32
      %dma_start3A_309 = tpu.memref_slice %arg8[%while3A_307, %dma_start3A_308] : memref<192x64xi32, #tpu.memory_space<vmem>> -> memref<1x64xi32, #tpu.memory_space<vmem>>
      %dma_start3A_310 = tpu.memref_squeeze %dma_start3A_309 : memref<1x64xi32, #tpu.memory_space<vmem>> -> memref<64xi32, #tpu.memory_space<vmem>>
      %dma_start3A_311 = arith.constant 0 : i32
      %dma_start3A_312 = arith.constant 0 : i32
      %dma_start3A_313 = tpu.memref_slice %arg2[%dma_start3A_311, %dma_start3A_312] : memref<10000x128xf32, #tpu.memory_space<hbm>> -> memref<10000x128xf32, #tpu.memory_space<hbm>>
      tpu.enqueue_indirect_dma source(%dma_start3A_313 : memref<10000x128xf32, #tpu.memory_space<hbm>>) target(%arg11 : memref<64x128xf32, #tpu.memory_space<vmem>>) offsets(%dma_start3A_310 : memref<64xi32, #tpu.memory_space<vmem>>) semaphore(%arg16 : memref<!tpu.dma_semaphore, #tpu.memory_space<semaphore_mem>>)
      %dma_wait3A_314 = arith.constant 0 : i32
      %dma_wait3A_315 = tpu.memref_slice %arg8[%while3A_307, %dma_wait3A_314] : memref<192x64xi32, #tpu.memory_space<vmem>> -> memref<1x64xi32, #tpu.memory_space<vmem>>
      %dma_wait3A_316 = tpu.memref_squeeze %dma_wait3A_315 : memref<1x64xi32, #tpu.memory_space<vmem>> -> memref<64xi32, #tpu.memory_space<vmem>>
      %dma_wait3A_317 = arith.constant 0 : i32
      %dma_wait3A_318 = arith.constant 0 : i32
      %dma_wait3A_319 = tpu.memref_slice %arg2[%dma_wait3A_317, %dma_wait3A_318] : memref<10000x128xf32, #tpu.memory_space<hbm>> -> memref<10000x128xf32, #tpu.memory_space<hbm>>
      tpu.wait_indirect_dma semaphore(%arg16 : memref<!tpu.dma_semaphore, #tpu.memory_space<semaphore_mem>>) src(%dma_wait3A_319 : memref<10000x128xf32, #tpu.memory_space<hbm>>) dst(%arg11 : memref<64x128xf32, #tpu.memory_space<vmem>>)
      "tpu.region"() ({
        %run_scoped3A = tpu.sem_alloc : memref<!tpu.dma_semaphore, #tpu.memory_space<semaphore_mem>>
        %dma_start3A_320 = arith.constant 0 : i32
        %dma_start3A_321 = tpu.memref_slice %arg9[%while3A_307, %dma_start3A_320] : memref<192x64xi32, #tpu.memory_space<vmem>> -> memref<1x64xi32, #tpu.memory_space<vmem>>
        %dma_start3A_322 = tpu.memref_squeeze %dma_start3A_321 : memref<1x64xi32, #tpu.memory_space<vmem>> -> memref<64xi32, #tpu.memory_space<vmem>>
        %dma_start3A_323 = arith.constant 0 : i32
        %dma_start3A_324 = arith.constant 0 : i32
        %dma_start3A_325 = tpu.memref_slice %arg14[%dma_start3A_323, %dma_start3A_324] : memref<10112x128xf32, #tpu.memory_space<vmem_shared>> -> memref<10112x128xf32, #tpu.memory_space<vmem_shared>>
        tpu.enqueue_indirect_dma source(%arg11 : memref<64x128xf32, #tpu.memory_space<vmem>>) target(%dma_start3A_325 : memref<10112x128xf32, #tpu.memory_space<vmem_shared>>) offsets(%dma_start3A_322 : memref<64xi32, #tpu.memory_space<vmem>>) semaphore(%run_scoped3A : memref<!tpu.dma_semaphore, #tpu.memory_space<semaphore_mem>>) {add = true}
        %dma_wait3A_326 = arith.constant 0 : i32
        %dma_wait3A_327 = tpu.memref_slice %arg9[%while3A_307, %dma_wait3A_326] : memref<192x64xi32, #tpu.memory_space<vmem>> -> memref<1x64xi32, #tpu.memory_space<vmem>>
        %dma_wait3A_328 = tpu.memref_squeeze %dma_wait3A_327 : memref<1x64xi32, #tpu.memory_space<vmem>> -> memref<64xi32, #tpu.memory_space<vmem>>
        %dma_wait3A_329 = arith.constant 0 : i32
        %dma_wait3A_330 = arith.constant 0 : i32
        %dma_wait3A_331 = tpu.memref_slice %arg14[%dma_wait3A_329, %dma_wait3A_330] : memref<10112x128xf32, #tpu.memory_space<vmem_shared>> -> memref<10112x128xf32, #tpu.memory_space<vmem_shared>>
        tpu.wait_indirect_dma semaphore(%run_scoped3A : memref<!tpu.dma_semaphore, #tpu.memory_space<semaphore_mem>>) src(%arg11 : memref<64x128xf32, #tpu.memory_space<vmem>>) dst(%dma_wait3A_331 : memref<10112x128xf32, #tpu.memory_space<vmem_shared>>)
        tpu.yield
      }) : () -> ()
    }
    %barrier3A_306 = arith.constant 0 : index
    tpu.barrier barrier_id(%barrier3A_306)
    "tpu.region"() ({
      %run_scoped3A = tpu.sem_alloc : memref<!tpu.dma_semaphore, #tpu.memory_space<semaphore_mem>>
      %dma_start3A_307 = arith.constant 0 : i32
      %dma_start3A_308 = tpu.memref_slice %arg6[%arg0, %mul3A_2, %dma_start3A_307] : memref<2x10112x128xf32, #tpu.memory_space<hbm>> -> memref<1x632x128xf32, #tpu.memory_space<hbm>>
      %dma_start3A_309 = tpu.memref_squeeze %dma_start3A_308 : memref<1x632x128xf32, #tpu.memory_space<hbm>> -> memref<632x128xf32, #tpu.memory_space<hbm>>
      %dma_start3A_310 = arith.constant 0 : i32
      %dma_start3A_311 = tpu.memref_slice %arg14[%mul3A_2, %dma_start3A_310] : memref<10112x128xf32, #tpu.memory_space<vmem_shared>> -> memref<632x128xf32, #tpu.memory_space<vmem_shared>>
      tpu.enqueue_dma source(%dma_start3A_311 : memref<632x128xf32, #tpu.memory_space<vmem_shared>>) target(%dma_start3A_309 : memref<632x128xf32, #tpu.memory_space<hbm>>) target_semaphore(%run_scoped3A : memref<!tpu.dma_semaphore, #tpu.memory_space<semaphore_mem>>)
      %dma_wait3A_312 = arith.constant 0 : i32
      %dma_wait3A_313 = tpu.memref_slice %arg6[%arg0, %mul3A_2, %dma_wait3A_312] : memref<2x10112x128xf32, #tpu.memory_space<hbm>> -> memref<1x632x128xf32, #tpu.memory_space<hbm>>
      %dma_wait3A_314 = tpu.memref_squeeze %dma_wait3A_313 : memref<1x632x128xf32, #tpu.memory_space<hbm>> -> memref<632x128xf32, #tpu.memory_space<hbm>>
      %dma_wait3A_315 = arith.constant 0 : i32
      %dma_wait3A_316 = tpu.memref_slice %arg14[%mul3A_2, %dma_wait3A_315] : memref<10112x128xf32, #tpu.memory_space<vmem_shared>> -> memref<632x128xf32, #tpu.memory_space<vmem_shared>>
      tpu.wait_dma2 semaphore(%run_scoped3A : memref<!tpu.dma_semaphore, #tpu.memory_space<semaphore_mem>>) src(%dma_wait3A_316 : memref<632x128xf32, #tpu.memory_space<vmem_shared>>) dst(%dma_wait3A_314 : memref<632x128xf32, #tpu.memory_space<hbm>>)
      tpu.yield
    }) : () -> ()
    return
  }
}

module attributes {stable_mosaic.version = 14 : i64} {
  func.func @body(%arg0: i32, %arg1: memref<2000x128xf32, #tpu.memory_space<vmem>>, %arg2: memref<128x64xf32, #tpu.memory_space<vmem>>, %arg3: memref<1x64xf32, #tpu.memory_space<vmem>>, %arg4: memref<64x64xf32, #tpu.memory_space<vmem>>, %arg5: memref<1x64xf32, #tpu.memory_space<vmem>>, %arg6: memref<64x128xf32, #tpu.memory_space<vmem>>, %arg7: memref<1x128xf32, #tpu.memory_space<vmem>>, %arg8: memref<128x64xf32, #tpu.memory_space<vmem>>, %arg9: memref<1x64xf32, #tpu.memory_space<vmem>>, %arg10: memref<128x64xf32, #tpu.memory_space<vmem>>, %arg11: memref<1x64xf32, #tpu.memory_space<vmem>>, %arg12: memref<2000x128xf32, #tpu.memory_space<vmem>>, %arg13: memref<2000x64xf32, #tpu.memory_space<vmem>>) attributes {dimension_semantics = [#tpu.dimension_semantics<arbitrary>], iteration_bounds = array<i64: 5>, scalar_prefetch = 0 : i64, scratch_operands = 0 : i64, tpu.core_type = #tpu.core_type<tc>, window_params = [{transform_indices = @transform_0, window_bounds = array<i64: 2000, 128>}, {pipeline_mode = #tpu.pipeline_mode<synchronous>, transform_indices = @transform_1, window_bounds = array<i64: 128, 64>}, {pipeline_mode = #tpu.pipeline_mode<synchronous>, transform_indices = @transform_2, window_bounds = array<i64: 1, 64>}, {pipeline_mode = #tpu.pipeline_mode<synchronous>, transform_indices = @transform_3, window_bounds = array<i64: 64, 64>}, {pipeline_mode = #tpu.pipeline_mode<synchronous>, transform_indices = @transform_4, window_bounds = array<i64: 1, 64>}, {pipeline_mode = #tpu.pipeline_mode<synchronous>, transform_indices = @transform_5, window_bounds = array<i64: 64, 128>}, {pipeline_mode = #tpu.pipeline_mode<synchronous>, transform_indices = @transform_6, window_bounds = array<i64: 1, 128>}, {pipeline_mode = #tpu.pipeline_mode<synchronous>, transform_indices = @transform_7, window_bounds = array<i64: 128, 64>}, {pipeline_mode = #tpu.pipeline_mode<synchronous>, transform_indices = @transform_8, window_bounds = array<i64: 1, 64>}, {pipeline_mode = #tpu.pipeline_mode<synchronous>, transform_indices = @transform_9, window_bounds = array<i64: 128, 64>}, {pipeline_mode = #tpu.pipeline_mode<synchronous>, transform_indices = @transform_10, window_bounds = array<i64: 1, 64>}, {transform_indices = @transform_11, window_bounds = array<i64: 2000, 128>}, {transform_indices = @transform_12, window_bounds = array<i64: 2000, 64>}]} {
    %get3A = arith.constant 0 : index
    %get3A_0 = arith.constant 0 : index
    %get3A_1 = vector.load %arg1[%get3A, %get3A_0] : memref<2000x128xf32, #tpu.memory_space<vmem>>, vector<2000x128xf32>
    %get3A_2 = arith.constant 0 : index
    %get3A_3 = arith.constant 0 : index
    %get3A_4 = vector.load %arg2[%get3A_2, %get3A_3] : memref<128x64xf32, #tpu.memory_space<vmem>>, vector<128x64xf32>
    %dot_general3A = arith.constant dense<0.000000e+00> : vector<2000x64xf32>
    %dot_general3A_5 = tpu.matmul %get3A_1, %get3A_4, %dot_general3A {dimension_numbers = #tpu.dot_dimension_numbers<[1], [0], [0], [1], [0, 0, 1, 1], [], []>, transpose_lhs_hint = false} : vector<2000x128xf32>, vector<128x64xf32>, vector<2000x64xf32> -> vector<2000x64xf32>
    %get3A_6 = arith.constant 0 : index
    %get3A_7 = arith.constant 0 : index
    %get3A_8 = vector.load %arg3[%get3A_6, %get3A_7] : memref<1x64xf32, #tpu.memory_space<vmem>>, vector<1x64xf32>
    %add3A = vector.broadcast %get3A_8 : vector<1x64xf32> to vector<2000x64xf32>
    %add3A_9 = arith.addf %dot_general3A_5, %add3A : vector<2000x64xf32>
    %max3A = arith.constant 0.000000e+00 : f32
    %max3A_10 = vector.broadcast %max3A : f32 to vector<2000x64xf32>
    %max3A_11 = arith.maximumf %add3A_9, %max3A_10 : vector<2000x64xf32>
    %get3A_12 = arith.constant 0 : index
    %get3A_13 = arith.constant 0 : index
    %get3A_14 = vector.load %arg4[%get3A_12, %get3A_13] : memref<64x64xf32, #tpu.memory_space<vmem>>, vector<64x64xf32>
    %dot_general3A_15 = arith.constant dense<0.000000e+00> : vector<2000x64xf32>
    %dot_general3A_16 = tpu.matmul %max3A_11, %get3A_14, %dot_general3A_15 {dimension_numbers = #tpu.dot_dimension_numbers<[1], [0], [0], [1], [0, 0, 1, 1], [], []>, transpose_lhs_hint = false} : vector<2000x64xf32>, vector<64x64xf32>, vector<2000x64xf32> -> vector<2000x64xf32>
    %get3A_17 = arith.constant 0 : index
    %get3A_18 = arith.constant 0 : index
    %get3A_19 = vector.load %arg5[%get3A_17, %get3A_18] : memref<1x64xf32, #tpu.memory_space<vmem>>, vector<1x64xf32>
    %add3A_20 = vector.broadcast %get3A_19 : vector<1x64xf32> to vector<2000x64xf32>
    %add3A_21 = arith.addf %dot_general3A_16, %add3A_20 : vector<2000x64xf32>
    %max3A_22 = arith.constant 0.000000e+00 : f32
    %max3A_23 = vector.broadcast %max3A_22 : f32 to vector<2000x64xf32>
    %max3A_24 = arith.maximumf %add3A_21, %max3A_23 : vector<2000x64xf32>
    %get3A_25 = arith.constant 0 : index
    %get3A_26 = arith.constant 0 : index
    %get3A_27 = vector.load %arg6[%get3A_25, %get3A_26] : memref<64x128xf32, #tpu.memory_space<vmem>>, vector<64x128xf32>
    %dot_general3A_28 = arith.constant dense<0.000000e+00> : vector<2000x128xf32>
    %dot_general3A_29 = tpu.matmul %max3A_24, %get3A_27, %dot_general3A_28 {dimension_numbers = #tpu.dot_dimension_numbers<[1], [0], [0], [1], [0, 0, 1, 1], [], []>, transpose_lhs_hint = false} : vector<2000x64xf32>, vector<64x128xf32>, vector<2000x128xf32> -> vector<2000x128xf32>
    %get3A_30 = arith.constant 0 : index
    %get3A_31 = arith.constant 0 : index
    %get3A_32 = vector.load %arg7[%get3A_30, %get3A_31] : memref<1x128xf32, #tpu.memory_space<vmem>>, vector<1x128xf32>
    %add3A_33 = vector.broadcast %get3A_32 : vector<1x128xf32> to vector<2000x128xf32>
    %add3A_34 = arith.addf %dot_general3A_29, %add3A_33 : vector<2000x128xf32>
    %swap3A = arith.constant 0 : index
    %swap3A_35 = arith.constant 0 : index
    %swap3A_36 = vector.load %arg12[%swap3A, %swap3A_35] : memref<2000x128xf32, #tpu.memory_space<vmem>>, vector<2000x128xf32>
    tpu.vector_store %arg12[%swap3A, %swap3A_35], %add3A_34 {strides = array<i32>} : memref<2000x128xf32, #tpu.memory_space<vmem>>, vector<2000x128xf32>,
    %get3A_37 = arith.constant 0 : index
    %get3A_38 = arith.constant 0 : index
    %get3A_39 = vector.load %arg8[%get3A_37, %get3A_38] : memref<128x64xf32, #tpu.memory_space<vmem>>, vector<128x64xf32>
    %get3A_40 = arith.constant 0 : index
    %get3A_41 = arith.constant 0 : index
    %get3A_42 = vector.load %arg10[%get3A_40, %get3A_41] : memref<128x64xf32, #tpu.memory_space<vmem>>, vector<128x64xf32>
    %add3A_43 = arith.addf %get3A_39, %get3A_42 : vector<128x64xf32>
    %dot_general3A_44 = arith.constant dense<0.000000e+00> : vector<2000x64xf32>
    %dot_general3A_45 = tpu.matmul %add3A_34, %add3A_43, %dot_general3A_44 {dimension_numbers = #tpu.dot_dimension_numbers<[1], [0], [0], [1], [0, 0, 1, 1], [], []>, transpose_lhs_hint = false} : vector<2000x128xf32>, vector<128x64xf32>, vector<2000x64xf32> -> vector<2000x64xf32>
    %get3A_46 = arith.constant 0 : index
    %get3A_47 = arith.constant 0 : index
    %get3A_48 = vector.load %arg9[%get3A_46, %get3A_47] : memref<1x64xf32, #tpu.memory_space<vmem>>, vector<1x64xf32>
    %add3A_49 = vector.broadcast %get3A_48 : vector<1x64xf32> to vector<2000x64xf32>
    %add3A_50 = arith.addf %dot_general3A_45, %add3A_49 : vector<2000x64xf32>
    %get3A_51 = arith.constant 0 : index
    %get3A_52 = arith.constant 0 : index
    %get3A_53 = vector.load %arg11[%get3A_51, %get3A_52] : memref<1x64xf32, #tpu.memory_space<vmem>>, vector<1x64xf32>
    %add3A_54 = vector.broadcast %get3A_53 : vector<1x64xf32> to vector<2000x64xf32>
    %add3A_55 = arith.addf %add3A_50, %add3A_54 : vector<2000x64xf32>
    %swap3A_56 = arith.constant 0 : index
    %swap3A_57 = arith.constant 0 : index
    %swap3A_58 = vector.load %arg13[%swap3A_56, %swap3A_57] : memref<2000x64xf32, #tpu.memory_space<vmem>>, vector<2000x64xf32>
    tpu.vector_store %arg13[%swap3A_56, %swap3A_57], %add3A_55 {strides = array<i32>} : memref<2000x64xf32, #tpu.memory_space<vmem>>, vector<2000x64xf32>,
    return
  }
  func.func @transform_0(%arg0: i32) -> (i32, i32) {
    %c0_i32 = arith.constant 0 : i32
    %c0_i32_0 = arith.constant 0 : i32
    return %arg0, %c0_i32 : i32, i32
  }
  func.func @transform_1(%arg0: i32) -> (i32, i32) {
    %c0_i32 = arith.constant 0 : i32
    %c0_i32_0 = arith.constant 0 : i32
    %c0_i32_1 = arith.constant 0 : i32
    return %c0_i32, %c0_i32_0 : i32, i32
  }
  func.func @transform_2(%arg0: i32) -> (i32, i32) {
    %c0_i32 = arith.constant 0 : i32
    %c0_i32_0 = arith.constant 0 : i32
    %c0_i32_1 = arith.constant 0 : i32
    return %c0_i32, %c0_i32_0 : i32, i32
  }
  func.func @transform_3(%arg0: i32) -> (i32, i32) {
    %c0_i32 = arith.constant 0 : i32
    %c0_i32_0 = arith.constant 0 : i32
    %c0_i32_1 = arith.constant 0 : i32
    return %c0_i32, %c0_i32_0 : i32, i32
  }
  func.func @transform_4(%arg0: i32) -> (i32, i32) {
    %c0_i32 = arith.constant 0 : i32
    %c0_i32_0 = arith.constant 0 : i32
    %c0_i32_1 = arith.constant 0 : i32
    return %c0_i32, %c0_i32_0 : i32, i32
  }
  func.func @transform_5(%arg0: i32) -> (i32, i32) {
    %c0_i32 = arith.constant 0 : i32
    %c0_i32_0 = arith.constant 0 : i32
    %c0_i32_1 = arith.constant 0 : i32
    return %c0_i32, %c0_i32_0 : i32, i32
  }
  func.func @transform_6(%arg0: i32) -> (i32, i32) {
    %c0_i32 = arith.constant 0 : i32
    %c0_i32_0 = arith.constant 0 : i32
    %c0_i32_1 = arith.constant 0 : i32
    return %c0_i32, %c0_i32_0 : i32, i32
  }
  func.func @transform_7(%arg0: i32) -> (i32, i32) {
    %c0_i32 = arith.constant 0 : i32
    %c0_i32_0 = arith.constant 0 : i32
    %c0_i32_1 = arith.constant 0 : i32
    return %c0_i32, %c0_i32_0 : i32, i32
  }
  func.func @transform_8(%arg0: i32) -> (i32, i32) {
    %c0_i32 = arith.constant 0 : i32
    %c0_i32_0 = arith.constant 0 : i32
    %c0_i32_1 = arith.constant 0 : i32
    return %c0_i32, %c0_i32_0 : i32, i32
  }
  func.func @transform_9(%arg0: i32) -> (i32, i32) {
    %c0_i32 = arith.constant 0 : i32
    %c0_i32_0 = arith.constant 0 : i32
    %c0_i32_1 = arith.constant 0 : i32
    return %c0_i32, %c0_i32_0 : i32, i32
  }
  func.func @transform_10(%arg0: i32) -> (i32, i32) {
    %c0_i32 = arith.constant 0 : i32
    %c0_i32_0 = arith.constant 0 : i32
    %c0_i32_1 = arith.constant 0 : i32
    return %c0_i32, %c0_i32_0 : i32, i32
  }
  func.func @transform_11(%arg0: i32) -> (i32, i32) {
    %c0_i32 = arith.constant 0 : i32
    %c0_i32_0 = arith.constant 0 : i32
    return %arg0, %c0_i32 : i32, i32
  }
  func.func @transform_12(%arg0: i32) -> (i32, i32) {
    %c0_i32 = arith.constant 0 : i32
    %c0_i32_0 = arith.constant 0 : i32
    return %arg0, %c0_i32 : i32, i32
  }
}

module attributes {stable_mosaic.version = 14 : i64} {
  func.func @body(%arg0: i32, %arg1: memref<2x2000x128xf32, #tpu.memory_space<vmem>>, %arg2: memref<2000x64xf32, #tpu.memory_space<vmem>>, %arg3: memref<128x64xf32, #tpu.memory_space<vmem>>, %arg4: memref<1x64xf32, #tpu.memory_space<vmem>>, %arg5: memref<64x64xf32, #tpu.memory_space<vmem>>, %arg6: memref<1x64xf32, #tpu.memory_space<vmem>>, %arg7: memref<64x64xf32, #tpu.memory_space<vmem>>, %arg8: memref<1x64xf32, #tpu.memory_space<vmem>>, %arg9: memref<2000x64xf32, #tpu.memory_space<vmem>>, %arg10: memref<2000x64xf32, #tpu.memory_space<vmem>>) attributes {dimension_semantics = [#tpu.dimension_semantics<arbitrary>], iteration_bounds = array<i64: 5>, scalar_prefetch = 0 : i64, scratch_operands = 0 : i64, tpu.core_type = #tpu.core_type<tc>, window_params = [{transform_indices = @transform_0, window_bounds = array<i64: 2, 2000, 128>}, {transform_indices = @transform_1, window_bounds = array<i64: 2000, 64>}, {pipeline_mode = #tpu.pipeline_mode<synchronous>, transform_indices = @transform_2, window_bounds = array<i64: 128, 64>}, {pipeline_mode = #tpu.pipeline_mode<synchronous>, transform_indices = @transform_3, window_bounds = array<i64: 1, 64>}, {pipeline_mode = #tpu.pipeline_mode<synchronous>, transform_indices = @transform_4, window_bounds = array<i64: 64, 64>}, {pipeline_mode = #tpu.pipeline_mode<synchronous>, transform_indices = @transform_5, window_bounds = array<i64: 1, 64>}, {pipeline_mode = #tpu.pipeline_mode<synchronous>, transform_indices = @transform_6, window_bounds = array<i64: 64, 64>}, {pipeline_mode = #tpu.pipeline_mode<synchronous>, transform_indices = @transform_7, window_bounds = array<i64: 1, 64>}, {transform_indices = @transform_8, window_bounds = array<i64: 2000, 64>}, {transform_indices = @transform_9, window_bounds = array<i64: 2000, 64>}]} {
    %get3A = arith.constant 0 : index
    %get3A_0 = arith.constant 0 : index
    %get3A_1 = arith.constant 0 : index
    %get3A_2 = vector.load %arg1[%get3A, %get3A_0, %get3A_1] : memref<2x2000x128xf32, #tpu.memory_space<vmem>>, vector<1x2000x128xf32>
    %get3A_3 = vector.shape_cast %get3A_2 : vector<1x2000x128xf32> to vector<2000x128xf32>
    %get3A_4 = arith.constant 1 : index
    %get3A_5 = arith.constant 0 : index
    %get3A_6 = arith.constant 0 : index
    %get3A_7 = vector.load %arg1[%get3A_4, %get3A_5, %get3A_6] : memref<2x2000x128xf32, #tpu.memory_space<vmem>>, vector<1x2000x128xf32>
    %get3A_8 = vector.shape_cast %get3A_7 : vector<1x2000x128xf32> to vector<2000x128xf32>
    %add3A = arith.addf %get3A_3, %get3A_8 : vector<2000x128xf32>
    %get3A_9 = arith.constant 0 : index
    %get3A_10 = arith.constant 0 : index
    %get3A_11 = vector.load %arg3[%get3A_9, %get3A_10] : memref<128x64xf32, #tpu.memory_space<vmem>>, vector<128x64xf32>
    %dot_general3A = arith.constant dense<0.000000e+00> : vector<2000x64xf32>
    %dot_general3A_12 = tpu.matmul %add3A, %get3A_11, %dot_general3A {dimension_numbers = #tpu.dot_dimension_numbers<[1], [0], [0], [1], [0, 0, 1, 1], [], []>, transpose_lhs_hint = false} : vector<2000x128xf32>, vector<128x64xf32>, vector<2000x64xf32> -> vector<2000x64xf32>
    %get3A_13 = arith.constant 0 : index
    %get3A_14 = arith.constant 0 : index
    %get3A_15 = vector.load %arg4[%get3A_13, %get3A_14] : memref<1x64xf32, #tpu.memory_space<vmem>>, vector<1x64xf32>
    %add3A_16 = vector.broadcast %get3A_15 : vector<1x64xf32> to vector<2000x64xf32>
    %add3A_17 = arith.addf %dot_general3A_12, %add3A_16 : vector<2000x64xf32>
    %get3A_18 = arith.constant 0 : index
    %get3A_19 = arith.constant 0 : index
    %get3A_20 = vector.load %arg2[%get3A_18, %get3A_19] : memref<2000x64xf32, #tpu.memory_space<vmem>>, vector<2000x64xf32>
    %add3A_21 = arith.addf %add3A_17, %get3A_20 : vector<2000x64xf32>
    %max3A = arith.constant 0.000000e+00 : f32
    %max3A_22 = vector.broadcast %max3A : f32 to vector<2000x64xf32>
    %max3A_23 = arith.maximumf %add3A_21, %max3A_22 : vector<2000x64xf32>
    %swap3A = arith.constant 0 : index
    %swap3A_24 = arith.constant 0 : index
    %swap3A_25 = vector.load %arg9[%swap3A, %swap3A_24] : memref<2000x64xf32, #tpu.memory_space<vmem>>, vector<2000x64xf32>
    tpu.vector_store %arg9[%swap3A, %swap3A_24], %max3A_23 {strides = array<i32>} : memref<2000x64xf32, #tpu.memory_space<vmem>>, vector<2000x64xf32>,
    %get3A_26 = arith.constant 0 : index
    %get3A_27 = arith.constant 0 : index
    %get3A_28 = vector.load %arg5[%get3A_26, %get3A_27] : memref<64x64xf32, #tpu.memory_space<vmem>>, vector<64x64xf32>
    %get3A_29 = arith.constant 0 : index
    %get3A_30 = arith.constant 0 : index
    %get3A_31 = vector.load %arg7[%get3A_29, %get3A_30] : memref<64x64xf32, #tpu.memory_space<vmem>>, vector<64x64xf32>
    %add3A_32 = arith.addf %get3A_28, %get3A_31 : vector<64x64xf32>
    %dot_general3A_33 = arith.constant dense<0.000000e+00> : vector<2000x64xf32>
    %dot_general3A_34 = tpu.matmul %max3A_23, %add3A_32, %dot_general3A_33 {dimension_numbers = #tpu.dot_dimension_numbers<[1], [0], [0], [1], [0, 0, 1, 1], [], []>, transpose_lhs_hint = false} : vector<2000x64xf32>, vector<64x64xf32>, vector<2000x64xf32> -> vector<2000x64xf32>
    %get3A_35 = arith.constant 0 : index
    %get3A_36 = arith.constant 0 : index
    %get3A_37 = vector.load %arg6[%get3A_35, %get3A_36] : memref<1x64xf32, #tpu.memory_space<vmem>>, vector<1x64xf32>
    %add3A_38 = vector.broadcast %get3A_37 : vector<1x64xf32> to vector<2000x64xf32>
    %add3A_39 = arith.addf %dot_general3A_34, %add3A_38 : vector<2000x64xf32>
    %get3A_40 = arith.constant 0 : index
    %get3A_41 = arith.constant 0 : index
    %get3A_42 = vector.load %arg8[%get3A_40, %get3A_41] : memref<1x64xf32, #tpu.memory_space<vmem>>, vector<1x64xf32>
    %add3A_43 = vector.broadcast %get3A_42 : vector<1x64xf32> to vector<2000x64xf32>
    %add3A_44 = arith.addf %add3A_39, %add3A_43 : vector<2000x64xf32>
    %swap3A_45 = arith.constant 0 : index
    %swap3A_46 = arith.constant 0 : index
    %swap3A_47 = vector.load %arg10[%swap3A_45, %swap3A_46] : memref<2000x64xf32, #tpu.memory_space<vmem>>, vector<2000x64xf32>
    tpu.vector_store %arg10[%swap3A_45, %swap3A_46], %add3A_44 {strides = array<i32>} : memref<2000x64xf32, #tpu.memory_space<vmem>>, vector<2000x64xf32>,
    return
  }
  func.func @transform_0(%arg0: i32) -> (i32, i32, i32) {
    %c0_i32 = arith.constant 0 : i32
    %c0_i32_0 = arith.constant 0 : i32
    %c0_i32_1 = arith.constant 0 : i32
    return %c0_i32, %arg0, %c0_i32_0 : i32, i32, i32
  }
  func.func @transform_1(%arg0: i32) -> (i32, i32) {
    %c0_i32 = arith.constant 0 : i32
    %c0_i32_0 = arith.constant 0 : i32
    return %arg0, %c0_i32 : i32, i32
  }
  func.func @transform_2(%arg0: i32) -> (i32, i32) {
    %c0_i32 = arith.constant 0 : i32
    %c0_i32_0 = arith.constant 0 : i32
    %c0_i32_1 = arith.constant 0 : i32
    return %c0_i32, %c0_i32_0 : i32, i32
  }
  func.func @transform_3(%arg0: i32) -> (i32, i32) {
    %c0_i32 = arith.constant 0 : i32
    %c0_i32_0 = arith.constant 0 : i32
    %c0_i32_1 = arith.constant 0 : i32
    return %c0_i32, %c0_i32_0 : i32, i32
  }
  func.func @transform_4(%arg0: i32) -> (i32, i32) {
    %c0_i32 = arith.constant 0 : i32
    %c0_i32_0 = arith.constant 0 : i32
    %c0_i32_1 = arith.constant 0 : i32
    return %c0_i32, %c0_i32_0 : i32, i32
  }
  func.func @transform_5(%arg0: i32) -> (i32, i32) {
    %c0_i32 = arith.constant 0 : i32
    %c0_i32_0 = arith.constant 0 : i32
    %c0_i32_1 = arith.constant 0 : i32
    return %c0_i32, %c0_i32_0 : i32, i32
  }
  func.func @transform_6(%arg0: i32) -> (i32, i32) {
    %c0_i32 = arith.constant 0 : i32
    %c0_i32_0 = arith.constant 0 : i32
    %c0_i32_1 = arith.constant 0 : i32
    return %c0_i32, %c0_i32_0 : i32, i32
  }
  func.func @transform_7(%arg0: i32) -> (i32, i32) {
    %c0_i32 = arith.constant 0 : i32
    %c0_i32_0 = arith.constant 0 : i32
    %c0_i32_1 = arith.constant 0 : i32
    return %c0_i32, %c0_i32_0 : i32, i32
  }
  func.func @transform_8(%arg0: i32) -> (i32, i32) {
    %c0_i32 = arith.constant 0 : i32
    %c0_i32_0 = arith.constant 0 : i32
    return %arg0, %c0_i32 : i32, i32
  }
  func.func @transform_9(%arg0: i32) -> (i32, i32) {
    %c0_i32 = arith.constant 0 : i32
    %c0_i32_0 = arith.constant 0 : i32
    return %arg0, %c0_i32 : i32, i32
  }
}

module attributes {stable_mosaic.version = 14 : i64} {
  func.func @body(%arg0: i32, %arg1: memref<2x2000x64xf32, #tpu.memory_space<vmem>>, %arg2: memref<2000x64xf32, #tpu.memory_space<vmem>>, %arg3: memref<64x64xf32, #tpu.memory_space<vmem>>, %arg4: memref<1x64xf32, #tpu.memory_space<vmem>>, %arg5: memref<128x64xf32, #tpu.memory_space<vmem>>, %arg6: memref<1x64xf32, #tpu.memory_space<vmem>>, %arg7: memref<64x16xf32, #tpu.memory_space<vmem>>, %arg8: memref<1x16xf32, #tpu.memory_space<vmem>>, %arg9: memref<2000x16xf32, #tpu.memory_space<vmem>>) attributes {dimension_semantics = [#tpu.dimension_semantics<arbitrary>], iteration_bounds = array<i64: 5>, scalar_prefetch = 0 : i64, scratch_operands = 0 : i64, tpu.core_type = #tpu.core_type<tc>, window_params = [{transform_indices = @transform_0, window_bounds = array<i64: 2, 2000, 64>}, {transform_indices = @transform_1, window_bounds = array<i64: 2000, 64>}, {pipeline_mode = #tpu.pipeline_mode<synchronous>, transform_indices = @transform_2, window_bounds = array<i64: 64, 64>}, {pipeline_mode = #tpu.pipeline_mode<synchronous>, transform_indices = @transform_3, window_bounds = array<i64: 1, 64>}, {pipeline_mode = #tpu.pipeline_mode<synchronous>, transform_indices = @transform_4, window_bounds = array<i64: 128, 64>}, {pipeline_mode = #tpu.pipeline_mode<synchronous>, transform_indices = @transform_5, window_bounds = array<i64: 1, 64>}, {pipeline_mode = #tpu.pipeline_mode<synchronous>, transform_indices = @transform_6, window_bounds = array<i64: 64, 16>}, {pipeline_mode = #tpu.pipeline_mode<synchronous>, transform_indices = @transform_7, window_bounds = array<i64: 1, 16>}, {transform_indices = @transform_8, window_bounds = array<i64: 2000, 16>}]} {
    %get3A = arith.constant 0 : index
    %get3A_0 = arith.constant 0 : index
    %get3A_1 = arith.constant 0 : index
    %get3A_2 = vector.load %arg1[%get3A, %get3A_0, %get3A_1] : memref<2x2000x64xf32, #tpu.memory_space<vmem>>, vector<1x2000x64xf32>
    %get3A_3 = vector.shape_cast %get3A_2 : vector<1x2000x64xf32> to vector<2000x64xf32>
    %get3A_4 = arith.constant 1 : index
    %get3A_5 = arith.constant 0 : index
    %get3A_6 = arith.constant 0 : index
    %get3A_7 = vector.load %arg1[%get3A_4, %get3A_5, %get3A_6] : memref<2x2000x64xf32, #tpu.memory_space<vmem>>, vector<1x2000x64xf32>
    %get3A_8 = vector.shape_cast %get3A_7 : vector<1x2000x64xf32> to vector<2000x64xf32>
    %add3A = arith.addf %get3A_3, %get3A_8 : vector<2000x64xf32>
    %get3A_9 = arith.constant 0 : index
    %get3A_10 = arith.constant 0 : index
    %get3A_11 = vector.load %arg3[%get3A_9, %get3A_10] : memref<64x64xf32, #tpu.memory_space<vmem>>, vector<64x64xf32>
    %dot_general3A = arith.constant dense<0.000000e+00> : vector<2000x64xf32>
    %dot_general3A_12 = tpu.matmul %add3A, %get3A_11, %dot_general3A {dimension_numbers = #tpu.dot_dimension_numbers<[1], [0], [0], [1], [0, 0, 1, 1], [], []>, transpose_lhs_hint = false} : vector<2000x64xf32>, vector<64x64xf32>, vector<2000x64xf32> -> vector<2000x64xf32>
    %get3A_13 = arith.constant 0 : index
    %get3A_14 = arith.constant 0 : index
    %get3A_15 = vector.load %arg4[%get3A_13, %get3A_14] : memref<1x64xf32, #tpu.memory_space<vmem>>, vector<1x64xf32>
    %add3A_16 = vector.broadcast %get3A_15 : vector<1x64xf32> to vector<2000x64xf32>
    %add3A_17 = arith.addf %dot_general3A_12, %add3A_16 : vector<2000x64xf32>
    %get3A_18 = arith.constant 0 : index
    %get3A_19 = arith.constant 0 : index
    %get3A_20 = vector.load %arg2[%get3A_18, %get3A_19] : memref<2000x64xf32, #tpu.memory_space<vmem>>, vector<2000x64xf32>
    %add3A_21 = arith.addf %add3A_17, %get3A_20 : vector<2000x64xf32>
    %max3A = arith.constant 0.000000e+00 : f32
    %max3A_22 = vector.broadcast %max3A : f32 to vector<2000x64xf32>
    %max3A_23 = arith.maximumf %add3A_21, %max3A_22 : vector<2000x64xf32>
    %get3A_24 = arith.constant 0 : index
    %get3A_25 = arith.constant 0 : index
    %get3A_26 = vector.load %arg5[%get3A_24, %get3A_25] : memref<128x64xf32, #tpu.memory_space<vmem>>, vector<64x64xf32>
    %get3A_27 = arith.constant 64 : index
    %get3A_28 = arith.constant 0 : index
    %get3A_29 = vector.load %arg5[%get3A_27, %get3A_28] : memref<128x64xf32, #tpu.memory_space<vmem>>, vector<64x64xf32>
    %add3A_30 = arith.addf %get3A_26, %get3A_29 : vector<64x64xf32>
    %dot_general3A_31 = arith.constant dense<0.000000e+00> : vector<2000x64xf32>
    %dot_general3A_32 = tpu.matmul %max3A_23, %add3A_30, %dot_general3A_31 {dimension_numbers = #tpu.dot_dimension_numbers<[1], [0], [0], [1], [0, 0, 1, 1], [], []>, transpose_lhs_hint = false} : vector<2000x64xf32>, vector<64x64xf32>, vector<2000x64xf32> -> vector<2000x64xf32>
    %get3A_33 = arith.constant 0 : index
    %get3A_34 = arith.constant 0 : index
    %get3A_35 = vector.load %arg6[%get3A_33, %get3A_34] : memref<1x64xf32, #tpu.memory_space<vmem>>, vector<1x64xf32>
    %add3A_36 = vector.broadcast %get3A_35 : vector<1x64xf32> to vector<2000x64xf32>
    %add3A_37 = arith.addf %dot_general3A_32, %add3A_36 : vector<2000x64xf32>
    %max3A_38 = arith.constant 0.000000e+00 : f32
    %max3A_39 = vector.broadcast %max3A_38 : f32 to vector<2000x64xf32>
    %max3A_40 = arith.maximumf %add3A_37, %max3A_39 : vector<2000x64xf32>
    %get3A_41 = arith.constant 0 : index
    %get3A_42 = arith.constant 0 : index
    %get3A_43 = vector.load %arg7[%get3A_41, %get3A_42] : memref<64x16xf32, #tpu.memory_space<vmem>>, vector<64x16xf32>
    %dot_general3A_44 = arith.constant dense<0.000000e+00> : vector<2000x16xf32>
    %dot_general3A_45 = tpu.matmul %max3A_40, %get3A_43, %dot_general3A_44 {dimension_numbers = #tpu.dot_dimension_numbers<[1], [0], [0], [1], [0, 0, 1, 1], [], []>, transpose_lhs_hint = false} : vector<2000x64xf32>, vector<64x16xf32>, vector<2000x16xf32> -> vector<2000x16xf32>
    %get3A_46 = arith.constant 0 : index
    %get3A_47 = arith.constant 0 : index
    %get3A_48 = vector.load %arg8[%get3A_46, %get3A_47] : memref<1x16xf32, #tpu.memory_space<vmem>>, vector<1x16xf32>
    %add3A_49 = vector.broadcast %get3A_48 : vector<1x16xf32> to vector<2000x16xf32>
    %add3A_50 = arith.addf %dot_general3A_45, %add3A_49 : vector<2000x16xf32>
    %reduce_max3A = arith.constant dense<0xFF800000> : vector<2000xf32>
    %reduce_max3A_51 = vector.multi_reduction <maximumf>, %add3A_50, %reduce_max3A [1] : vector<2000x16xf32> to vector<2000xf32>
    %broadcast_in_dim3A = vector.shape_cast %reduce_max3A_51 : vector<2000xf32> to vector<2000x1xf32>
    %sub3A = vector.broadcast %broadcast_in_dim3A : vector<2000x1xf32> to vector<2000x16xf32>
    %sub3A_52 = arith.subf %add3A_50, %sub3A : vector<2000x16xf32>
    %exp3A = math.exp %sub3A_52 : vector<2000x16xf32>
    %reduce_sum3A = arith.constant dense<0.000000e+00> : vector<2000xf32>
    %reduce_sum3A_53 = vector.multi_reduction <add>, %exp3A, %reduce_sum3A [1] : vector<2000x16xf32> to vector<2000xf32>
    %broadcast_in_dim3A_54 = vector.shape_cast %reduce_sum3A_53 : vector<2000xf32> to vector<2000x1xf32>
    %log3A = math.log %broadcast_in_dim3A_54 : vector<2000x1xf32>
    %sub3A_55 = vector.broadcast %log3A : vector<2000x1xf32> to vector<2000x16xf32>
    %sub3A_56 = arith.subf %sub3A_52, %sub3A_55 : vector<2000x16xf32>
    %swap3A = arith.constant 0 : index
    %swap3A_57 = arith.constant 0 : index
    %swap3A_58 = vector.load %arg9[%swap3A, %swap3A_57] : memref<2000x16xf32, #tpu.memory_space<vmem>>, vector<2000x16xf32>
    tpu.vector_store %arg9[%swap3A, %swap3A_57], %sub3A_56 {strides = array<i32>} : memref<2000x16xf32, #tpu.memory_space<vmem>>, vector<2000x16xf32>,
    return
  }
  func.func @transform_0(%arg0: i32) -> (i32, i32, i32) {
    %c0_i32 = arith.constant 0 : i32
    %c0_i32_0 = arith.constant 0 : i32
    %c0_i32_1 = arith.constant 0 : i32
    return %c0_i32, %arg0, %c0_i32_0 : i32, i32, i32
  }
  func.func @transform_1(%arg0: i32) -> (i32, i32) {
    %c0_i32 = arith.constant 0 : i32
    %c0_i32_0 = arith.constant 0 : i32
    return %arg0, %c0_i32 : i32, i32
  }
  func.func @transform_2(%arg0: i32) -> (i32, i32) {
    %c0_i32 = arith.constant 0 : i32
    %c0_i32_0 = arith.constant 0 : i32
    %c0_i32_1 = arith.constant 0 : i32
    return %c0_i32, %c0_i32_0 : i32, i32
  }
  func.func @transform_3(%arg0: i32) -> (i32, i32) {
    %c0_i32 = arith.constant 0 : i32
    %c0_i32_0 = arith.constant 0 : i32
    %c0_i32_1 = arith.constant 0 : i32
    return %c0_i32, %c0_i32_0 : i32, i32
  }
  func.func @transform_4(%arg0: i32) -> (i32, i32) {
    %c0_i32 = arith.constant 0 : i32
    %c0_i32_0 = arith.constant 0 : i32
    %c0_i32_1 = arith.constant 0 : i32
    return %c0_i32, %c0_i32_0 : i32, i32
  }
  func.func @transform_5(%arg0: i32) -> (i32, i32) {
    %c0_i32 = arith.constant 0 : i32
    %c0_i32_0 = arith.constant 0 : i32
    %c0_i32_1 = arith.constant 0 : i32
    return %c0_i32, %c0_i32_0 : i32, i32
  }
  func.func @transform_6(%arg0: i32) -> (i32, i32) {
    %c0_i32 = arith.constant 0 : i32
    %c0_i32_0 = arith.constant 0 : i32
    %c0_i32_1 = arith.constant 0 : i32
    return %c0_i32, %c0_i32_0 : i32, i32
  }
  func.func @transform_7(%arg0: i32) -> (i32, i32) {
    %c0_i32 = arith.constant 0 : i32
    %c0_i32_0 = arith.constant 0 : i32
    %c0_i32_1 = arith.constant 0 : i32
    return %c0_i32, %c0_i32_0 : i32, i32
  }
  func.func @transform_8(%arg0: i32) -> (i32, i32) {
    %c0_i32 = arith.constant 0 : i32
    %c0_i32_0 = arith.constant 0 : i32
    return %arg0, %c0_i32 : i32, i32
  }
}

</mosaic_0001>

<sc_bundles>
// kernel: kernel.11.cloned.1.call-start
scs
__scs_entry_jumppad:
0x0: {  	(pc) =	sbr.rel $0x88, $3  }
0x1: {  	(tag) =	ssettag $0x0;
	lr =	simm.s32 $0x1  }
0x2: {  	[smem:$0x3F88] =	sst lr;
	_ =	strace $0xD0000000  }
0x3: {  	_ = 	snop  }
0x4: {  	_ = 	snop  }
0x5: {  	_ = 	snop  }
0x6: {  	_ = 	snop  }
0x7: {  	_ = 	snop  }
__scs_overlays_trampoline_lowered:
0x8: {  	[smem:$0x3F97] =	sst s0  }
0x9: {  	[smem:$0x3F98] =	sst s1  }
0xa: {  	[smem:$0x3F99] =	sst s2  }
0xb: {  	[smem:$0x3F9A] =	sst s3  }
0xc: {  	[smem:$0x3F9B] =	sst s4  }
0xd: {  	[smem:$0x3F9C] =	sst s5  }
0xe: {  	[smem:$0x3F9D] =	sst s6  }
0xf: {  	[smem:$0x3F9E] =	sst s7  }
0x10: {  	[smem:$0x3F9F] =	sst s8  }
0x11: {  	[smem:$0x3FA0] =	sst s9;
	s0 =	simm.s32 @!p0 $0x0  }
0x12: {  	s1 =	sld [smem:$0x3F86];
	s0 =	simm.s32 @p0 $0x1  }
0x13: {  	[smem:$0x3FA1] =	sst s0;
	s0 =	simm.s32 @!p1 $0x0  }
0x14: {  	s2 =	sld [smem:$0x3F85];
	s0 =	simm.s32 @p1 $0x1  }
0x15: {  	[smem:$0x3FA2] =	sst s0;
	s0 =	simm.s32 @!p2 $0x0  }
0x16: {  	s3 =	sld [smem:$0x3FDB];
	s0 =	simm.s32 @p2 $0x1  }
0x17: {  	s4 =	simm.s32 $0x1BF5;
	[smem:$0x3FA4] =	sst s0  }
0x18: {  	s0 =	sld [smem:$0x3F87];
	_ =	swait.ge [sflag:s4], $0x0  }
0x19: {  	s7 =	sld [smem:$0x3F88]  }
0x1a: {  	s8 =	sadd.s32 $0xFFFFE003, lr  }
0x1b: {  	s9 =	sadd.s32 $0xFFFFFEF7, lr;
	s5 =	simm.s32 $0xFFFFFFFF;
	p2 =	slt.u32 s8, $0xFFFFF086  }
0x1c: {  	p1 =	slt.u32 s9, $0xF7A;
	s5 =	simm.s32 @!p2 $0x0  }
0x1d: {  	s5 =	simm.s32 @p1 $0x1;
	p0 =	seq.s32 s7, s2  }
0x1e: {  	s7 =	smul.u32 @!p0 $0xF7A, s2;
	p2 =	seq.s32 @!p0 s5, $0x0  }
0x1f: {  	s9 =	smul.u32 $0xF7A, s1;
	s8 =	simm.s32 @!p0 $0x1BF5;
	p2 =	por !p2, p0  }
0x20: {  	[sflag:s8] =	ssyncset.s32 @!p0 $0xFFFFF086;
	s6 =	sadd.s32 @!p0 s3, s7;
	s7 =	simm.s32 @!p0 $0x108  }
0x21: {  	s3 =	sadd.s32 s3, s9;
	s6 =	sadd.s32 @!p0 $0x88, s6;
	s7 =	simm.s32 @p2 $0x1082  }
0x22: {  	[simem:s7], [sflag:s8] =	dma.local @!p0 [hbm:s6], $0xF7A  }
0x23: {  	s9 =	sor.u32 $0xD0000000, s2;
	s6 =	simm.s32 $0x108;
	_ =	swait.ge @!p0 [sflag:s8], $0x0  }
0x24: {  	s3 =	sadd.s32 $0x88, s3;
	s6 =	simm.s32 @!p1 $0x1082;
	[sflag:s4] =	ssyncset.s32 $0xFFFFF086  }
0x25: {  	[simem:s6], [sflag:s4] =	dma.local [hbm:s3], $0xF7A  }
0x26: {  	[smem:$0x3F88] =	sst s1;
	(tag) =	ssettag s2;
	_ =	strace s9  }
0x27: {  	s1 =	sld [smem:$0x3F98]  }
0x28: {  	s2 =	sld [smem:$0x3F99]  }
0x29: {  	s4 =	sld [smem:$0x3F9B]  }
0x2a: {  	p0 =	seq.s32 s5, $0x0;
	s5 =	sld [smem:$0x3F9C]  }
0x2b: {  	s6 =	sld [smem:$0x3F9D]  }
0x2c: {  	s7 =	sld [smem:$0x3F9E]  }
0x2d: {  	s3 =	simm.s32 $0x108;
	s8 =	sld [smem:$0x3F9F]  }
0x2e: {  	s3 =	simm.s32 @!p0 $0x1082;
	s9 =	sld [smem:$0x3FA0]  }
0x2f: {  	lr =	sadd.s32 s0, s3;
	s0 =	sld [smem:$0x3F97]  }
0x30: {  	s3 =	sld [smem:$0x3F9A]  }
0x31: {  	[smem:$0x3FA3] =	sst s10  }
0x32: {  	s10 =	sld [smem:$0x3FA1];
	_ =	sdelay $0x3  }
0x33: {  	p0 =	seq.s32 s10, $0x1;
	s10 =	sld [smem:$0x3FA3];
	_ =	sdelay $0x3  }
0x34: {  	[smem:$0x3FA3] =	sst s10  }
0x35: {  	s10 =	sld [smem:$0x3FA2];
	_ =	sdelay $0x3  }
0x36: {  	p1 =	seq.s32 s10, $0x1;
	s10 =	sld [smem:$0x3FA3];
	_ =	sdelay $0x3  }
0x37: {  	[smem:$0x3FA3] =	sst s10  }
0x38: {  	s10 =	sld [smem:$0x3FA4]  }
0x39: {  	_ = 	snop;
	(pc) =	sbr.ind lr, $3  }
0x3a: {  	_ = 	snop  }
0x3b: {  	_ = 	snop  }
0x3c: {  	p2 =	seq.s32 s10, $0x1;
	s10 =	sld [smem:$0x3FA3]  }
0x3d: {  	_ =	shalt  }
0x3e: {  	_ =	shalt  }
0x3f: {  	_ =	shalt  }
0x40: {  	_ =	shalt  }
0x41: {  	_ =	shalt  }
0x42: {  	_ =	shalt  }
0x43: {  	_ =	shalt  }
0x44: {  	_ =	shalt  }
0x45: {  	_ =	shalt  }
0x46: {  	_ =	shalt  }
0x47: {  	_ =	shalt  }
0x48: {  	_ =	shalt  }
0x49: {  	_ =	shalt  }
0x4a: {  	_ =	shalt  }
0x4b: {  	_ =	shalt  }
0x4c: {  	_ =	shalt  }
0x4d: {  	_ =	shalt  }
0x4e: {  	_ =	shalt  }
0x4f: {  	_ =	shalt  }
0x50: {  	_ =	shalt  }
0x51: {  	_ =	shalt  }
0x52: {  	_ =	shalt  }
0x53: {  	_ =	shalt  }
0x54: {  	_ =	shalt  }
0x55: {  	_ =	shalt  }
0x56: {  	_ =	shalt  }
0x57: {  	_ =	shalt  }
0x58: {  	_ =	shalt  }
0x59: {  	_ =	shalt  }
0x5a: {  	_ =	shalt  }
0x5b: {  	_ =	shalt  }
0x5c: {  	_ =	shalt  }
0x5d: {  	_ =	shalt  }
0x5e: {  	_ =	shalt  }
0x5f: {  	_ =	shalt  }
0x60: {  	_ =	shalt  }
0x61: {  	_ =	shalt  }
0x62: {  	_ =	shalt  }
0x63: {  	_ =	shalt  }
0x64: {  	_ =	shalt  }
0x65: {  	_ =	shalt  }
0x66: {  	_ =	shalt  }
0x67: {  	_ =	shalt  }
0x68: {  	_ =	shalt  }
0x69: {  	_ =	shalt  }
0x6a: {  	_ =	shalt  }
0x6b: {  	_ =	shalt  }
0x6c: {  	_ =	shalt  }
0x6d: {  	_ =	shalt  }
0x6e: {  	_ =	shalt  }
0x6f: {  	_ =	shalt  }
0x70: {  	_ =	shalt  }
0x71: {  	_ =	shalt  }
0x72: {  	_ =	shalt  }
0x73: {  	_ =	shalt  }
0x74: {  	_ =	shalt  }
0x75: {  	_ =	shalt  }
0x76: {  	_ =	shalt  }
0x77: {  	_ =	shalt  }
0x78: {  	_ =	shalt  }
0x79: {  	_ =	shalt  }
0x7a: {  	_ =	shalt  }
0x7b: {  	_ =	shalt  }
0x7c: {  	_ =	shalt  }
0x7d: {  	_ =	shalt  }
0x7e: {  	_ =	shalt  }
0x7f: {  	_ =	shalt  }
0x80: {  	_ =	shalt  }
0x81: {  	_ =	shalt  }
0x82: {  	_ =	shalt  }
0x83: {  	_ =	shalt  }
0x84: {  	_ =	shalt  }
0x85: {  	_ =	shalt  }
0x86: {  	_ =	shalt  }
0x87: {  	_ =	shalt  }
.Lfunc_end0:
.L_simem_size_0:
called_computation.1_lowered:
.L_overlay_start_0:
0x88: {  	s2 =	sld [smem:$0x3FD9]  }
0x89: {  	s3 =	sld [smem:$0x3FFE];
	_ =	sdelay $0x1  }
0x8a: {  	s1 =	srdreg.scid  }
0x8b: {  	s0 =	sand.u32 $0x1, s1  }
0x8c: {  	s17 =	sshll.u32 s0, $0xA;
	s2 =	sadd.s32 s3, s2  }
0x8d: {  	s2 =	sadd.s32 s2, s17  }
0x8e: {  	[smem:$0x3FAF] =	sst s2  }
0x8f: {  	_ = 	snop  }
0x90: {  	s2 =	sld [smem:$0x3FD0];
	(tm) =	ssettm $0x1  }
0x91: {  	s18 =	sld [smem:$0x3FFB];
	_ =	sdelay $0x3  }
0x92: {  	_ =	strace s18  }
0x93: {  	s3 =	sld [smem:$0x3FFC];
	_ =	sdelay $0x3  }
0x94: {  	_ =	strace s3  }
0x95: {  	s3 =	sld [smem:$0x3FFD];
	_ =	sdelay $0x3  }
0x96: {  	_ =	strace s3  }
0x97: {  	_ =	strace $0x8FFFFFFF  }
0x98: {  	s19 =	sld [smem:$0x3FDB];
	_ =	sdelay $0x1  }
0x99: {  	s4 =	simm.s32 $_scs_section_size  }
0x9a: {  	s5 =	simm.s32 $_size__tile_overlayer_lowered;
	s6 =	simm.s32 $_tile_overlayer_lowered  }
0x9b: {  	s22 =	simm.s32 $0x1BFF;
	s21 =	sshll.u32 s6, $0x1;
	s3 =	sadd.s32 s4, s19  }
0x9c: {  	s7 =	simm.s32 $0x0;
	s20 =	sshll.u32 s5, $0x1;
	s5 =	sadd.s32 s21, s3  }
0x9d: {  	[timem:s7], [sflag:s22] =	dma.local [hbm:s5], s20  }
0x9e: {  	_ =	swait.ge [sflag:s22], s20  }
0x9f: {  	s4 =	ssub.s32 $0x0, s20;
	[sflag:s22] =	ssyncset.done $0x0  }
0xa0: {  	[sflag:s22] =	ssyncadd.s32 s4;
	_ =	sdelay $0x1  }
0xa1: {  	s23 =	simm.s32 $0x1B8B  }
0xa2: {  	_ =	swait.ge [sflag:s23], $0x1  }
0xa3: {  	[sflag:s23] =	ssyncset.done $0x0  }
0xa4: {  	s25 =	simm.s32 $0x1B8E;
	s24 =	sld [smem:$0x3FFE];
	[sflag:s23] =	ssyncadd.s32 $0xFFFFFFFF  }
0xa5: {  	s26 =	simm.s32 $execute0_lowered;
	[smem:$0x3FD2] =	sst s25  }
0xa6: {  	s5 =	sshll.u32 s26, $0x1;
	_ =	strace $0x80000049;
	[dreg:$0x1] =	wrdreg $0xFFFFFFFF  }
0xa7: {  	s28 =	simm.s32 $_size_execute0_lowered;
	s3 =	sadd.s32 s3, s5;
	[dreg:$0x0] =	wrdreg $0x0  }
0xa8: {  	s5 =	sshll.u32 s28, $0x1;
	[dreg:$0x2] =	wrdreg s3  }
0xa9: {  	[dreg:$0x3] =	wrdreg s5  }
0xaa: {  	[dreg:$0x4] =	wrdreg $0xC0  }
0xab: {  	_ =	task [dreg:s7], $0x5FFFF  }
0xac: {  	[dreg:$0x1] =	wrdreg $0xFFFFFFFF  }
0xad: {  	[dreg:$0x0] =	wrdreg $0x60  }
0xae: {  	[dreg:$0x2] =	wrdreg s24  }
0xaf: {  	[dreg:$0x3] =	wrdreg s2  }
0xb0: {  	[dreg:$0x4] =	wrdreg $0xA0D00  }
0xb1: {  	[dreg:$0x5] =	wrdreg $0x9  }
0xb2: {  	_ =	task.clear_ibuf [dreg:s7], $0x6FFFF;
	_ =	strace $0x90000049  }
0xb3: {  	s29 =	simm.s32 $0x9;
	_ =	strace $0x8000004B  }
0xb4: {  	_ =	swait.ge [sflag:s29], $0x1  }
0xb5: {  	[sflag:s29] =	ssyncadd.s32 $0xFFFFFFFF  }
0xb6: {  	_ =	strace $0x9000004B  }
0xb7: {  	_ =	sfence  }
0xb8: {  	s30 =	sld [smem:$0x0];
	_ =	sdelay $0x2  }
0xb9: {  	s31 =	sshll.u32 s1, $0xD;
	s1 =	sshrl.u32 s1, $0x2  }
0xba: {  	s3 =	sand.u32 $0x4000, s31;
	s1 =	sadd.s32 s1, s30  }
0xbb: {  	s0 =	sor.u32 s3, s0;
	s1 =	sshll.u32 s1, $0x11  }
0xbc: {  	s0 =	sor.u32 s1, s0  }
0xbd: {  	s0 =	sadd.s32 $0x8F2B, s0  }
0xbe: {  	[sflag:s0] =	ssyncadd.remote.s32 $0x1  }
0xbf: {  	_ =	sfence.sel $0xFFFF  }
0xc0: {  	[dreg:$0x0] =	wrdreg $0xFFFFFFFF;
	(pc) =	sbr.abs _section_cstart, $3  }
0xc1: {  	[dreg:$0x1] =	wrdreg $0xFFFFFFFF  }
0xc2: {  	_ =	task.clear_ibuf [dreg:s7], $0x2FFFF;
	_ =	strace $0x9FFFFFFF  }
0xc3: {  	(tm) =	ssettm $0x7FFFFFFF  }
tec
execute0_lowered:
.L_overlay_start_1:
0x0: {  	(tag) =	ssettag $0x1  }
0x1: {  	s0 =	rddreg [dreg:$0x0]  }
0x2: {  	s1 =	rddreg [dreg:$0x1]  }
0x3: {  	s2 =	rddreg [dreg:$0x2];
	s3 =	simm.s32 $0x0;
	s4 =	srdreg.scid  }
0x4: {  	s11 =	stileid.u32;
	[smem:$0x7FF] =	sst s3;
	s6 =	sand.u32 $0x1, s4  }
0x5: {  	s7 =	smul.u32 $0x13C00, s11;
	s4 =	sadd.s32 $0x52000, s0;
	s5 =	sadd.s32 $0x21E00, s0  }
0x6: {  	_ =	strace $0x8000004A;
	s8 =	smul.u32 $0x13C000, s6;
	s9 =	sshll.u32 s6, $0x4  }
0x7: {  	s25 =	ssub.s32 $0x2, s6;
	s6 =	sadd.s32 $0x2DE00, s0;
	s14 =	sor.u32 s11, s9  }
0x8: {  	s10 =	sshrl.u32 s25, $0x1;
	s11 =	smul.u32 $0x4F000, s11;
	s8 =	sadd.s32 s7, s8  }
0x9: {  	s20 =	smul.u32 $0xC0, s14;
	s19 =	ssub.s32 s25, s10;
	s7 =	sadd.s32 s7, s2  }
0xa: {  	s15 =	sshll.u32 s14, $0x1;
	s25 =	simm.s32 $0x80;
	s8 =	sshrl.u32 s8, $0x3  }
0xb: {  	s26 =	sshrl.u32 s11, $0x2;
	s15 =	sadd.s32 s1, s15;
	s19 =	smax.u32 s19, $0x1  }
0xc: {  	s0 =	sadd.s32 s8, s0;
	s21 =	sor.u32 $0x10, s20;
	s22 =	sor.u32 $0x20, s20  }
0xd: {  	s23 =	sor.u32 $0x30, s20;
	s28 =	sadd.s32 $0x40, s20;
	s17 =	sadd.s32 s26, s2  }
0xe: {  	s29 =	sadd.s32 $0x50, s20;
	s1 =	sadd.s32 $0x70, s20;
	s30 =	sadd.s32 $0x80, s20  }
0xf: {  	s31 =	sadd.s32 $0x90, s20;
	s24 =	sadd.s32 $0xA0, s20;
	s26 =	sadd.s32 $0xB0, s20  }
0x10: {  	s8 =	sadd.s32 $0x2000, s17;
	s9 =	sadd.s32 $0x4000, s17;
	s10 =	sadd.s32 $0x6000, s17  }
0x11: {  	s11 =	sadd.s32 $0x8000, s17;
	s12 =	sadd.s32 $0xA000, s17;
	s13 =	sadd.s32 $0xC000, s17  }
.Ltmp0:
0x12: {  	v11 =	vlaneseq.u32;
	v12 =	vimm.f32 $0.0e+00;
	s14 =	sadd.s32 $0xE000, s17;
	s16 =	sadd.s32 $0x10000, s17;
	(pc) =	sbr.rel .LBB2_1-.Ltmp0, $4  }
0x13: {  	v0 =	vor.u32 s20, v11;
	s17 =	sadd.s32 $0x12000, s17;
	s18 =	sadd.s32 $0x79200, s0;
	s0 =	sadd.s32 $0x60, s20;
	v1 =	vor.u32 s21, v11;
	v2 =	vor.u32 s22, v11  }
0x14: {  	s20 =	simm.s32 $0x40;
	v3 =	vor.u32 s23, v11;
	v4 =	vor.u32 s28, v11;
	v5 =	vor.u32 s29, v11;
	s28 =	simm.s32 $0x50C0;
	s29 =	simm.s32 $0x80D0  }
0x15: {  	v7 =	vor.u32 s1, v11;
	v8 =	vor.u32 s30, v11;
	v9 =	vor.u32 s31, v11;
	s30 =	simm.s32 $0x3;
	s31 =	simm.s32 $0x1;
	s1 =	simm.s32 $0x60D0  }
0x16: {  	v10 =	vor.u32 s24, v11;
	s21 =	simm.s32 $0x2;
	s22 =	simm.s32 $0x0;
	v6 =	vor.u32 s0, v11;
	s0 =	simm.s32 $0x60C0;
	v11 =	vor.u32 s26, v11  }
.LBB2_6:
0x17: {  	[sflag:s30] =	ssyncadd.s32 $0xFFFFE000  }
.LBB2_7:
0x18: {  	s23 =	stileid.u32;
	s22 =	sadd.s32 $0x1, s22  }
0x19: {  	[bflag:$0x0] =	sbarrier.arrive $0xFFFF;
	s23 =	sshll.u32 s23, $0x6;
	p0 =	sne.s32 s22, s19  }
.Ltmp1:
0x1a: {  	s24 =	sshrl.u32 s7, $0x3;
	s23 =	sor.u32 $0x1C03, s23;
	(pc) =	sbr.rel @!p0 .LBB2_8-.Ltmp1, $4  }
0x1b: {  	[hbm:s18], [sflag:s23] =	dma.local [spmem:s24], $0x2780  }
0x1c: {  	_ =	swait.ge [sflag:s30], $0x2780  }
0x1d: {  	[sflag:s30] =	ssyncset.done $0x0  }
0x1e: {  	[sflag:s30] =	ssyncadd.s32 $0xFFFFD880  }
.LBB2_1:
0x1f: {  	[tilespmem:$0x0] =	vst v0  }
0x20: {  	[tilespmem:$0x10] =	vst v1  }
0x21: {  	[tilespmem:$0x20] =	vst v2  }
0x22: {  	[tilespmem:$0x30] =	vst v3  }
0x23: {  	[tilespmem:$0x40] =	vst v4  }
0x24: {  	[tilespmem:$0x50] =	vst v5  }
0x25: {  	[tilespmem:$0x60] =	vst v6  }
0x26: {  	[tilespmem:$0x70] =	vst v7  }
0x27: {  	[tilespmem:$0x80] =	vst v8  }
0x28: {  	[tilespmem:$0x90] =	vst v9  }
0x29: {  	[tilespmem:$0xA0] =	vst v10  }
0x2a: {  	[tilespmem:$0xB0] =	vst v11;
	s23 =	simm.s32 $0xC0  }
0x2b: {  	[tilespmem:s23], [sflag:$0x1] =	stream.indirect.gather [hbm4b:s5+s20], $0x40, s3, s20, $0xb8;
	[tilespmem:$0x1DCD0] =	vst v63  }
0x2c: {  	s24 =	simm.s32 $0x30C0  }
0x2d: {  	[tilespmem:s24], [sflag:$0x1] =	stream.indirect.gather [hbm4b:s6+s20], $0x40, s3, s20, $0xb8;
	[tilespmem:$0x1DCD0] =	vst v63  }
0x2e: {  	s26 =	simm.s32 $0x10C0  }
0x2f: {  	[tilespmem:s26], [sflag:$0x1] =	stream.indirect.gather [hbm4b:s5+s20], $0x40, s20, s20, $0xb8;
	[tilespmem:$0x1DCD0] =	vst v63  }
0x30: {  	s24 =	simm.s32 $0x40C0  }
0x31: {  	[tilespmem:s24], [sflag:$0x1] =	stream.indirect.gather [hbm4b:s6+s20], $0x40, s20, s20, $0xb8;
	[tilespmem:$0x1DCD0] =	vst v63  }
0x32: {  	s26 =	simm.s32 $0x20C0  }
0x33: {  	[tilespmem:s26], [sflag:$0x1] =	stream.indirect.gather [hbm4b:s5+s20], $0x40, s25, s20, $0xb8;
	[tilespmem:$0x1DCD0] =	vst v63  }
0x34: {  	s23 =	simm.s32 $0x0;
	s24 =	simm.s32 $0x200  }
0x35: {  	[tilespmem:s28], [sflag:$0x1] =	stream.indirect.gather [hbm4b:s6+s20], $0x40, s25, s20, $0xb8;
	[tilespmem:$0x1DCD0] =	vst v63  }
.LBB2_2:
0x36: {  	p0 =	sne.s32 s24, $0x7E00;
	[tilespmem:s23+$0x8140] =	vst v12  }
0x37: {  	[tilespmem:s23+$0x80D0] =	vst v12  }
0x38: {  	[tilespmem:s23+$0x80E0] =	vst v12  }
.Ltmp2:
0x39: {  	[tilespmem:s23+$0x80F0] =	vst v12;
	(pc) =	sbr.rel @p0 .LBB2_2-.Ltmp2, $4  }
0x3a: {  	[tilespmem:s23+$0x8100] =	vst v12  }
0x3b: {  	[tilespmem:s23+$0x8110] =	vst v12  }
0x3c: {  	[tilespmem:s23+$0x8120] =	vst v12  }
0x3d: {  	[tilespmem:s23+$0x8130] =	vst v12;
	s23 =	sshra.s32 s24, $0x2;
	s24 =	sadd.s32 $0x200, s24  }
0x3e: {  	[tilespmem:s23+$0x8140] =	vst v12  }
0x3f: {  	[tilespmem:s23+$0x80D0] =	vst v12  }
0x40: {  	[tilespmem:s23+$0x80E0] =	vst v12  }
0x41: {  	[tilespmem:s23+$0x80F0] =	vst v12  }
0x42: {  	[tilespmem:s23+$0x8100] =	vst v12  }
0x43: {  	[tilespmem:s23+$0x8110] =	vst v12  }
0x44: {  	[tilespmem:s23+$0x8120] =	vst v12  }
0x45: {  	[tilespmem:s23+$0x8130] =	vst v12  }
0x46: {  	[spmem:s7] =	stream.linear.scatter [tilespmem:s29], [sflag:$0x3], $0x2000, $0x38;
	[tilespmem:$0x1DCD0] =	vst v63  }
0x47: {  	_ =	swait.ge [sflag:s30], $0x2000  }
0x48: {  	[sflag:s30] =	ssyncset.done $0x0  }
0x49: {  	[sflag:s30] =	ssyncadd.s32 $0xFFFFE000  }
0x4a: {  	[spmem:s8] =	stream.linear.scatter [tilespmem:s29], [sflag:$0x3], $0x2000, $0x38;
	[tilespmem:$0x1DCD0] =	vst v63  }
0x4b: {  	_ =	swait.ge [sflag:s30], $0x2000  }
0x4c: {  	[sflag:s30] =	ssyncset.done $0x0  }
0x4d: {  	[sflag:s30] =	ssyncadd.s32 $0xFFFFE000  }
0x4e: {  	[spmem:s9] =	stream.linear.scatter [tilespmem:s29], [sflag:$0x3], $0x2000, $0x38;
	[tilespmem:$0x1DCD0] =	vst v63  }
0x4f: {  	_ =	swait.ge [sflag:s30], $0x2000  }
0x50: {  	[sflag:s30] =	ssyncset.done $0x0  }
0x51: {  	[sflag:s30] =	ssyncadd.s32 $0xFFFFE000  }
0x52: {  	[spmem:s10] =	stream.linear.scatter [tilespmem:s29], [sflag:$0x3], $0x2000, $0x38;
	[tilespmem:$0x1DCD0] =	vst v63  }
0x53: {  	_ =	swait.ge [sflag:s30], $0x2000  }
0x54: {  	[sflag:s30] =	ssyncset.done $0x0  }
0x55: {  	[sflag:s30] =	ssyncadd.s32 $0xFFFFE000  }
0x56: {  	[spmem:s11] =	stream.linear.scatter [tilespmem:s29], [sflag:$0x3], $0x2000, $0x38;
	[tilespmem:$0x1DCD0] =	vst v63  }
0x57: {  	_ =	swait.ge [sflag:s30], $0x2000  }
0x58: {  	[sflag:s30] =	ssyncset.done $0x0  }
0x59: {  	[sflag:s30] =	ssyncadd.s32 $0xFFFFE000  }
0x5a: {  	[spmem:s12] =	stream.linear.scatter [tilespmem:s29], [sflag:$0x3], $0x2000, $0x38;
	[tilespmem:$0x1DCD0] =	vst v63  }
0x5b: {  	_ =	swait.ge [sflag:s30], $0x2000  }
0x5c: {  	[sflag:s30] =	ssyncset.done $0x0  }
0x5d: {  	[sflag:s30] =	ssyncadd.s32 $0xFFFFE000  }
0x5e: {  	[spmem:s13] =	stream.linear.scatter [tilespmem:s29], [sflag:$0x3], $0x2000, $0x38;
	[tilespmem:$0x1DCD0] =	vst v63  }
0x5f: {  	_ =	swait.ge [sflag:s30], $0x2000  }
0x60: {  	[sflag:s30] =	ssyncset.done $0x0  }
0x61: {  	[sflag:s30] =	ssyncadd.s32 $0xFFFFE000  }
0x62: {  	[spmem:s14] =	stream.linear.scatter [tilespmem:s29], [sflag:$0x3], $0x2000, $0x38;
	[tilespmem:$0x1DCD0] =	vst v63  }
0x63: {  	_ =	swait.ge [sflag:s30], $0x2000  }
0x64: {  	[sflag:s30] =	ssyncset.done $0x0  }
0x65: {  	[sflag:s30] =	ssyncadd.s32 $0xFFFFE000  }
0x66: {  	[spmem:s16] =	stream.linear.scatter [tilespmem:s29], [sflag:$0x3], $0x2000, $0x38;
	[tilespmem:$0x1DCD0] =	vst v63  }
0x67: {  	_ =	swait.ge [sflag:s30], $0x2000  }
0x68: {  	[sflag:s30] =	ssyncset.done $0x0  }
0x69: {  	[sflag:s30] =	ssyncadd.s32 $0xFFFFE000  }
0x6a: {  	[spmem:s17] =	stream.linear.scatter [tilespmem:s29], [sflag:$0x3], $0x1C00, $0x38;
	[tilespmem:$0x1DCD0] =	vst v63  }
0x6b: {  	_ =	swait.ge [sflag:s30], $0x1C00  }
0x6c: {  	[sflag:s30] =	ssyncset.done $0x0  }
0x6d: {  	[sflag:s30] =	ssyncadd.s32 $0xFFFFE400  }
0x6e: {  	_ =	swait.ge [sflag:s31], $0x1000  }
0x6f: {  	[sflag:s31] =	ssyncset.done $0x0  }
0x70: {  	[sflag:s31] =	ssyncadd.s32 $0xFFFFF000  }
0x71: {  	_ =	swait.ge [sflag:s31], $0x1000  }
0x72: {  	[sflag:s31] =	ssyncset.done $0x0  }
0x73: {  	[sflag:s31] =	ssyncadd.s32 $0xFFFFF000  }
0x74: {  	_ =	swait.ge [sflag:s31], $0x1000  }
0x75: {  	[sflag:s31] =	ssyncset.done $0x0  }
0x76: {  	[sflag:s31] =	ssyncadd.s32 $0xFFFFF000  }
0x77: {  	_ =	swait.ge [sflag:s31], $0x1000  }
0x78: {  	[sflag:s31] =	ssyncset.done $0x0  }
0x79: {  	[sflag:s31] =	ssyncadd.s32 $0xFFFFF000  }
0x7a: {  	_ =	swait.ge [sflag:s31], $0x1000  }
0x7b: {  	[sflag:s31] =	ssyncset.done $0x0  }
0x7c: {  	[sflag:s31] =	ssyncadd.s32 $0xFFFFF000  }
0x7d: {  	_ =	swait.ge [sflag:s31], $0x1000  }
0x7e: {  	[sflag:s31] =	ssyncset.done $0x0  }
0x7f: {  	[sflag:s31] =	ssyncadd.s32 $0xFFFFF000  }
0x80: {  	[tilespmem:s0], [sflag:$0x3] =	stream.linear.gather [hbm4b:s15+s3], $0x10, $0x38;
	[tilespmem:$0x1DCD0] =	vst v63  }
0x81: {  	_ =	swait.ge [sflag:s30], $0x10  }
0x82: {  	[sflag:s30] =	ssyncset.done $0x0  }
0x83: {  	[sflag:s30] =	ssyncadd.s32 $0xFFFFFFF0  }
0x84: {  	v13 =	vld [tilespmem:$0x60C0];
	_ =	sdelay $0x4  }
0x85: {  	(v2sf) =	vpush v13, $0x0;
	_ =	sdelay $0xe  }
0x86: {  	s24 =	spop (v2sf)  }
0x87: {  	s23 =	sadd.s32 $0x3F, s24  }
0x88: {  	s24 =	sand.u32 $0x3F, s23  }
0x89: {  	s26 =	sshra.s32 s23, $0x1F;
	p1 =	slt.s32 s23, $0x1;
	p0 =	sne.s32 s24, $0x0  }
0x8a: {  	s24 =	sshrl.u32 s26, $0x1A;
	p0 =	por !p1, !p0  }
0x8b: {  	s23 =	sadd.s32 s24, s23;
	s24 =	simm.s32 $0x1;
	p0 =	por !p0, !p0  }
0x8c: {  	s23 =	sshra.s32 s23, $0x6;
	s24 =	simm.s32 @!p0 $0x0  }
0x8d: {  	s26 =	ssub.s32 s23, s24  }
0x8e: {  	p0 =	slt.s32 s26, $0x1  }
.Ltmp3:
0x8f: {  	_ = 	snop;
	(pc) =	sbr.rel @p0 .LBB2_7-.Ltmp3, $2  }
0x90: {  	_ =	sdelay $0x1  }
0x91: {  	[bflag:$0x0] =	sbarrier.arrive $0xFFFF;
	_ =	sdelay $0x1  }
0x92: {  	s23 =	simm.s32 $0xC0  }
0x93: {  	[tilespmem:s1], [sflag:$0x2] =	stream.indirect.gather [hbm4b:s4+s20], $0x80, s23, s20, $0xb8;
	[tilespmem:$0x1DCD0] =	vst v63  }
0x94: {  	p0 =	sne.s32 s26, $0x1;
	_ =	swait.ge [sflag:s21], $0x2000  }
.Ltmp4:
0x95: {  	[sflag:s21] =	ssyncset.done $0x0;
	(pc) =	sbr.rel @!p0 .LBB2_6-.Ltmp4, $4  }
0x96: {  	s24 =	simm.s32 $0x30C0;
	[sflag:s21] =	ssyncadd.s32 $0xFFFFE000  }
0x97: {  	[spmem:s2] =	stream.indirect.scatter.add.f32 [tilespmem:s1], [sflag:$0x3], $0x80, s24, s20, $0xb8;
	[tilespmem:$0x1DCD0] =	vst v63  }
0x98: {  	_ =	swait.ge [sflag:s30], $0x2000  }
0x99: {  	s26 =	sadd.s32 $0xFFFFFFFF, s26;
	[sflag:s30] =	ssyncset.done $0x0  }
.LBB2_5:
0x9a: {  	[sflag:s30] =	ssyncadd.s32 $0xFFFFE000;
	s23 =	sadd.s32 $0x40, s23;
	s24 =	sadd.s32 $0x40, s24  }
0x9b: {  	[tilespmem:s1], [sflag:$0x2] =	stream.indirect.gather [hbm4b:s4+s20], $0x80, s23, s20, $0xb8;
	[tilespmem:$0x1DCD0] =	vst v63  }
0x9c: {  	p0 =	sne.s32 s26, $0x1;
	s26 =	sadd.s32 $0xFFFFFFFF, s26;
	_ =	swait.ge [sflag:s21], $0x2000  }
.Ltmp5:
0x9d: {  	[sflag:s21] =	ssyncset.done $0x0;
	(pc) =	sbr.rel @p0 .LBB2_5-.Ltmp5, $4  }
0x9e: {  	[sflag:s21] =	ssyncadd.s32 $0xFFFFE000  }
0x9f: {  	[spmem:s2] =	stream.indirect.scatter.add.f32 [tilespmem:s1], [sflag:$0x3], $0x80, s24, s20, $0xb8;
	[tilespmem:$0x1DCD0] =	vst v63  }
0xa0: {  	_ =	swait.ge [sflag:s30], $0x2000  }
0xa1: {  	[sflag:s30] =	ssyncset.done $0x0  }
.Ltmp6:
0xa2: {  	_ = 	snop;
	(pc) =	sbr.rel .LBB2_6-.Ltmp6, $1  }
0xa3: {  	_ =	sdelay $0x3  }
.LBB2_8:
0xa4: {  	_ =	sfence.sel $0x180000  }
0xa5: {  	[bflag:$0x0] =	sbarrier.arrive $0xFFFF  }
0xa6: {  	_ =	strace $0x9000004A  }
0xa7: {  	s0 =	stileid.u32;
	[bflag:$0x2] =	sbarrier.arrive $0xFFFF  }
0xa8: {  	p0 =	sne.s32 s0, $0x0;
	s0 =	rddreg [dreg:$0x3]  }
0xa9: {  	s0 =	sadd.s32 @!p0 $0x100000, s0  }
0xaa: {  	[sflag:s0] =	ssyncadd.tile.s32 @!p0 $0x1;
	_ =	shalt  }
.Lfunc_end2:
_tile_overlayer_lowered:
.L_overlay_start_2:
0xab: {  	(tag) =	ssettag $0x2  }
0xac: {  	s0 =	rddreg [dreg:$0x0];
	s2 =	stileid.u32  }
0xad: {  	s1 =	rddreg [dreg:$0x1];
	p0 =	sne.s32 s2, $0x0  }
0xae: {  	s3 =	rddreg [dreg:$0x2];
	[bflag:$0x3] =	sbarrier.arrive $0xFFFF;
	s2 =	simm.s32 @!p0 $0x1C03  }
0xaf: {  	[timem:s3], [sflag:s2] =	dma.local @!p0 [hbm:s0], s1  }
0xb0: {  	s0 =	simm.s32 @!p0 $0x3  }
0xb1: {  	_ =	swait.ge @!p0 [sflag:s0], s1  }
0xb2: {  	s1 =	ssub.s32 @!p0 $0x0, s1;
	[sflag:s0] =	ssyncset.done @!p0 $0x0  }
0xb3: {  	[sflag:s0] =	ssyncadd.s32 @!p0 s1  }
0xb4: {  	[bflag:$0x3] =	sbarrier.arrive $0xFFFF  }
0xb5: {  	_ =	shalt  }

// kernel: kernel.14.cloned.1.call-start
scs
__scs_entry_jumppad:
0x0: {  	(pc) =	sbr.rel $0x88, $3  }
0x1: {  	(tag) =	ssettag $0x0;
	lr =	simm.s32 $0x1  }
0x2: {  	[smem:$0x3F88] =	sst lr;
	_ =	strace $0xD0000000  }
0x3: {  	_ = 	snop  }
0x4: {  	_ = 	snop  }
0x5: {  	_ = 	snop  }
0x6: {  	_ = 	snop  }
0x7: {  	_ = 	snop  }
__scs_overlays_trampoline_lowered:
0x8: {  	[smem:$0x3F97] =	sst s0  }
0x9: {  	[smem:$0x3F98] =	sst s1  }
0xa: {  	[smem:$0x3F99] =	sst s2  }
0xb: {  	[smem:$0x3F9A] =	sst s3  }
0xc: {  	[smem:$0x3F9B] =	sst s4  }
0xd: {  	[smem:$0x3F9C] =	sst s5  }
0xe: {  	[smem:$0x3F9D] =	sst s6  }
0xf: {  	[smem:$0x3F9E] =	sst s7  }
0x10: {  	[smem:$0x3F9F] =	sst s8  }
0x11: {  	[smem:$0x3FA0] =	sst s9;
	s0 =	simm.s32 @!p0 $0x0  }
0x12: {  	s1 =	sld [smem:$0x3F86];
	s0 =	simm.s32 @p0 $0x1  }
0x13: {  	[smem:$0x3FA1] =	sst s0;
	s0 =	simm.s32 @!p1 $0x0  }
0x14: {  	s2 =	sld [smem:$0x3F85];
	s0 =	simm.s32 @p1 $0x1  }
0x15: {  	[smem:$0x3FA2] =	sst s0;
	s0 =	simm.s32 @!p2 $0x0  }
0x16: {  	s3 =	sld [smem:$0x3FDB];
	s0 =	simm.s32 @p2 $0x1  }
0x17: {  	s4 =	simm.s32 $0x1BF5;
	[smem:$0x3FA4] =	sst s0  }
0x18: {  	s0 =	sld [smem:$0x3F87];
	_ =	swait.ge [sflag:s4], $0x0  }
0x19: {  	s7 =	sld [smem:$0x3F88]  }
0x1a: {  	s8 =	sadd.s32 $0xFFFFE003, lr  }
0x1b: {  	s9 =	sadd.s32 $0xFFFFFEF7, lr;
	s5 =	simm.s32 $0xFFFFFFFF;
	p2 =	slt.u32 s8, $0xFFFFF086  }
0x1c: {  	p1 =	slt.u32 s9, $0xF7A;
	s5 =	simm.s32 @!p2 $0x0  }
0x1d: {  	s5 =	simm.s32 @p1 $0x1;
	p0 =	seq.s32 s7, s2  }
0x1e: {  	s7 =	smul.u32 @!p0 $0xF7A, s2;
	p2 =	seq.s32 @!p0 s5, $0x0  }
0x1f: {  	s9 =	smul.u32 $0xF7A, s1;
	s8 =	simm.s32 @!p0 $0x1BF5;
	p2 =	por !p2, p0  }
0x20: {  	[sflag:s8] =	ssyncset.s32 @!p0 $0xFFFFF086;
	s6 =	sadd.s32 @!p0 s3, s7;
	s7 =	simm.s32 @!p0 $0x108  }
0x21: {  	s3 =	sadd.s32 s3, s9;
	s6 =	sadd.s32 @!p0 $0x88, s6;
	s7 =	simm.s32 @p2 $0x1082  }
0x22: {  	[simem:s7], [sflag:s8] =	dma.local @!p0 [hbm:s6], $0xF7A  }
0x23: {  	s9 =	sor.u32 $0xD0000000, s2;
	s6 =	simm.s32 $0x108;
	_ =	swait.ge @!p0 [sflag:s8], $0x0  }
0x24: {  	s3 =	sadd.s32 $0x88, s3;
	s6 =	simm.s32 @!p1 $0x1082;
	[sflag:s4] =	ssyncset.s32 $0xFFFFF086  }
0x25: {  	[simem:s6], [sflag:s4] =	dma.local [hbm:s3], $0xF7A  }
0x26: {  	[smem:$0x3F88] =	sst s1;
	(tag) =	ssettag s2;
	_ =	strace s9  }
0x27: {  	s1 =	sld [smem:$0x3F98]  }
0x28: {  	s2 =	sld [smem:$0x3F99]  }
0x29: {  	s4 =	sld [smem:$0x3F9B]  }
0x2a: {  	p0 =	seq.s32 s5, $0x0;
	s5 =	sld [smem:$0x3F9C]  }
0x2b: {  	s6 =	sld [smem:$0x3F9D]  }
0x2c: {  	s7 =	sld [smem:$0x3F9E]  }
0x2d: {  	s3 =	simm.s32 $0x108;
	s8 =	sld [smem:$0x3F9F]  }
0x2e: {  	s3 =	simm.s32 @!p0 $0x1082;
	s9 =	sld [smem:$0x3FA0]  }
0x2f: {  	lr =	sadd.s32 s0, s3;
	s0 =	sld [smem:$0x3F97]  }
0x30: {  	s3 =	sld [smem:$0x3F9A]  }
0x31: {  	[smem:$0x3FA3] =	sst s10  }
0x32: {  	s10 =	sld [smem:$0x3FA1];
	_ =	sdelay $0x3  }
0x33: {  	p0 =	seq.s32 s10, $0x1;
	s10 =	sld [smem:$0x3FA3];
	_ =	sdelay $0x3  }
0x34: {  	[smem:$0x3FA3] =	sst s10  }
0x35: {  	s10 =	sld [smem:$0x3FA2];
	_ =	sdelay $0x3  }
0x36: {  	p1 =	seq.s32 s10, $0x1;
	s10 =	sld [smem:$0x3FA3];
	_ =	sdelay $0x3  }
0x37: {  	[smem:$0x3FA3] =	sst s10  }
0x38: {  	s10 =	sld [smem:$0x3FA4]  }
0x39: {  	_ = 	snop;
	(pc) =	sbr.ind lr, $3  }
0x3a: {  	_ = 	snop  }
0x3b: {  	_ = 	snop  }
0x3c: {  	p2 =	seq.s32 s10, $0x1;
	s10 =	sld [smem:$0x3FA3]  }
0x3d: {  	_ =	shalt  }
0x3e: {  	_ =	shalt  }
0x3f: {  	_ =	shalt  }
0x40: {  	_ =	shalt  }
0x41: {  	_ =	shalt  }
0x42: {  	_ =	shalt  }
0x43: {  	_ =	shalt  }
0x44: {  	_ =	shalt  }
0x45: {  	_ =	shalt  }
0x46: {  	_ =	shalt  }
0x47: {  	_ =	shalt  }
0x48: {  	_ =	shalt  }
0x49: {  	_ =	shalt  }
0x4a: {  	_ =	shalt  }
0x4b: {  	_ =	shalt  }
0x4c: {  	_ =	shalt  }
0x4d: {  	_ =	shalt  }
0x4e: {  	_ =	shalt  }
0x4f: {  	_ =	shalt  }
0x50: {  	_ =	shalt  }
0x51: {  	_ =	shalt  }
0x52: {  	_ =	shalt  }
0x53: {  	_ =	shalt  }
0x54: {  	_ =	shalt  }
0x55: {  	_ =	shalt  }
0x56: {  	_ =	shalt  }
0x57: {  	_ =	shalt  }
0x58: {  	_ =	shalt  }
0x59: {  	_ =	shalt  }
0x5a: {  	_ =	shalt  }
0x5b: {  	_ =	shalt  }
0x5c: {  	_ =	shalt  }
0x5d: {  	_ =	shalt  }
0x5e: {  	_ =	shalt  }
0x5f: {  	_ =	shalt  }
0x60: {  	_ =	shalt  }
0x61: {  	_ =	shalt  }
0x62: {  	_ =	shalt  }
0x63: {  	_ =	shalt  }
0x64: {  	_ =	shalt  }
0x65: {  	_ =	shalt  }
0x66: {  	_ =	shalt  }
0x67: {  	_ =	shalt  }
0x68: {  	_ =	shalt  }
0x69: {  	_ =	shalt  }
0x6a: {  	_ =	shalt  }
0x6b: {  	_ =	shalt  }
0x6c: {  	_ =	shalt  }
0x6d: {  	_ =	shalt  }
0x6e: {  	_ =	shalt  }
0x6f: {  	_ =	shalt  }
0x70: {  	_ =	shalt  }
0x71: {  	_ =	shalt  }
0x72: {  	_ =	shalt  }
0x73: {  	_ =	shalt  }
0x74: {  	_ =	shalt  }
0x75: {  	_ =	shalt  }
0x76: {  	_ =	shalt  }
0x77: {  	_ =	shalt  }
0x78: {  	_ =	shalt  }
0x79: {  	_ =	shalt  }
0x7a: {  	_ =	shalt  }
0x7b: {  	_ =	shalt  }
0x7c: {  	_ =	shalt  }
0x7d: {  	_ =	shalt  }
0x7e: {  	_ =	shalt  }
0x7f: {  	_ =	shalt  }
0x80: {  	_ =	shalt  }
0x81: {  	_ =	shalt  }
0x82: {  	_ =	shalt  }
0x83: {  	_ =	shalt  }
0x84: {  	_ =	shalt  }
0x85: {  	_ =	shalt  }
0x86: {  	_ =	shalt  }
0x87: {  	_ =	shalt  }
.Lfunc_end0:
.L_simem_size_0:
called_computation.2_lowered:
.L_overlay_start_0:
0x88: {  	s2 =	sld [smem:$0x3FD9]  }
0x89: {  	s3 =	sld [smem:$0x3FFE];
	_ =	sdelay $0x1  }
0x8a: {  	s1 =	srdreg.scid  }
0x8b: {  	s0 =	sand.u32 $0x1, s1  }
0x8c: {  	s16 =	sshll.u32 s0, $0xA;
	s2 =	sadd.s32 s3, s2  }
0x8d: {  	s2 =	sadd.s32 s2, s16  }
0x8e: {  	[smem:$0x3FAF] =	sst s2  }
0x8f: {  	_ = 	snop  }
0x90: {  	(tm) =	ssettm $0x1  }
0x91: {  	s17 =	sld [smem:$0x3FFB];
	_ =	sdelay $0x3  }
0x92: {  	_ =	strace s17  }
0x93: {  	s2 =	sld [smem:$0x3FFC];
	_ =	sdelay $0x3  }
0x94: {  	_ =	strace s2  }
0x95: {  	s2 =	sld [smem:$0x3FFD];
	_ =	sdelay $0x3  }
0x96: {  	_ =	strace s2  }
0x97: {  	_ =	strace $0x8FFFFFFF  }
0x98: {  	s18 =	sld [smem:$0x3FDB];
	_ =	sdelay $0x1  }
0x99: {  	s19 =	simm.s32 $_scs_section_size  }
0x9a: {  	s4 =	simm.s32 $_size__tile_overlayer_lowered;
	s5 =	simm.s32 $_tile_overlayer_lowered  }
0x9b: {  	s22 =	simm.s32 $0x1BFF;
	s21 =	sshll.u32 s5, $0x1;
	s2 =	sadd.s32 s19, s18  }
0x9c: {  	s6 =	simm.s32 $0x0;
	s20 =	sshll.u32 s4, $0x1;
	s4 =	sadd.s32 s21, s2  }
0x9d: {  	[timem:s6], [sflag:s22] =	dma.local [hbm:s4], s20  }
0x9e: {  	_ =	swait.ge [sflag:s22], s20  }
0x9f: {  	s3 =	ssub.s32 $0x0, s20;
	[sflag:s22] =	ssyncset.done $0x0  }
0xa0: {  	[sflag:s22] =	ssyncadd.s32 s3;
	_ =	sdelay $0x1  }
0xa1: {  	s23 =	simm.s32 $0x1B8B  }
0xa2: {  	_ =	swait.ge [sflag:s23], $0x1  }
0xa3: {  	[sflag:s23] =	ssyncset.done $0x0  }
0xa4: {  	s25 =	simm.s32 $0x1B8E;
	s24 =	sld [smem:$0x3FFE];
	[sflag:s23] =	ssyncadd.s32 $0xFFFFFFFF  }
0xa5: {  	s26 =	simm.s32 $execute0_lowered;
	[smem:$0x3FD2] =	sst s25  }
0xa6: {  	s4 =	sshll.u32 s26, $0x1;
	_ =	strace $0x8000004C;
	[dreg:$0x1] =	wrdreg $0xFFFFFFFF  }
0xa7: {  	s28 =	simm.s32 $_size_execute0_lowered;
	s2 =	sadd.s32 s2, s4;
	[dreg:$0x0] =	wrdreg $0x0  }
0xa8: {  	s4 =	sshll.u32 s28, $0x1;
	[dreg:$0x2] =	wrdreg s2  }
0xa9: {  	[dreg:$0x3] =	wrdreg s4  }
0xaa: {  	[dreg:$0x4] =	wrdreg $0xC0  }
0xab: {  	_ =	task [dreg:s6], $0x5FFFF  }
0xac: {  	[dreg:$0x1] =	wrdreg $0xFFFFFFFF  }
0xad: {  	[dreg:$0x0] =	wrdreg $0x60  }
0xae: {  	[dreg:$0x2] =	wrdreg s24  }
0xaf: {  	[dreg:$0x3] =	wrdreg $0x80D00  }
0xb0: {  	[dreg:$0x4] =	wrdreg $0x9  }
0xb1: {  	_ =	task.clear_ibuf [dreg:s6], $0x5FFFF;
	_ =	strace $0x9000004C  }
0xb2: {  	s29 =	simm.s32 $0x9;
	_ =	strace $0x8000004E  }
0xb3: {  	_ =	swait.ge [sflag:s29], $0x1  }
0xb4: {  	[sflag:s29] =	ssyncadd.s32 $0xFFFFFFFF  }
0xb5: {  	_ =	strace $0x9000004E  }
0xb6: {  	_ =	sfence  }
0xb7: {  	s30 =	sld [smem:$0x0];
	_ =	sdelay $0x2  }
0xb8: {  	s31 =	sshll.u32 s1, $0xD;
	s1 =	sshrl.u32 s1, $0x2  }
0xb9: {  	s3 =	sand.u32 $0x4000, s31;
	s1 =	sadd.s32 s1, s30  }
0xba: {  	s0 =	sor.u32 s3, s0;
	s1 =	sshll.u32 s1, $0x11  }
0xbb: {  	s0 =	sor.u32 s1, s0  }
0xbc: {  	s0 =	sadd.s32 $0x8F2B, s0  }
0xbd: {  	[sflag:s0] =	ssyncadd.remote.s32 $0x1  }
0xbe: {  	_ =	sfence.sel $0xFFFF  }
0xbf: {  	[dreg:$0x0] =	wrdreg $0xFFFFFFFF;
	(pc) =	sbr.abs _section_cstart, $3  }
0xc0: {  	[dreg:$0x1] =	wrdreg $0xFFFFFFFF  }
0xc1: {  	_ =	task.clear_ibuf [dreg:s6], $0x2FFFF;
	_ =	strace $0x9FFFFFFF  }
0xc2: {  	(tm) =	ssettm $0x7FFFFFFF  }
0xc3: {  	_ =	shalt  }
tec
execute0_lowered:
.L_overlay_start_1:
0x0: {  	(tag) =	ssettag $0x1  }
0x1: {  	s0 =	rddreg [dreg:$0x0]  }
0x2: {  	s2 =	rddreg [dreg:$0x1]  }
0x3: {  	s1 =	srdreg.scid;
	s3 =	simm.s32 $0x0;
	s11 =	stileid.u32  }
0x4: {  	s1 =	sand.u32 $0x1, s1;
	[smem:$0x7FF] =	sst s3;
	s7 =	smul.u32 $0x9E00, s11  }
0x5: {  	s5 =	sadd.s32 $0x39E00, s0;
	s6 =	sadd.s32 $0x45E00, s0;
	s25 =	smul.u32 $0x27800, s11  }
0x6: {  	s4 =	sshll.u32 s1, $0x4;
	_ =	strace $0x8000004D;
	s9 =	smul.u32 $0x9E000, s1  }
0x7: {  	s1 =	ssub.s32 $0x2, s1;
	s8 =	sor.u32 s11, s4;
	s4 =	sadd.s32 $0x4400, s0  }
0x8: {  	s24 =	sshrl.u32 s1, $0x1;
	s26 =	sshrl.u32 s25, $0x2;
	s25 =	simm.s32 $0x80  }
0x9: {  	s10 =	sshll.u32 s8, $0x1;
	s9 =	sadd.s32 s7, s9;
	s20 =	smul.u32 $0xC0, s8  }
0xa: {  	s1 =	ssub.s32 s1, s24;
	s7 =	sadd.s32 s7, s2;
	s16 =	sadd.s32 s26, s2  }
0xb: {  	s17 =	sadd.s32 s10, s0;
	s9 =	sshrl.u32 s9, $0x3;
	s8 =	sadd.s32 $0x1000, s16  }
0xc: {  	s10 =	sadd.s32 $0x3000, s16;
	s11 =	sadd.s32 $0x4000, s16;
	s12 =	sadd.s32 $0x5000, s16  }
0xd: {  	s13 =	sadd.s32 $0x6000, s16;
	s14 =	sadd.s32 $0x7000, s16;
	s15 =	sadd.s32 $0x8000, s16  }
0xe: {  	s19 =	smax.u32 s1, $0x1;
	s0 =	sadd.s32 s9, s0;
	s21 =	sor.u32 $0x10, s20  }
0xf: {  	s22 =	sor.u32 $0x20, s20;
	s23 =	sor.u32 $0x30, s20;
	s28 =	sadd.s32 $0x40, s20  }
0x10: {  	s29 =	sadd.s32 $0x50, s20;
	s9 =	sadd.s32 $0x2000, s16;
	s16 =	sadd.s32 $0x9000, s16  }
0x11: {  	s17 =	sadd.s32 $0x51E00, s17;
	s1 =	sadd.s32 $0x70, s20;
	s30 =	sadd.s32 $0x80, s20  }
.Ltmp0:
0x12: {  	v11 =	vlaneseq.u32;
	v12 =	vimm.f32 $0.0e+00;
	s31 =	sadd.s32 $0x90, s20;
	s24 =	sadd.s32 $0xA0, s20;
	(pc) =	sbr.rel .LBB2_1-.Ltmp0, $4  }
0x13: {  	s26 =	sadd.s32 $0xB0, s20;
	v0 =	vor.u32 s20, v11;
	s18 =	sadd.s32 $0x52000, s0;
	s0 =	sadd.s32 $0x60, s20;
	v1 =	vor.u32 s21, v11;
	v2 =	vor.u32 s22, v11  }
0x14: {  	s20 =	simm.s32 $0x40;
	v3 =	vor.u32 s23, v11;
	v4 =	vor.u32 s28, v11;
	v5 =	vor.u32 s29, v11;
	s28 =	simm.s32 $0x50C0;
	s29 =	simm.s32 $0x70D0  }
0x15: {  	v7 =	vor.u32 s1, v11;
	v8 =	vor.u32 s30, v11;
	v9 =	vor.u32 s31, v11;
	s30 =	simm.s32 $0x3;
	s31 =	simm.s32 $0x1;
	s1 =	simm.s32 $0x60D0  }
0x16: {  	v10 =	vor.u32 s24, v11;
	s21 =	simm.s32 $0x2;
	s22 =	simm.s32 $0x0;
	v6 =	vor.u32 s0, v11;
	s0 =	simm.s32 $0x60C0;
	v11 =	vor.u32 s26, v11  }
.LBB2_6:
0x17: {  	[sflag:s30] =	ssyncadd.s32 $0xFFFFF000  }
.LBB2_7:
0x18: {  	s23 =	stileid.u32;
	s22 =	sadd.s32 $0x1, s22  }
0x19: {  	[bflag:$0x0] =	sbarrier.arrive $0xFFFF;
	s23 =	sshll.u32 s23, $0x6;
	p0 =	sne.s32 s22, s19  }
.Ltmp1:
0x1a: {  	s24 =	sshrl.u32 s7, $0x3;
	s23 =	sor.u32 $0x1C03, s23;
	(pc) =	sbr.rel @!p0 .LBB2_8-.Ltmp1, $4  }
0x1b: {  	[hbm:s18], [sflag:s23] =	dma.local [spmem:s24], $0x13C0  }
0x1c: {  	_ =	swait.ge [sflag:s30], $0x13C0  }
0x1d: {  	[sflag:s30] =	ssyncset.done $0x0  }
0x1e: {  	[sflag:s30] =	ssyncadd.s32 $0xFFFFEC40  }
.LBB2_1:
0x1f: {  	[tilespmem:$0x0] =	vst v0  }
0x20: {  	[tilespmem:$0x10] =	vst v1  }
0x21: {  	[tilespmem:$0x20] =	vst v2  }
0x22: {  	[tilespmem:$0x30] =	vst v3  }
0x23: {  	[tilespmem:$0x40] =	vst v4  }
0x24: {  	[tilespmem:$0x50] =	vst v5  }
0x25: {  	[tilespmem:$0x60] =	vst v6  }
0x26: {  	[tilespmem:$0x70] =	vst v7  }
0x27: {  	[tilespmem:$0x80] =	vst v8  }
0x28: {  	[tilespmem:$0x90] =	vst v9  }
0x29: {  	[tilespmem:$0xA0] =	vst v10  }
0x2a: {  	[tilespmem:$0xB0] =	vst v11;
	s23 =	simm.s32 $0xC0  }
0x2b: {  	[tilespmem:s23], [sflag:$0x1] =	stream.indirect.gather [hbm4b:s5+s20], $0x40, s3, s20, $0xb8;
	[tilespmem:$0x11ED0] =	vst v63  }
0x2c: {  	s24 =	simm.s32 $0x30C0  }
0x2d: {  	[tilespmem:s24], [sflag:$0x1] =	stream.indirect.gather [hbm4b:s6+s20], $0x40, s3, s20, $0xb8;
	[tilespmem:$0x11ED0] =	vst v63  }
0x2e: {  	s26 =	simm.s32 $0x10C0  }
0x2f: {  	[tilespmem:s26], [sflag:$0x1] =	stream.indirect.gather [hbm4b:s5+s20], $0x40, s20, s20, $0xb8;
	[tilespmem:$0x11ED0] =	vst v63  }
0x30: {  	s24 =	simm.s32 $0x40C0  }
0x31: {  	[tilespmem:s24], [sflag:$0x1] =	stream.indirect.gather [hbm4b:s6+s20], $0x40, s20, s20, $0xb8;
	[tilespmem:$0x11ED0] =	vst v63  }
0x32: {  	s26 =	simm.s32 $0x20C0  }
0x33: {  	[tilespmem:s26], [sflag:$0x1] =	stream.indirect.gather [hbm4b:s5+s20], $0x40, s25, s20, $0xb8;
	[tilespmem:$0x11ED0] =	vst v63  }
0x34: {  	s23 =	simm.s32 $0x0;
	s24 =	simm.s32 $0x100  }
0x35: {  	[tilespmem:s28], [sflag:$0x1] =	stream.indirect.gather [hbm4b:s6+s20], $0x40, s25, s20, $0xb8;
	[tilespmem:$0x11ED0] =	vst v63  }
.LBB2_2:
0x36: {  	p0 =	sne.s32 s24, $0x3F00;
	[tilespmem:s23+$0x7100] =	vst v12;
	s26 =	smov.u32 s24;
	s24 =	sadd.s32 $0x100, s24  }
.Ltmp2:
0x37: {  	[tilespmem:s23+$0x70F0] =	vst v12;
	(pc) =	sbr.rel @p0 .LBB2_2-.Ltmp2, $3  }
0x38: {  	[tilespmem:s23+$0x70D0] =	vst v12  }
0x39: {  	[tilespmem:s23+$0x70E0] =	vst v12;
	_ =	sdelay $0x1  }
0x3a: {  	s23 =	sshra.s32 s26, $0x2  }
0x3b: {  	[tilespmem:s23+$0x7100] =	vst v12  }
0x3c: {  	[tilespmem:s23+$0x70F0] =	vst v12  }
0x3d: {  	[tilespmem:s23+$0x70D0] =	vst v12  }
0x3e: {  	[tilespmem:s23+$0x70E0] =	vst v12  }
0x3f: {  	[spmem:s7] =	stream.linear.scatter [tilespmem:s29], [sflag:$0x3], $0x1000, $0x38;
	[tilespmem:$0x11ED0] =	vst v63  }
0x40: {  	_ =	swait.ge [sflag:s30], $0x1000  }
0x41: {  	[sflag:s30] =	ssyncset.done $0x0  }
0x42: {  	[sflag:s30] =	ssyncadd.s32 $0xFFFFF000  }
0x43: {  	[spmem:s8] =	stream.linear.scatter [tilespmem:s29], [sflag:$0x3], $0x1000, $0x38;
	[tilespmem:$0x11ED0] =	vst v63  }
0x44: {  	_ =	swait.ge [sflag:s30], $0x1000  }
0x45: {  	[sflag:s30] =	ssyncset.done $0x0  }
0x46: {  	[sflag:s30] =	ssyncadd.s32 $0xFFFFF000  }
0x47: {  	[spmem:s9] =	stream.linear.scatter [tilespmem:s29], [sflag:$0x3], $0x1000, $0x38;
	[tilespmem:$0x11ED0] =	vst v63  }
0x48: {  	_ =	swait.ge [sflag:s30], $0x1000  }
0x49: {  	[sflag:s30] =	ssyncset.done $0x0  }
0x4a: {  	[sflag:s30] =	ssyncadd.s32 $0xFFFFF000  }
0x4b: {  	[spmem:s10] =	stream.linear.scatter [tilespmem:s29], [sflag:$0x3], $0x1000, $0x38;
	[tilespmem:$0x11ED0] =	vst v63  }
0x4c: {  	_ =	swait.ge [sflag:s30], $0x1000  }
0x4d: {  	[sflag:s30] =	ssyncset.done $0x0  }
0x4e: {  	[sflag:s30] =	ssyncadd.s32 $0xFFFFF000  }
0x4f: {  	[spmem:s11] =	stream.linear.scatter [tilespmem:s29], [sflag:$0x3], $0x1000, $0x38;
	[tilespmem:$0x11ED0] =	vst v63  }
0x50: {  	_ =	swait.ge [sflag:s30], $0x1000  }
0x51: {  	[sflag:s30] =	ssyncset.done $0x0  }
0x52: {  	[sflag:s30] =	ssyncadd.s32 $0xFFFFF000  }
0x53: {  	[spmem:s12] =	stream.linear.scatter [tilespmem:s29], [sflag:$0x3], $0x1000, $0x38;
	[tilespmem:$0x11ED0] =	vst v63  }
0x54: {  	_ =	swait.ge [sflag:s30], $0x1000  }
0x55: {  	[sflag:s30] =	ssyncset.done $0x0  }
0x56: {  	[sflag:s30] =	ssyncadd.s32 $0xFFFFF000  }
0x57: {  	[spmem:s13] =	stream.linear.scatter [tilespmem:s29], [sflag:$0x3], $0x1000, $0x38;
	[tilespmem:$0x11ED0] =	vst v63  }
0x58: {  	_ =	swait.ge [sflag:s30], $0x1000  }
0x59: {  	[sflag:s30] =	ssyncset.done $0x0  }
0x5a: {  	[sflag:s30] =	ssyncadd.s32 $0xFFFFF000  }
0x5b: {  	[spmem:s14] =	stream.linear.scatter [tilespmem:s29], [sflag:$0x3], $0x1000, $0x38;
	[tilespmem:$0x11ED0] =	vst v63  }
0x5c: {  	_ =	swait.ge [sflag:s30], $0x1000  }
0x5d: {  	[sflag:s30] =	ssyncset.done $0x0  }
0x5e: {  	[sflag:s30] =	ssyncadd.s32 $0xFFFFF000  }
0x5f: {  	[spmem:s15] =	stream.linear.scatter [tilespmem:s29], [sflag:$0x3], $0x1000, $0x38;
	[tilespmem:$0x11ED0] =	vst v63  }
0x60: {  	_ =	swait.ge [sflag:s30], $0x1000  }
0x61: {  	[sflag:s30] =	ssyncset.done $0x0  }
0x62: {  	[sflag:s30] =	ssyncadd.s32 $0xFFFFF000  }
0x63: {  	[spmem:s16] =	stream.linear.scatter [tilespmem:s29], [sflag:$0x3], $0xE00, $0x38;
	[tilespmem:$0x11ED0] =	vst v63  }
0x64: {  	_ =	swait.ge [sflag:s30], $0xE00  }
0x65: {  	[sflag:s30] =	ssyncset.done $0x0  }
0x66: {  	[sflag:s30] =	ssyncadd.s32 $0xFFFFF200  }
0x67: {  	_ =	swait.ge [sflag:s31], $0x1000  }
0x68: {  	[sflag:s31] =	ssyncset.done $0x0  }
0x69: {  	[sflag:s31] =	ssyncadd.s32 $0xFFFFF000  }
0x6a: {  	_ =	swait.ge [sflag:s31], $0x1000  }
0x6b: {  	[sflag:s31] =	ssyncset.done $0x0  }
0x6c: {  	[sflag:s31] =	ssyncadd.s32 $0xFFFFF000  }
0x6d: {  	_ =	swait.ge [sflag:s31], $0x1000  }
0x6e: {  	[sflag:s31] =	ssyncset.done $0x0  }
0x6f: {  	[sflag:s31] =	ssyncadd.s32 $0xFFFFF000  }
0x70: {  	_ =	swait.ge [sflag:s31], $0x1000  }
0x71: {  	[sflag:s31] =	ssyncset.done $0x0  }
0x72: {  	[sflag:s31] =	ssyncadd.s32 $0xFFFFF000  }
0x73: {  	_ =	swait.ge [sflag:s31], $0x1000  }
0x74: {  	[sflag:s31] =	ssyncset.done $0x0  }
0x75: {  	[sflag:s31] =	ssyncadd.s32 $0xFFFFF000  }
0x76: {  	_ =	swait.ge [sflag:s31], $0x1000  }
0x77: {  	[sflag:s31] =	ssyncset.done $0x0  }
0x78: {  	[sflag:s31] =	ssyncadd.s32 $0xFFFFF000  }
0x79: {  	[tilespmem:s0], [sflag:$0x3] =	stream.linear.gather [hbm4b:s17+s3], $0x10, $0x38;
	[tilespmem:$0x11ED0] =	vst v63  }
0x7a: {  	_ =	swait.ge [sflag:s30], $0x10  }
0x7b: {  	[sflag:s30] =	ssyncset.done $0x0  }
0x7c: {  	[sflag:s30] =	ssyncadd.s32 $0xFFFFFFF0  }
0x7d: {  	v13 =	vld [tilespmem:$0x60C0];
	_ =	sdelay $0x4  }
0x7e: {  	(v2sf) =	vpush v13, $0x0;
	_ =	sdelay $0xe  }
0x7f: {  	s24 =	spop (v2sf)  }
0x80: {  	s23 =	sadd.s32 $0x3F, s24  }
0x81: {  	s24 =	sand.u32 $0x3F, s23  }
0x82: {  	s26 =	sshra.s32 s23, $0x1F;
	p1 =	slt.s32 s23, $0x1;
	p0 =	sne.s32 s24, $0x0  }
0x83: {  	s24 =	sshrl.u32 s26, $0x1A;
	p0 =	por !p1, !p0  }
0x84: {  	s23 =	sadd.s32 s24, s23;
	s24 =	simm.s32 $0x1;
	p0 =	por !p0, !p0  }
0x85: {  	s23 =	sshra.s32 s23, $0x6;
	s24 =	simm.s32 @!p0 $0x0  }
0x86: {  	s26 =	ssub.s32 s23, s24  }
0x87: {  	p0 =	slt.s32 s26, $0x1  }
.Ltmp3:
0x88: {  	_ = 	snop;
	(pc) =	sbr.rel @p0 .LBB2_7-.Ltmp3, $2  }
0x89: {  	_ =	sdelay $0x1  }
0x8a: {  	[bflag:$0x0] =	sbarrier.arrive $0xFFFF;
	_ =	sdelay $0x1  }
0x8b: {  	s23 =	simm.s32 $0xC0  }
0x8c: {  	[tilespmem:s1], [sflag:$0x2] =	stream.indirect.gather [hbm4b:s4+s20], $0x40, s23, s20, $0xb8;
	[tilespmem:$0x11ED0] =	vst v63  }
0x8d: {  	p0 =	sne.s32 s26, $0x1;
	_ =	swait.ge [sflag:s21], $0x1000  }
.Ltmp4:
0x8e: {  	[sflag:s21] =	ssyncset.done $0x0;
	(pc) =	sbr.rel @!p0 .LBB2_6-.Ltmp4, $4  }
0x8f: {  	s24 =	simm.s32 $0x30C0;
	[sflag:s21] =	ssyncadd.s32 $0xFFFFF000  }
0x90: {  	[spmem:s2] =	stream.indirect.scatter.add.f32 [tilespmem:s1], [sflag:$0x3], $0x40, s24, s20, $0xb8;
	[tilespmem:$0x11ED0] =	vst v63  }
0x91: {  	_ =	swait.ge [sflag:s30], $0x1000  }
0x92: {  	s26 =	sadd.s32 $0xFFFFFFFF, s26;
	[sflag:s30] =	ssyncset.done $0x0  }
.LBB2_5:
0x93: {  	[sflag:s30] =	ssyncadd.s32 $0xFFFFF000;
	s23 =	sadd.s32 $0x40, s23;
	s24 =	sadd.s32 $0x40, s24  }
0x94: {  	[tilespmem:s1], [sflag:$0x2] =	stream.indirect.gather [hbm4b:s4+s20], $0x40, s23, s20, $0xb8;
	[tilespmem:$0x11ED0] =	vst v63  }
0x95: {  	p0 =	sne.s32 s26, $0x1;
	s26 =	sadd.s32 $0xFFFFFFFF, s26;
	_ =	swait.ge [sflag:s21], $0x1000  }
.Ltmp5:
0x96: {  	[sflag:s21] =	ssyncset.done $0x0;
	(pc) =	sbr.rel @p0 .LBB2_5-.Ltmp5, $4  }
0x97: {  	[sflag:s21] =	ssyncadd.s32 $0xFFFFF000  }
0x98: {  	[spmem:s2] =	stream.indirect.scatter.add.f32 [tilespmem:s1], [sflag:$0x3], $0x40, s24, s20, $0xb8;
	[tilespmem:$0x11ED0] =	vst v63  }
0x99: {  	_ =	swait.ge [sflag:s30], $0x1000  }
0x9a: {  	[sflag:s30] =	ssyncset.done $0x0  }
.Ltmp6:
0x9b: {  	_ = 	snop;
	(pc) =	sbr.rel .LBB2_6-.Ltmp6, $1  }
0x9c: {  	_ =	sdelay $0x3  }
.LBB2_8:
0x9d: {  	_ =	sfence.sel $0x180000  }
0x9e: {  	[bflag:$0x0] =	sbarrier.arrive $0xFFFF  }
0x9f: {  	_ =	strace $0x9000004D  }
0xa0: {  	s0 =	stileid.u32;
	[bflag:$0x2] =	sbarrier.arrive $0xFFFF  }
0xa1: {  	p0 =	sne.s32 s0, $0x0;
	s0 =	rddreg [dreg:$0x2]  }
0xa2: {  	s0 =	sadd.s32 @!p0 $0x100000, s0  }
0xa3: {  	[sflag:s0] =	ssyncadd.tile.s32 @!p0 $0x1;
	_ =	shalt  }
.Lfunc_end2:
_tile_overlayer_lowered:
.L_overlay_start_2:
0xa4: {  	(tag) =	ssettag $0x2  }
0xa5: {  	s0 =	rddreg [dreg:$0x0];
	s2 =	stileid.u32  }
0xa6: {  	s1 =	rddreg [dreg:$0x1];
	p0 =	sne.s32 s2, $0x0  }
0xa7: {  	s3 =	rddreg [dreg:$0x2];
	[bflag:$0x3] =	sbarrier.arrive $0xFFFF;
	s2 =	simm.s32 @!p0 $0x1C03  }
0xa8: {  	[timem:s3], [sflag:s2] =	dma.local @!p0 [hbm:s0], s1  }
0xa9: {  	s0 =	simm.s32 @!p0 $0x3  }
0xaa: {  	_ =	swait.ge @!p0 [sflag:s0], s1  }
0xab: {  	s1 =	ssub.s32 @!p0 $0x0, s1;
	[sflag:s0] =	ssyncset.done @!p0 $0x0  }
0xac: {  	[sflag:s0] =	ssyncadd.s32 @!p0 s1  }
0xad: {  	[bflag:$0x3] =	sbarrier.arrive $0xFFFF  }
0xae: {  	_ =	shalt  }

// kernel: kernel.8.cloned.1.call-start
scs
__scs_entry_jumppad:
0x0: {  	(pc) =	sbr.rel $0x88, $3  }
0x1: {  	(tag) =	ssettag $0x0;
	lr =	simm.s32 $0x1  }
0x2: {  	[smem:$0x3F88] =	sst lr;
	_ =	strace $0xD0000000  }
0x3: {  	_ = 	snop  }
0x4: {  	_ = 	snop  }
0x5: {  	_ = 	snop  }
0x6: {  	_ = 	snop  }
0x7: {  	_ = 	snop  }
__scs_overlays_trampoline_lowered:
0x8: {  	[smem:$0x3F97] =	sst s0  }
0x9: {  	[smem:$0x3F98] =	sst s1  }
0xa: {  	[smem:$0x3F99] =	sst s2  }
0xb: {  	[smem:$0x3F9A] =	sst s3  }
0xc: {  	[smem:$0x3F9B] =	sst s4  }
0xd: {  	[smem:$0x3F9C] =	sst s5  }
0xe: {  	[smem:$0x3F9D] =	sst s6  }
0xf: {  	[smem:$0x3F9E] =	sst s7  }
0x10: {  	[smem:$0x3F9F] =	sst s8  }
0x11: {  	[smem:$0x3FA0] =	sst s9;
	s0 =	simm.s32 @!p0 $0x0  }
0x12: {  	s1 =	sld [smem:$0x3F86];
	s0 =	simm.s32 @p0 $0x1  }
0x13: {  	[smem:$0x3FA1] =	sst s0;
	s0 =	simm.s32 @!p1 $0x0  }
0x14: {  	s2 =	sld [smem:$0x3F85];
	s0 =	simm.s32 @p1 $0x1  }
0x15: {  	[smem:$0x3FA2] =	sst s0;
	s0 =	simm.s32 @!p2 $0x0  }
0x16: {  	s3 =	sld [smem:$0x3FDB];
	s0 =	simm.s32 @p2 $0x1  }
0x17: {  	s4 =	simm.s32 $0x1BF5;
	[smem:$0x3FA4] =	sst s0  }
0x18: {  	s0 =	sld [smem:$0x3F87];
	_ =	swait.ge [sflag:s4], $0x0  }
0x19: {  	s7 =	sld [smem:$0x3F88]  }
0x1a: {  	s8 =	sadd.s32 $0xFFFFE003, lr  }
0x1b: {  	s9 =	sadd.s32 $0xFFFFFEF7, lr;
	s5 =	simm.s32 $0xFFFFFFFF;
	p2 =	slt.u32 s8, $0xFFFFF086  }
0x1c: {  	p1 =	slt.u32 s9, $0xF7A;
	s5 =	simm.s32 @!p2 $0x0  }
0x1d: {  	s5 =	simm.s32 @p1 $0x1;
	p0 =	seq.s32 s7, s2  }
0x1e: {  	s7 =	smul.u32 @!p0 $0xF7A, s2;
	p2 =	seq.s32 @!p0 s5, $0x0  }
0x1f: {  	s9 =	smul.u32 $0xF7A, s1;
	s8 =	simm.s32 @!p0 $0x1BF5;
	p2 =	por !p2, p0  }
0x20: {  	[sflag:s8] =	ssyncset.s32 @!p0 $0xFFFFF086;
	s6 =	sadd.s32 @!p0 s3, s7;
	s7 =	simm.s32 @!p0 $0x108  }
0x21: {  	s3 =	sadd.s32 s3, s9;
	s6 =	sadd.s32 @!p0 $0x88, s6;
	s7 =	simm.s32 @p2 $0x1082  }
0x22: {  	[simem:s7], [sflag:s8] =	dma.local @!p0 [hbm:s6], $0xF7A  }
0x23: {  	s9 =	sor.u32 $0xD0000000, s2;
	s6 =	simm.s32 $0x108;
	_ =	swait.ge @!p0 [sflag:s8], $0x0  }
0x24: {  	s3 =	sadd.s32 $0x88, s3;
	s6 =	simm.s32 @!p1 $0x1082;
	[sflag:s4] =	ssyncset.s32 $0xFFFFF086  }
0x25: {  	[simem:s6], [sflag:s4] =	dma.local [hbm:s3], $0xF7A  }
0x26: {  	[smem:$0x3F88] =	sst s1;
	(tag) =	ssettag s2;
	_ =	strace s9  }
0x27: {  	s1 =	sld [smem:$0x3F98]  }
0x28: {  	s2 =	sld [smem:$0x3F99]  }
0x29: {  	s4 =	sld [smem:$0x3F9B]  }
0x2a: {  	p0 =	seq.s32 s5, $0x0;
	s5 =	sld [smem:$0x3F9C]  }
0x2b: {  	s6 =	sld [smem:$0x3F9D]  }
0x2c: {  	s7 =	sld [smem:$0x3F9E]  }
0x2d: {  	s3 =	simm.s32 $0x108;
	s8 =	sld [smem:$0x3F9F]  }
0x2e: {  	s3 =	simm.s32 @!p0 $0x1082;
	s9 =	sld [smem:$0x3FA0]  }
0x2f: {  	lr =	sadd.s32 s0, s3;
	s0 =	sld [smem:$0x3F97]  }
0x30: {  	s3 =	sld [smem:$0x3F9A]  }
0x31: {  	[smem:$0x3FA3] =	sst s10  }
0x32: {  	s10 =	sld [smem:$0x3FA1];
	_ =	sdelay $0x3  }
0x33: {  	p0 =	seq.s32 s10, $0x1;
	s10 =	sld [smem:$0x3FA3];
	_ =	sdelay $0x3  }
0x34: {  	[smem:$0x3FA3] =	sst s10  }
0x35: {  	s10 =	sld [smem:$0x3FA2];
	_ =	sdelay $0x3  }
0x36: {  	p1 =	seq.s32 s10, $0x1;
	s10 =	sld [smem:$0x3FA3];
	_ =	sdelay $0x3  }
0x37: {  	[smem:$0x3FA3] =	sst s10  }
0x38: {  	s10 =	sld [smem:$0x3FA4]  }
0x39: {  	_ = 	snop;
	(pc) =	sbr.ind lr, $3  }
0x3a: {  	_ = 	snop  }
0x3b: {  	_ = 	snop  }
0x3c: {  	p2 =	seq.s32 s10, $0x1;
	s10 =	sld [smem:$0x3FA3]  }
0x3d: {  	_ =	shalt  }
0x3e: {  	_ =	shalt  }
0x3f: {  	_ =	shalt  }
0x40: {  	_ =	shalt  }
0x41: {  	_ =	shalt  }
0x42: {  	_ =	shalt  }
0x43: {  	_ =	shalt  }
0x44: {  	_ =	shalt  }
0x45: {  	_ =	shalt  }
0x46: {  	_ =	shalt  }
0x47: {  	_ =	shalt  }
0x48: {  	_ =	shalt  }
0x49: {  	_ =	shalt  }
0x4a: {  	_ =	shalt  }
0x4b: {  	_ =	shalt  }
0x4c: {  	_ =	shalt  }
0x4d: {  	_ =	shalt  }
0x4e: {  	_ =	shalt  }
0x4f: {  	_ =	shalt  }
0x50: {  	_ =	shalt  }
0x51: {  	_ =	shalt  }
0x52: {  	_ =	shalt  }
0x53: {  	_ =	shalt  }
0x54: {  	_ =	shalt  }
0x55: {  	_ =	shalt  }
0x56: {  	_ =	shalt  }
0x57: {  	_ =	shalt  }
0x58: {  	_ =	shalt  }
0x59: {  	_ =	shalt  }
0x5a: {  	_ =	shalt  }
0x5b: {  	_ =	shalt  }
0x5c: {  	_ =	shalt  }
0x5d: {  	_ =	shalt  }
0x5e: {  	_ =	shalt  }
0x5f: {  	_ =	shalt  }
0x60: {  	_ =	shalt  }
0x61: {  	_ =	shalt  }
0x62: {  	_ =	shalt  }
0x63: {  	_ =	shalt  }
0x64: {  	_ =	shalt  }
0x65: {  	_ =	shalt  }
0x66: {  	_ =	shalt  }
0x67: {  	_ =	shalt  }
0x68: {  	_ =	shalt  }
0x69: {  	_ =	shalt  }
0x6a: {  	_ =	shalt  }
0x6b: {  	_ =	shalt  }
0x6c: {  	_ =	shalt  }
0x6d: {  	_ =	shalt  }
0x6e: {  	_ =	shalt  }
0x6f: {  	_ =	shalt  }
0x70: {  	_ =	shalt  }
0x71: {  	_ =	shalt  }
0x72: {  	_ =	shalt  }
0x73: {  	_ =	shalt  }
0x74: {  	_ =	shalt  }
0x75: {  	_ =	shalt  }
0x76: {  	_ =	shalt  }
0x77: {  	_ =	shalt  }
0x78: {  	_ =	shalt  }
0x79: {  	_ =	shalt  }
0x7a: {  	_ =	shalt  }
0x7b: {  	_ =	shalt  }
0x7c: {  	_ =	shalt  }
0x7d: {  	_ =	shalt  }
0x7e: {  	_ =	shalt  }
0x7f: {  	_ =	shalt  }
0x80: {  	_ =	shalt  }
0x81: {  	_ =	shalt  }
0x82: {  	_ =	shalt  }
0x83: {  	_ =	shalt  }
0x84: {  	_ =	shalt  }
0x85: {  	_ =	shalt  }
0x86: {  	_ =	shalt  }
0x87: {  	_ =	shalt  }
.Lfunc_end0:
.L_simem_size_0:
called_computation_lowered:
.L_overlay_start_0:
0x88: {  	s2 =	sld [smem:$0x3FD9]  }
0x89: {  	s3 =	sld [smem:$0x3FFE];
	_ =	sdelay $0x1  }
0x8a: {  	s1 =	srdreg.scid  }
0x8b: {  	s0 =	sand.u32 $0x1, s1  }
0x8c: {  	s17 =	sshll.u32 s0, $0xA;
	s2 =	sadd.s32 s3, s2  }
0x8d: {  	s2 =	sadd.s32 s2, s17  }
0x8e: {  	[smem:$0x3FAF] =	sst s2  }
0x8f: {  	_ = 	snop  }
0x90: {  	s2 =	sld [smem:$0x3FD0];
	(tm) =	ssettm $0x1  }
0x91: {  	s18 =	sld [smem:$0x3FFB];
	_ =	sdelay $0x3  }
0x92: {  	_ =	strace s18  }
0x93: {  	s3 =	sld [smem:$0x3FFC];
	_ =	sdelay $0x3  }
0x94: {  	_ =	strace s3  }
0x95: {  	s3 =	sld [smem:$0x3FFD];
	_ =	sdelay $0x3  }
0x96: {  	_ =	strace s3  }
0x97: {  	_ =	strace $0x8FFFFFFF  }
0x98: {  	s19 =	sld [smem:$0x3FDB];
	_ =	sdelay $0x1  }
0x99: {  	s4 =	simm.s32 $_scs_section_size  }
0x9a: {  	s5 =	simm.s32 $_size__tile_overlayer_lowered;
	s6 =	simm.s32 $_tile_overlayer_lowered  }
0x9b: {  	s22 =	simm.s32 $0x1BFF;
	s21 =	sshll.u32 s6, $0x1;
	s3 =	sadd.s32 s4, s19  }
0x9c: {  	s7 =	simm.s32 $0x0;
	s20 =	sshll.u32 s5, $0x1;
	s5 =	sadd.s32 s21, s3  }
0x9d: {  	[timem:s7], [sflag:s22] =	dma.local [hbm:s5], s20  }
0x9e: {  	_ =	swait.ge [sflag:s22], s20  }
0x9f: {  	s4 =	ssub.s32 $0x0, s20;
	[sflag:s22] =	ssyncset.done $0x0  }
0xa0: {  	[sflag:s22] =	ssyncadd.s32 s4;
	_ =	sdelay $0x1  }
0xa1: {  	s23 =	simm.s32 $0x1B8B  }
0xa2: {  	_ =	swait.ge [sflag:s23], $0x1  }
0xa3: {  	[sflag:s23] =	ssyncset.done $0x0  }
0xa4: {  	s25 =	simm.s32 $0x1B8E;
	s24 =	sld [smem:$0x3FFE];
	[sflag:s23] =	ssyncadd.s32 $0xFFFFFFFF  }
0xa5: {  	s26 =	simm.s32 $execute0_lowered;
	[smem:$0x3FD2] =	sst s25  }
0xa6: {  	s5 =	sshll.u32 s26, $0x1;
	_ =	strace $0x80000046;
	[dreg:$0x1] =	wrdreg $0xFFFFFFFF  }
0xa7: {  	s28 =	simm.s32 $_size_execute0_lowered;
	s3 =	sadd.s32 s3, s5;
	[dreg:$0x0] =	wrdreg $0x0  }
0xa8: {  	s5 =	sshll.u32 s28, $0x1;
	[dreg:$0x2] =	wrdreg s3  }
0xa9: {  	[dreg:$0x3] =	wrdreg s5  }
0xaa: {  	[dreg:$0x4] =	wrdreg $0xC0  }
0xab: {  	_ =	task [dreg:s7], $0x5FFFF  }
0xac: {  	[dreg:$0x1] =	wrdreg $0xFFFFFFFF  }
0xad: {  	[dreg:$0x0] =	wrdreg $0x60  }
0xae: {  	[dreg:$0x2] =	wrdreg s24  }
0xaf: {  	[dreg:$0x3] =	wrdreg s2  }
0xb0: {  	[dreg:$0x4] =	wrdreg $0x9  }
0xb1: {  	_ =	task.clear_ibuf [dreg:s7], $0x5FFFF;
	_ =	strace $0x90000046  }
0xb2: {  	s29 =	simm.s32 $0x9;
	_ =	strace $0x80000048  }
0xb3: {  	_ =	swait.ge [sflag:s29], $0x1  }
0xb4: {  	[sflag:s29] =	ssyncadd.s32 $0xFFFFFFFF  }
0xb5: {  	_ =	strace $0x90000048  }
0xb6: {  	_ =	sfence  }
0xb7: {  	s30 =	sld [smem:$0x0];
	_ =	sdelay $0x2  }
0xb8: {  	s31 =	sshll.u32 s1, $0xD;
	s1 =	sshrl.u32 s1, $0x2  }
0xb9: {  	s3 =	sand.u32 $0x4000, s31;
	s1 =	sadd.s32 s1, s30  }
0xba: {  	s0 =	sor.u32 s3, s0;
	s1 =	sshll.u32 s1, $0x11  }
0xbb: {  	s0 =	sor.u32 s1, s0  }
0xbc: {  	s0 =	sadd.s32 $0x8F2B, s0  }
0xbd: {  	[sflag:s0] =	ssyncadd.remote.s32 $0x1  }
0xbe: {  	_ =	sfence.sel $0xFFFF  }
0xbf: {  	[dreg:$0x0] =	wrdreg $0xFFFFFFFF;
	(pc) =	sbr.abs _section_cstart, $3  }
0xc0: {  	[dreg:$0x1] =	wrdreg $0xFFFFFFFF  }
0xc1: {  	_ =	task.clear_ibuf [dreg:s7], $0x2FFFF;
	_ =	strace $0x9FFFFFFF  }
0xc2: {  	(tm) =	ssettm $0x7FFFFFFF  }
0xc3: {  	_ =	shalt  }
tec
execute0_lowered:
.L_overlay_start_1:
0x0: {  	(tag) =	ssettag $0x1  }
0x1: {  	s0 =	srdreg.scid;
	s1 =	rddreg [dreg:$0x0]  }
0x2: {  	s6 =	rddreg [dreg:$0x1];
	s4 =	stileid.u32;
	s2 =	simm.s32 $0x0  }
0x3: {  	s13 =	simm.s32 $0x40;
	s15 =	simm.s32 $0x1;
	s17 =	simm.s32 $0x8080  }
0x4: {  	s18 =	simm.s32 $0x2080;
	s19 =	simm.s32 $0x6080;
	s20 =	simm.s32 $0xA080  }
0x5: {  	s21 =	simm.s32 $0xC080;
	s22 =	simm.s32 $0xF080;
	s23 =	simm.s32 $0x12080  }
0x6: {  	v1 =	vimm.s32 $0x4B4A4948;
	s24 =	simm.s32 $0x15080;
	s26 =	simm.s32 $0x2;
	s0 =	sand.u32 $0x1, s0  }
0x7: {  	v2 =	vimm.s32 $0x4E4D4C;
	v3 =	vimm.s32 $0x43424140;
	v0 =	vlaneseq.u32;
	s28 =	simm.s32 $0x0;
	[smem:$0x7FF] =	sst s2;
	s3 =	sshll.u32 s0, $0x4  }
0x8: {  	s5 =	sadd.s32 $0x18000, s1;
	v4 =	vunpack.c.0.s8.s32 v1;
	v1 =	vimm.s32 $0x47464544;
	v5 =	vunpack.c.0.s8.s32 v2;
	_ =	strace $0x80000047;
	s7 =	sor.u32 s4, s3  }
0x9: {  	vm0 =	vcmask $0x1F10;
	v3 =	vunpack.c.0.s8.s32 v3;
	s0 =	ssub.s32 $0x2, s0;
	v6 =	vunpack.c.0.s8.s32 v1;
	s3 =	sadd.s32 $0xE200, s1;
	s8 =	smul.u32 $0x600, s7  }
0xa: {  	v7 =	vor.u32 $0x10, v0;
	s9 =	sshrl.u32 s0, $0x1;
	v4 =	vsel vm0, v5, v4;
	s31 =	sshll.u32 s7, $0x1;
	s25 =	smul.u32 $0x4F, s7  }
0xb: {  	s4 =	sadd.s32 $0x4400, s1;
	v5 =	vor.u32 $0x20, v0;
	s0 =	ssub.s32 s0, s9;
	v3 =	vsel vm0, v6, v3;
	v6 =	vor.u32 $0x30, v0;
	s6 =	sadd.s32 s6, s31  }
0xc: {  	s12 =	smax.u32 s0, $0x1;
	v8 =	vcombine.low v3, v4;
	s11 =	sadd.s32 s8, s1;
	s1 =	sadd.s32 s31, s1;
	v1 =	vmov s25;
	v2 =	vadd.s32 s25, v0  }
0xd: {  	v3 =	vadd.s32 s25, v7;
	v4 =	vadd.s32 s25, v5;
	v5 =	vadd.s32 s25, v6;
	s7 =	sadd.s32 $0x51E00, s1;
	s8 =	sadd.s32 $0x21E00, s11;
	s9 =	sadd.s32 $0x2DE00, s11  }
0xe: {  	v7 =	vimm.s32 $0x0;
	s10 =	sadd.s32 $0x39E00, s11;
	s11 =	sadd.s32 $0x45E00, s11;
	v6 =	vadd.s32 s25, v8;
	v8 =	vimm.s32 $0x2710;
	s25 =	simm.s32 $0x18080  }
.LBB2_1:
0xf: {  	[tilespmem:$0x0] =	vst v2  }
0x10: {  	[tilespmem:$0x10] =	vst v3  }
0x11: {  	[tilespmem:$0x20] =	vst v4  }
0x12: {  	[tilespmem:$0x30] =	vst v5  }
0x13: {  	[tilespmem:$0x40] =	vst v6  }
0x14: {  	[tilespmem:$0x50] =	vst v1  }
0x15: {  	[tilespmem:$0x60] =	vst v1  }
0x16: {  	[tilespmem:$0x70] =	vst v1;
	s0 =	simm.s32 $0x80  }
0x17: {  	[tilespmem:s0], [sflag:$0x1] =	stream.indirect.gather [hbm4b:s5+s13], $0x80, s2, s13, $0xb8;
	[tilespmem:$0x18090] =	vst v63  }
0x18: {  	_ =	swait.ge [sflag:s15], $0x2000  }
0x19: {  	[sflag:s15] =	ssyncset.done $0x0  }
0x1a: {  	s14 =	simm.s32 $0x4080;
	[sflag:s15] =	ssyncadd.s32 $0xFFFFE000  }
0x1b: {  	[tilespmem:s14], [sflag:$0x1] =	stream.indirect.gather [hbm4b:s3+s13], $0x80, s2, s13, $0xb8;
	[tilespmem:$0x18090] =	vst v63  }
0x1c: {  	_ =	swait.ge [sflag:s15], $0x2000  }
0x1d: {  	[sflag:s15] =	ssyncset.done $0x0  }
0x1e: {  	[sflag:s15] =	ssyncadd.s32 $0xFFFFE000  }
0x1f: {  	[tilespmem:s17], [sflag:$0x1] =	stream.indirect.gather [hbm4b:s4+s13], $0x80, s2, s13, $0xb8;
	[tilespmem:$0x18090] =	vst v63  }
0x20: {  	_ =	swait.ge [sflag:s15], $0x2000  }
0x21: {  	[sflag:s15] =	ssyncset.done $0x0  }
0x22: {  	[sflag:s15] =	ssyncadd.s32 $0xFFFFE000  }
0x23: {  	[tilespmem:s18], [sflag:$0x1] =	stream.indirect.gather [hbm4b:s5+s13], $0x80, s13, s13, $0xb8;
	[tilespmem:$0x18090] =	vst v63  }
0x24: {  	_ =	swait.ge [sflag:s15], $0x2000  }
0x25: {  	[sflag:s15] =	ssyncset.done $0x0  }
0x26: {  	[sflag:s15] =	ssyncadd.s32 $0xFFFFE000  }
0x27: {  	[tilespmem:s19], [sflag:$0x1] =	stream.indirect.gather [hbm4b:s3+s13], $0x80, s13, s13, $0xb8;
	[tilespmem:$0x18090] =	vst v63  }
0x28: {  	_ =	swait.ge [sflag:s15], $0x2000  }
0x29: {  	[sflag:s15] =	ssyncset.done $0x0  }
0x2a: {  	[sflag:s15] =	ssyncadd.s32 $0xFFFFE000  }
0x2b: {  	[tilespmem:s20], [sflag:$0x1] =	stream.indirect.gather [hbm4b:s4+s13], $0x80, s13, s13, $0xb8;
	[tilespmem:$0x18090] =	vst v63  }
0x2c: {  	_ =	swait.ge [sflag:s15], $0x2000  }
0x2d: {  	[sflag:s15] =	ssyncset.done $0x0  }
0x2e: {  	s16 =	simm.s32 $0x0;
	[sflag:s15] =	ssyncadd.s32 $0xFFFFE000  }
0x2f: {  	v9 =	vld [tilespmem:s16+$0x80];
	_ =	sdelay $0x4  }
0x30: {  	vm0 =	veq.s32 v9, $0x2  }
0x31: {  	v10 =	vsel vm0, $0x1, v7  }
0x32: {  	vm1 =	veq.s32 v9, $0x3;
	(xrf0) =	vadd.scan.msk.s32 $0xffff, v10  }
0x33: {  	v9 =	vsel vm1, $0x1, v7  }
0x34: {  	(xrf0) =	vadd.scan.msk.s32 $0xffff, v9  }
0x35: {  	v9 =	vmov s2  }
0x36: {  	v9 =	vadd.s32 $0xFFFFFFFF, v9  }
0x37: {  	v9 =	vbroadcast v9, $0x0  }
0x38: {  	v10, _, _ =	vpop (xrf0)  }
0x39: {  	v11 =	vld [tilespmem:s16+$0x4080];
	v12 =	vadd.s32 v10, v9;
	(v2sf) =	vpush v10, $0xF  }
0x3a: {  	v13 =	vld [tilespmem:s16+$0x8080];
	v10, _, _ =	vpop (xrf0)  }
0x3b: {  	v9 =	vadd.s32 v10, v9;
	(v2sf) =	vpush v10, $0xF;
	_ =	sdelay $0x2  }
0x3c: {  	[tilespmem:v12+s21+$0x0] =	vst.idx.msk vm0, v11  }
0x3d: {  	[tilespmem:v12+s22+$0x0] =	vst.idx.msk vm0, v13  }
0x3e: {  	[tilespmem:v9+s23+$0x0] =	vst.idx.msk vm1, v11  }
0x3f: {  	s29 =	simm.s32 $0x10;
	[tilespmem:v9+s24+$0x0] =	vst.idx.msk vm1, v13  }
0x40: {  	v9 =	vld [tilespmem:s29+$0x80];
	_ =	sdelay $0x4  }
0x41: {  	s31 =	simm.s32 $0x0;
	vm1 =	veq.s32 v9, $0x2;
	vm0 =	veq.s32 v9, $0x3  }
0x42: {  	s30 =	simm.s32 $0x0;
	s0 =	simm.s32 $0x80;
	v10 =	vsel vm1, $0x1, v7;
	v9 =	vsel vm0, $0x1, v7;
	s1 =	spop (v2sf)  }
.LBB2_2:
0x43: {  	s31 =	sadd.s32 s31, s1  }
0x44: {  	(xrf0) =	vadd.scan.msk.s32 $0xffff, v10;
	s1 =	spop (v2sf);
	s14 =	smov.u32 s0;
	s16 =	sadd.s32 $0x40, s0  }
0x45: {  	p0 =	sne.s32 s0, $0x9DC0;
	v10 =	vmov s31;
	(xrf0) =	vadd.scan.msk.s32 $0xffff, v9;
	s30 =	sadd.s32 s30, s1  }
0x46: {  	v9 =	vadd.s32 $0xFFFFFFFF, v10;
	v10 =	vmov s30  }
0x47: {  	v10 =	vadd.s32 $0xFFFFFFFF, v10;
	_ =	sdelay $0x1  }
0x48: {  	v9 =	vbroadcast v9, $0x0  }
0x49: {  	v11, _, _ =	vpop (xrf0)  }
0x4a: {  	v10 =	vbroadcast v10, $0x0;
	v12 =	vld [tilespmem:s29+$0x4080];
	v9 =	vadd.s32 v11, v9;
	(v2sf) =	vpush v11, $0xF;
	v11, _, _ =	vpop (xrf0)  }
0x4b: {  	v13 =	vld [tilespmem:s29+$0x8080];
	(v2sf) =	vpush v11, $0xF  }
0x4c: {  	v10 =	vadd.s32 v11, v10;
	_ =	sdelay $0x2  }
0x4d: {  	[tilespmem:v9+s21+$0x0] =	vst.idx.msk vm1, v12  }
0x4e: {  	[tilespmem:v9+s22+$0x0] =	vst.idx.msk vm1, v13  }
0x4f: {  	[tilespmem:v10+s23+$0x0] =	vst.idx.msk vm0, v12  }
0x50: {  	s29 =	sshra.s32 s14, $0x2;
	[tilespmem:v10+s24+$0x0] =	vst.idx.msk vm0, v13  }
0x51: {  	v9 =	vld [tilespmem:s29+$0x80];
	_ =	sdelay $0x1  }
.Ltmp0:
0x52: {  	(pc) =	sbr.rel @p0 .LBB2_2-.Ltmp0, $3  }
0x53: {  	_ =	sdelay $0x1  }
0x54: {  	vm1 =	veq.s32 v9, $0x2;
	vm0 =	veq.s32 v9, $0x3  }
0x55: {  	s0 =	smov.u32 s16;
	v10 =	vsel vm1, $0x1, v7;
	v9 =	vsel vm0, $0x1, v7;
	s1 =	spop (v2sf)  }
0x56: {  	(xrf0) =	vadd.scan.msk.s32 $0xffff, v10;
	_ =	sdelay $0x5  }
0x57: {  	v10, _, _ =	vpop (xrf0)  }
0x58: {  	(v2sf) =	vpush v10, $0xF  }
0x59: {  	(xrf0) =	vadd.scan.msk.s32 $0xffff, v9;
	_ =	sdelay $0x5  }
0x5a: {  	v9, _, _ =	vpop (xrf0)  }
0x5b: {  	s0 =	sadd.s32 s31, s1;
	(v2sf) =	vpush v9, $0xF  }
0x5c: {  	s16 =	spop (v2sf);
	v11 =	vmov s0  }
0x5d: {  	s1 =	sadd.s32 s30, s16;
	v11 =	vadd.s32 $0xFFFFFFFF, v11  }
0x5e: {  	v12 =	vmov s1;
	v11 =	vbroadcast v11, $0x0  }
0x5f: {  	v12 =	vadd.s32 $0xFFFFFFFF, v12  }
0x60: {  	v13 =	vld [tilespmem:s29+$0x4080];
	v10 =	vadd.s32 v10, v11;
	v11 =	vbroadcast v12, $0x0  }
0x61: {  	v63 =	vld [tilespmem:s29+$0x8080]  }
0x62: {  	v9 =	vadd.s32 v9, v11;
	s14 =	spop (v2sf)  }
0x63: {  	s0 =	sadd.s32 s0, s14  }
0x64: {  	v11 =	vadd.s32 s0, v0  }
0x65: {  	[tilespmem:v10+s21+$0x0] =	vst.idx.msk vm1, v13;
	s14 =	sadd.s32 $0x10, s0  }
0x66: {  	[tilespmem:v10+s22+$0x0] =	vst.idx.msk vm1, v63;
	v10 =	vadd.s32 s14, v0  }
0x67: {  	[tilespmem:v9+s23+$0x0] =	vst.idx.msk vm0, v13;
	s30 =	sadd.s32 $0x20, s0  }
0x68: {  	[tilespmem:v9+s24+$0x0] =	vst.idx.msk vm0, v63;
	v9 =	vadd.s32 s30, v0  }
0x69: {  	s31 =	sadd.s32 $0x30, s0;
	[tilespmem:v11+s21+$0x0] =	vst.idx.msk $0xffff, v7  }
0x6a: {  	s16 =	spop (v2sf);
	[tilespmem:v11+s22+$0x0] =	vst.idx.msk $0xffff, v8;
	v11 =	vadd.s32 s31, v0  }
0x6b: {  	s1 =	sadd.s32 s1, s16;
	[tilespmem:v10+s21+$0x0] =	vst.idx.msk $0xffff, v7  }
0x6c: {  	[tilespmem:v10+s22+$0x0] =	vst.idx.msk $0xffff, v8;
	v10 =	vadd.s32 s1, v0  }
0x6d: {  	s29 =	sadd.s32 $0x10, s1;
	[tilespmem:v9+s21+$0x0] =	vst.idx.msk $0xffff, v7  }
0x6e: {  	[tilespmem:v9+s22+$0x0] =	vst.idx.msk $0xffff, v8;
	v9 =	vadd.s32 s29, v0  }
0x6f: {  	s30 =	sadd.s32 $0x20, s1;
	[tilespmem:v11+s21+$0x0] =	vst.idx.msk $0xffff, v7  }
0x70: {  	[tilespmem:v11+s22+$0x0] =	vst.idx.msk $0xffff, v8;
	v11 =	vadd.s32 s30, v0  }
0x71: {  	s31 =	sadd.s32 $0x30, s1;
	[tilespmem:v10+s23+$0x0] =	vst.idx.msk $0xffff, v7  }
0x72: {  	[tilespmem:v10+s24+$0x0] =	vst.idx.msk $0xffff, v8;
	v10 =	vadd.s32 s31, v0  }
0x73: {  	[tilespmem:v9+s23+$0x0] =	vst.idx.msk $0xffff, v7  }
0x74: {  	[tilespmem:v9+s24+$0x0] =	vst.idx.msk $0xffff, v8  }
0x75: {  	[tilespmem:v11+s23+$0x0] =	vst.idx.msk $0xffff, v7  }
0x76: {  	[tilespmem:v11+s24+$0x0] =	vst.idx.msk $0xffff, v8  }
0x77: {  	[tilespmem:v10+s23+$0x0] =	vst.idx.msk $0xffff, v7  }
0x78: {  	v9 =	vmov s0;
	[tilespmem:v10+s24+$0x0] =	vst.idx.msk $0xffff, v8  }
0x79: {  	[tilespmem:$0x18080] =	vst v9  }
0x7a: {  	[hbm4b:s6+s2] =	stream.linear.scatter [tilespmem:s25], [sflag:$0x2], $0x10, $0x38;
	[tilespmem:$0x18090] =	vst v63  }
0x7b: {  	_ =	swait.ge [sflag:s26], $0x10  }
0x7c: {  	[sflag:s26] =	ssyncset.done $0x0  }
0x7d: {  	v9 =	vmov s1;
	[sflag:s26] =	ssyncadd.s32 $0xFFFFFFF0  }
0x7e: {  	[tilespmem:$0x18080] =	vst v9  }
0x7f: {  	[hbm4b:s7+s2] =	stream.linear.scatter [tilespmem:s25], [sflag:$0x2], $0x10, $0x38;
	[tilespmem:$0x18090] =	vst v63  }
0x80: {  	_ =	swait.ge [sflag:s26], $0x10  }
0x81: {  	[sflag:s26] =	ssyncset.done $0x0  }
0x82: {  	[sflag:s26] =	ssyncadd.s32 $0xFFFFFFF0  }
0x83: {  	[hbm4b:s8+s2] =	stream.linear.scatter [tilespmem:s21], [sflag:$0x2], $0x3000, $0x38;
	[tilespmem:$0x18090] =	vst v63  }
0x84: {  	_ =	swait.ge [sflag:s26], $0x3000  }
0x85: {  	[sflag:s26] =	ssyncset.done $0x0  }
0x86: {  	[sflag:s26] =	ssyncadd.s32 $0xFFFFD000  }
0x87: {  	[hbm4b:s9+s2] =	stream.linear.scatter [tilespmem:s22], [sflag:$0x2], $0x3000, $0x38;
	[tilespmem:$0x18090] =	vst v63  }
0x88: {  	_ =	swait.ge [sflag:s26], $0x3000  }
0x89: {  	[sflag:s26] =	ssyncset.done $0x0  }
0x8a: {  	[sflag:s26] =	ssyncadd.s32 $0xFFFFD000  }
0x8b: {  	[hbm4b:s10+s2] =	stream.linear.scatter [tilespmem:s23], [sflag:$0x2], $0x3000, $0x38;
	[tilespmem:$0x18090] =	vst v63  }
0x8c: {  	s28 =	sadd.s32 $0x1, s28;
	_ =	swait.ge [sflag:s26], $0x3000  }
0x8d: {  	p0 =	sne.s32 s28, s12;
	[sflag:s26] =	ssyncset.done $0x0  }
.Ltmp1:
0x8e: {  	[sflag:s26] =	ssyncadd.s32 $0xFFFFD000;
	(pc) =	sbr.rel @p0 .LBB2_1-.Ltmp1, $4  }
0x8f: {  	[hbm4b:s11+s2] =	stream.linear.scatter [tilespmem:s24], [sflag:$0x2], $0x3000, $0x38;
	[tilespmem:$0x18090] =	vst v63  }
0x90: {  	_ =	swait.ge [sflag:s26], $0x3000  }
0x91: {  	[sflag:s26] =	ssyncset.done $0x0  }
0x92: {  	[sflag:s26] =	ssyncadd.s32 $0xFFFFD000  }
0x93: {  	_ =	sfence.sel $0x180000  }
0x94: {  	[bflag:$0x0] =	sbarrier.arrive $0xFFFF  }
0x95: {  	_ =	strace $0x90000047  }
0x96: {  	s0 =	stileid.u32;
	[bflag:$0x2] =	sbarrier.arrive $0xFFFF  }
0x97: {  	p0 =	sne.s32 s0, $0x0;
	s0 =	rddreg [dreg:$0x2]  }
0x98: {  	s0 =	sadd.s32 @!p0 $0x100000, s0  }
0x99: {  	[sflag:s0] =	ssyncadd.tile.s32 @!p0 $0x1;
	_ =	shalt  }
.Lfunc_end2:
_tile_overlayer_lowered:
.L_overlay_start_2:
0x9a: {  	(tag) =	ssettag $0x2  }
0x9b: {  	s0 =	rddreg [dreg:$0x0];
	s2 =	stileid.u32  }
0x9c: {  	s1 =	rddreg [dreg:$0x1];
	p0 =	sne.s32 s2, $0x0  }
0x9d: {  	s3 =	rddreg [dreg:$0x2];
	[bflag:$0x3] =	sbarrier.arrive $0xFFFF;
	s2 =	simm.s32 @!p0 $0x1C02  }
0x9e: {  	[timem:s3], [sflag:s2] =	dma.local @!p0 [hbm:s0], s1  }
0x9f: {  	s0 =	simm.s32 @!p0 $0x2  }
0xa0: {  	_ =	swait.ge @!p0 [sflag:s0], s1  }
0xa1: {  	s1 =	ssub.s32 @!p0 $0x0, s1;
	[sflag:s0] =	ssyncset.done @!p0 $0x0  }
0xa2: {  	[sflag:s0] =	ssyncadd.s32 @!p0 s1  }
0xa3: {  	[bflag:$0x3] =	sbarrier.arrive $0xFFFF  }
0xa4: {  	_ =	shalt  }

</sc_bundles>
